<compile_context>
chip_gen: v7x
topology: tpu7x:2x2x1
jax: 0.10.2.dev20260603
libtpu: 0.0.44.dev20260713+nightly
codegen_flags: <defaults>
</compile_context>

<pallas_src>
import functools

import jax
import jax.numpy as jnp
from jax import lax
from jax.experimental import pallas as pl
from jax.experimental.pallas import tpu as pltpu
from jax.experimental.pallas import tpu_sc as plsc

N = 10000
IN_FEATS = 256
OUT_FEATS = 64
HEADS = 8
HID = HEADS * OUT_FEATS
SEM_HID = 128
E = 160000

_NB = 1000
_K = 128
_NSUB = 16
_NCORE = 2
_NBLK = E // _K
_BLK_LO = _NBLK // _NSUB
_NREM = _NBLK - _BLK_LO * _NSUB
_ZR = 1000


def _proj_body(h_ref, Wp_ref, Alp_ref, Arp_ref, Ws_ref, Als_ref, Ars_ref,
               fp_ref, elp_ref, erp_ref, fs_ref, els_ref, ers_ref):
    h = h_ref[...]
    fp = jnp.dot(h, Wp_ref[...], preferred_element_type=jnp.float32)
    fs = jnp.dot(h, Ws_ref[...], preferred_element_type=jnp.float32)
    fp_ref[...] = fp
    fs_ref[...] = fs
    elp_ref[...] = jnp.dot(fp, Alp_ref[...], preferred_element_type=jnp.float32)
    erp_ref[...] = jnp.dot(fp, Arp_ref[...], preferred_element_type=jnp.float32)
    els_ref[...] = jnp.dot(fs, Als_ref[...], preferred_element_type=jnp.float32)
    ers_ref[...] = jnp.dot(fs, Ars_ref[...], preferred_element_type=jnp.float32)


def _projections(h_P, W_pap, Al_pap, Ar_pap, W_psp, Al_psp, Ar_psp):
    grid = (N // _NB,)
    bspec_h = pl.BlockSpec((_NB, IN_FEATS), lambda i: (i, 0))
    bspec_W = pl.BlockSpec((IN_FEATS, HID), lambda i: (0, 0))
    bspec_A = pl.BlockSpec((HID, HEADS), lambda i: (0, 0))
    bspec_f = pl.BlockSpec((_NB, HID), lambda i: (i, 0))
    bspec_e = pl.BlockSpec((_NB, HEADS), lambda i: (i, 0))
    out_shape = (
        jax.ShapeDtypeStruct((N, HID), jnp.float32),
        jax.ShapeDtypeStruct((N, HEADS), jnp.float32),
        jax.ShapeDtypeStruct((N, HEADS), jnp.float32),
        jax.ShapeDtypeStruct((N, HID), jnp.float32),
        jax.ShapeDtypeStruct((N, HEADS), jnp.float32),
        jax.ShapeDtypeStruct((N, HEADS), jnp.float32),
    )
    return pl.pallas_call(
        _proj_body,
        grid=grid,
        in_specs=[bspec_h, bspec_W, bspec_A, bspec_A, bspec_W, bspec_A, bspec_A],
        out_specs=(bspec_f, bspec_e, bspec_e, bspec_f, bspec_e, bspec_e),
        out_shape=out_shape,
    )(h_P, W_pap, Al_pap, Ar_pap, W_psp, Al_psp, Ar_psp)


_GDN = lax.GatherDimensionNumbers(
    offset_dims=(), collapsed_slice_dims=(0,), start_index_map=(0,))


def _sc_edge_body(el2_hbm, er2_hbm, feat_hbm, src_hbm, dst_hbm, z128_hbm,
                  z16_hbm, Ut_hbm, s_hbm,
                  src_v, src2_v, dst_v, a_v, b_v, ex_v, feat_v, U_sh, s_sh,
                  sem_a, sem_b, sem_f):
    core = lax.axis_index("c")
    sub = lax.axis_index("s")
    nblk = jnp.where(sub < _NREM, _BLK_LO + 1, _BLK_LO)
    blk0 = sub * _BLK_LO + jnp.minimum(sub, _NREM)

    for p in range(2):
        g = 2 * core + p
        h0 = 2 * g
        hsel0 = jnp.full((16,), h0, jnp.int32)[:, None]
        hsel1 = jnp.full((16,), h0 + 1, jnp.int32)[:, None]

        @pl.when(sub < 10)
        def _zero_u():
            pltpu.sync_copy(z128_hbm, U_sh.at[pl.ds(sub * _ZR, _ZR)])
        if p == 0:
            @pl.when(sub < 10)
            def _zero_s():
                pltpu.sync_copy(z16_hbm, s_sh.at[pl.ds(sub * _ZR, _ZR)])
        plsc.subcore_barrier()

        def _block(j, carry):
            base = (blk0 + j) * _K
            pltpu.sync_copy(src_hbm.at[pl.ds(base, _K)], src_v)
            pltpu.sync_copy(dst_hbm.at[pl.ds(base, _K)], dst_v)
            cp_a = pltpu.async_copy(el2_hbm.at[src_v], a_v, sem_a)
            cp_b = pltpu.async_copy(er2_hbm.at[dst_v], b_v, sem_b)

            def _shift(i, c):
                src2_v[pl.ds(i * 16, 16)] = src_v[pl.ds(i * 16, 16)] + g * N
                return c
            lax.fori_loop(0, _K // 16, _shift, 0)
            cp_f = pltpu.async_copy(feat_hbm.at[src2_v], feat_v, sem_f)
            cp_a.wait()
            cp_b.wait()
            cp_f.wait()

            def _edge(k, c):
                x = a_v[k, pl.ds(0, 16)] + b_v[k, pl.ds(0, 16)]
                ex = jnp.exp(jnp.maximum(x, 0.2 * x))
                ex_v[k, pl.ds(0, 16)] = ex
                b0 = lax.gather(ex, hsel0, _GDN, (1,),
                                mode=lax.GatherScatterMode.PROMISE_IN_BOUNDS)
                b1 = lax.gather(ex, hsel1, _GDN, (1,),
                                mode=lax.GatherScatterMode.PROMISE_IN_BOUNDS)
                for v in range(8):
                    bv = b0 if v < 4 else b1
                    feat_v[k, pl.ds(v * 16, 16)] = (
                        feat_v[k, pl.ds(v * 16, 16)] * bv)
                return c
            lax.fori_loop(0, _K, _edge, 0)

            if p == 0:
                pltpu.sync_copy(ex_v, s_sh.at[dst_v], add=True)
            pltpu.sync_copy(feat_v, U_sh.at[dst_v], add=True)
            return carry
        lax.fori_loop(0, nblk, _block, 0)
        plsc.subcore_barrier()

        @pl.when(sub < 10)
        def _out_u():
            pltpu.sync_copy(U_sh.at[pl.ds(sub * _ZR, _ZR)],
                            Ut_hbm.at[pl.ds(g * N + sub * _ZR, _ZR)])
        if p == 0:
            @pl.when(jnp.logical_and(core == 0, sub < 10))
            def _out_s():
                pltpu.sync_copy(s_sh.at[pl.ds(sub * _ZR, _ZR)],
                                s_hbm.at[pl.ds(sub * _ZR, _ZR)])
        plsc.subcore_barrier()


_sc_edge = functools.partial(
    pl.kernel,
    _sc_edge_body,
    out_type=(
        jax.ShapeDtypeStruct((4 * N, 128), jnp.float32),
        jax.ShapeDtypeStruct((N, 16), jnp.float32),
    ),
    mesh=plsc.VectorSubcoreMesh(core_axis_name="c", subcore_axis_name="s"),
    scratch_types=[
        pltpu.VMEM((_K,), jnp.int32),
        pltpu.VMEM((_K,), jnp.int32),
        pltpu.VMEM((_K,), jnp.int32),
        pltpu.VMEM((_K, 16), jnp.float32),
        pltpu.VMEM((_K, 16), jnp.float32),
        pltpu.VMEM((_K, 16), jnp.float32),
        pltpu.VMEM((_K, 128), jnp.float32),
        pltpu.VMEM_SHARED((N, 128), jnp.float32),
        pltpu.VMEM_SHARED((N, 16), jnp.float32),
        pltpu.SemaphoreType.DMA,
        pltpu.SemaphoreType.DMA,
        pltpu.SemaphoreType.DMA,
    ],
    compiler_params=pltpu.CompilerParams(use_tc_tiling_on_sc=False),
)()


def _edge_phase(feat, el, er, src, dst, z128, z16):
    feat_t = feat.reshape(N, 4, 128).transpose(1, 0, 2).reshape(4 * N, 128)
    el2 = jnp.tile(el, (1, 2))
    er2 = jnp.tile(er, (1, 2))
    Ut, s16 = _sc_edge(el2, er2, feat_t, src, dst, z128, z16)
    U = Ut.reshape(4, N, 128).transpose(1, 0, 2).reshape(N, HEADS, OUT_FEATS)
    return (U / (s16[:, :HEADS, None] + 1e-9)).reshape(N, HID)


def kernel(h_P, edge_index_pap, edge_index_psp, W_pap, al_pap, ar_pap, b_pap,
           W_psp, al_psp, ar_psp, b_psp, W1, b1, W2):
    eye = jnp.eye(HEADS, dtype=jnp.float32)
    Al_pap = (al_pap[:, :, None] * eye[:, None, :]).reshape(HID, HEADS)
    Ar_pap = (ar_pap[:, :, None] * eye[:, None, :]).reshape(HID, HEADS)
    Al_psp = (al_psp[:, :, None] * eye[:, None, :]).reshape(HID, HEADS)
    Ar_psp = (ar_psp[:, :, None] * eye[:, None, :]).reshape(HID, HEADS)

    fp, elp, erp, fs, els, ers = _projections(
        h_P, W_pap, Al_pap, Ar_pap, W_psp, Al_psp, Ar_psp)

    sp = edge_index_pap[0].astype(jnp.int32)
    dp = edge_index_pap[1].astype(jnp.int32)
    ss = edge_index_psp[0].astype(jnp.int32)
    ds = edge_index_psp[1].astype(jnp.int32)

    z128 = jnp.zeros((_ZR, 128), jnp.float32)
    z16 = jnp.zeros((_ZR, 16), jnp.float32)

    agg_pap = _edge_phase(fp, elp, erp, sp, dp, z128, z16)
    agg_psp = _edge_phase(fs, els, ers, ss, ds, z128, z16)

    emb_pap = jax.nn.elu(agg_pap + b_pap[None, :])
    emb_psp = jax.nn.elu(agg_psp + b_psp[None, :])

    stacked = jnp.stack([emb_pap, emb_psp], axis=1)
    w = (jnp.tanh(stacked @ W1 + b1) @ W2).mean(0)
    beta = jax.nn.softmax(w, axis=0)
    fused = (beta[None, :, :] * stacked).sum(1)
    return emb_pap, emb_psp, fused, beta

# --- scband reference (transcript-rebuilt; emitter-appended) ---
"""Pipeline reference for scband-hetero-hanlayer2-90701119357074 (READ-ONLY COPY).

The authoritative reference and input builder live on the scoring server;
editing this copy changes nothing except your own understanding.
"""

import jax, jax.numpy as jnp
import numpy as np

N = 10000
IN_FEATS = 256
OUT_FEATS = 64
HEADS = 8
HID = HEADS * OUT_FEATS  # 512
SEM_HID = 128
E = 160000


def _gat(h, ei, W, al, ar, b):
    # DGL-style GATConv, single node set (src==dst type 'P'), dropout=0.0
    n = h.shape[0]
    feat = (h @ W).reshape(n, HEADS, OUT_FEATS)
    src, dst = ei[0], ei[1]
    el = (feat * al[None]).sum(-1)  # [N, H]
    er = (feat * ar[None]).sum(-1)  # [N, H]
    e = jax.nn.leaky_relu(el[src] + er[dst], 0.2)  # [E, H]
    m = jax.ops.segment_max(e, dst, num_segments=n)
    m = jnp.where(jnp.isfinite(m), m, 0.0)
    ex = jnp.exp(e - m[dst])
    s = jax.ops.segment_sum(ex, dst, num_segments=n)
    alpha = ex / (s[dst] + 1e-9)  # edge softmax over dst
    msg = feat[src] * alpha[:, :, None]  # [E, H, F]
    out = jax.ops.segment_sum(msg, dst, num_segments=n)
    out = out + b.reshape(1, HEADS, OUT_FEATS)
    out = jax.nn.elu(out)  # activation=elu
    return out.reshape(n, HID)  # flatten(1)


def _semantic_attention(z, W1, b1, W2):
    # z: [N, M, HID]
    w = (jnp.tanh(z @ W1 + b1) @ W2).mean(0)  # [M, 1]
    beta = jax.nn.softmax(w, axis=0)  # [M, 1]
    beta1 = jnp.broadcast_to(beta[None], (z.shape[0],) + beta.shape)
    product = beta1 * z
    return product.sum(1), beta


def setup_inputs(seed: int = 0) -> dict:
    key = jax.random.key(seed)
    ks = jax.random.split(key, 16)
    h_P = jax.random.normal(ks[0], (N, IN_FEATS), dtype=jnp.float32)
    edge_index_pap = jax.random.randint(ks[1], (2, E), 0, N, dtype=jnp.int64 if jax.config.jax_enable_x64 else jnp.int32)
    edge_index_psp = jax.random.randint(ks[2], (2, E), 0, N, dtype=jnp.int64 if jax.config.jax_enable_x64 else jnp.int32)
    sc = 0.05
    W_pap = jax.random.normal(ks[3], (IN_FEATS, HID), dtype=jnp.float32) * sc
    al_pap = jax.random.normal(ks[4], (HEADS, OUT_FEATS), dtype=jnp.float32) * sc
    ar_pap = jax.random.normal(ks[5], (HEADS, OUT_FEATS), dtype=jnp.float32) * sc
    b_pap = jnp.zeros((HID,), dtype=jnp.float32)
    W_psp = jax.random.normal(ks[6], (IN_FEATS, HID), dtype=jnp.float32) * sc
    al_psp = jax.random.normal(ks[7], (HEADS, OUT_FEATS), dtype=jnp.float32) * sc
    ar_psp = jax.random.normal(ks[8], (HEADS, OUT_FEATS), dtype=jnp.float32) * sc
    b_psp = jnp.zeros((HID,), dtype=jnp.float32)
    W1 = jax.random.normal(ks[9], (HID, SEM_HID), dtype=jnp.float32) * sc
    b1 = jnp.zeros((SEM_HID,), dtype=jnp.float32)
    W2 = jax.random.normal(ks[10], (SEM_HID, 1), dtype=jnp.float32) * sc
    return {"h_P": h_P, "edge_index_pap": edge_index_pap, "edge_index_psp": edge_index_psp,
            "W_pap": W_pap, "al_pap": al_pap, "ar_pap": ar_pap, "b_pap": b_pap,
            "W_psp": W_psp, "al_psp": al_psp, "ar_psp": ar_psp, "b_psp": b_psp,
            "W1": W1, "b1": b1, "W2": W2}


def reference(h_P, edge_index_pap, edge_index_psp,
              W_pap, al_pap, ar_pap, b_pap,
              W_psp, al_psp, ar_psp, b_psp,
              W1, b1, W2):
    # metapaths [['P-P@PAP'], ['P-P@PSP']]: both src='P', dst='P'
    emb_pap = _gat(h_P, edge_index_pap, W_pap, al_pap, ar_pap, b_pap)
    emb_psp = _gat(h_P, edge_index_psp, W_psp, al_psp, ar_psp, b_psp)
    stacked = jnp.stack([emb_pap, emb_psp], axis=1)  # [N, 2, HID]
    fused, beta = _semantic_attention(stacked, W1, b1, W2)
    return emb_pap, emb_psp, fused, beta

if __name__ == "__main__":
    import jax
    _d = setup_inputs()
    print(jax.jit(kernel)(*tuple(_d.values())))

</pallas_src>

<mosaic_0001>
#map = affine_map<(d0, d1) -> (0, 0)>
#map1 = affine_map<(d0, d1) -> (0)>
module attributes {stable_mosaic.version = 14 : i64} {
  func.func @_sc_edge_body(%arg0: i32, %arg1: i32, %arg2: memref<10000x16xf32, #tpu.memory_space<hbm>>, %arg3: memref<10000x16xf32, #tpu.memory_space<hbm>>, %arg4: memref<40000x128xf32, #tpu.memory_space<hbm>>, %arg5: memref<160000xi32, #tpu.memory_space<hbm>>, %arg6: memref<160000xi32, #tpu.memory_space<hbm>>, %arg7: memref<1000x128xf32, #tpu.memory_space<hbm>>, %arg8: memref<1000x16xf32, #tpu.memory_space<hbm>>, %arg9: memref<40000x128xf32, #tpu.memory_space<hbm>>, %arg10: memref<10000x16xf32, #tpu.memory_space<hbm>>, %arg11: memref<128xi32, #tpu.memory_space<vmem>>, %arg12: memref<128xi32, #tpu.memory_space<vmem>>, %arg13: memref<128xi32, #tpu.memory_space<vmem>>, %arg14: memref<128x16xf32, #tpu.memory_space<vmem>>, %arg15: memref<128x16xf32, #tpu.memory_space<vmem>>, %arg16: memref<128x16xf32, #tpu.memory_space<vmem>>, %arg17: memref<128x128xf32, #tpu.memory_space<vmem>>, %arg18: memref<10000x128xf32, #tpu.memory_space<vmem_shared>>, %arg19: memref<10000x16xf32, #tpu.memory_space<vmem_shared>>, %arg20: memref<!tpu.dma_semaphore, #tpu.memory_space<semaphore_mem>>, %arg21: memref<!tpu.dma_semaphore, #tpu.memory_space<semaphore_mem>>, %arg22: memref<!tpu.dma_semaphore, #tpu.memory_space<semaphore_mem>>) attributes {dimension_semantics = [#tpu.dimension_semantics<core_parallel>, #tpu.dimension_semantics<subcore_parallel>], iteration_bounds = array<i64: 2, 16>, scalar_prefetch = 0 : i64, scratch_operands = 12 : i64, tpu.core_type = #tpu.core_type<sc_vector_subcore>, window_params = [{transform_indices = #map}, {transform_indices = #map}, {transform_indices = #map}, {transform_indices = #map1}, {transform_indices = #map1}, {transform_indices = #map}, {transform_indices = #map}, {transform_indices = #map}, {transform_indices = #map}]} {
    %lt3A = arith.constant 2 : i32
    %lt3A_0 = arith.cmpi slt, %arg1, %lt3A : i32
    %jit3A = arith.constant 79 : i32
    %jit3A_1 = arith.constant 78 : i32
    %select_n3A = arith.select %lt3A_0, %jit3A, %jit3A_1 : i32
    %mul3A = arith.constant 78 : i32
    %mul3A_2 = arith.muli %arg1, %mul3A : i32
    %min3A = arith.constant 2 : i32
    %min3A_3 = arith.minsi %arg1, %min3A : i32
    %add3A = arith.addi %mul3A_2, %min3A_3 : i32
    %mul3A_4 = arith.constant 2 : i32
    %mul3A_5 = arith.muli %mul3A_4, %arg0 : i32
    %add3A_6 = arith.constant 0 : i32
    %add3A_7 = arith.addi %mul3A_5, %add3A_6 : i32
    %mul3A_8 = arith.constant 2 : i32
    %mul3A_9 = arith.muli %mul3A_8, %add3A_7 : i32
    %broadcast_in_dim3A = vector.broadcast %mul3A_9 : i32 to vector<16xi32>
    %broadcast_in_dim3A_10 = vector.shape_cast %broadcast_in_dim3A : vector<16xi32> to vector<16x1xi32>
    %add3A_11 = arith.constant 1 : i32
    %add3A_12 = arith.addi %mul3A_9, %add3A_11 : i32
    %broadcast_in_dim3A_13 = vector.broadcast %add3A_12 : i32 to vector<16xi32>
    %broadcast_in_dim3A_14 = vector.shape_cast %broadcast_in_dim3A_13 : vector<16xi32> to vector<16x1xi32>
    %lt3A_15 = arith.constant 10 : i32
    %lt3A_16 = arith.cmpi slt, %arg1, %lt3A_15 : i32
    %convert_element_type3A = arith.extui %lt3A_16 : i1 to i32
    %cond3A = arith.constant 0 : i32
    %cond3A_17 = arith.cmpi ne, %convert_element_type3A, %cond3A : i32
    scf.if %cond3A_17 {
      %mul3A_80 = arith.constant 1000 : i32
      %mul3A_81 = arith.muli %arg1, %mul3A_80 : i32
      "tpu.region"() ({
        %run_scoped3A = tpu.sem_alloc : memref<!tpu.dma_semaphore, #tpu.memory_space<semaphore_mem>>
        %dma_start3A = arith.constant 0 : i32
        %dma_start3A_82 = tpu.memref_slice %arg18[%mul3A_81, %dma_start3A] : memref<10000x128xf32, #tpu.memory_space<vmem_shared>> -> memref<1000x128xf32, #tpu.memory_space<vmem_shared>>
        tpu.enqueue_dma source(%arg7 : memref<1000x128xf32, #tpu.memory_space<hbm>>) target(%dma_start3A_82 : memref<1000x128xf32, #tpu.memory_space<vmem_shared>>) target_semaphore(%run_scoped3A : memref<!tpu.dma_semaphore, #tpu.memory_space<semaphore_mem>>)
        %dma_wait3A = arith.constant 0 : i32
        %dma_wait3A_83 = tpu.memref_slice %arg18[%mul3A_81, %dma_wait3A] : memref<10000x128xf32, #tpu.memory_space<vmem_shared>> -> memref<1000x128xf32, #tpu.memory_space<vmem_shared>>
        tpu.wait_dma2 semaphore(%run_scoped3A : memref<!tpu.dma_semaphore, #tpu.memory_space<semaphore_mem>>) src(%arg7 : memref<1000x128xf32, #tpu.memory_space<hbm>>) dst(%dma_wait3A_83 : memref<1000x128xf32, #tpu.memory_space<vmem_shared>>)
        tpu.yield
      }) : () -> ()
    } else {
    }
    %lt3A_18 = arith.constant 10 : i32
    %lt3A_19 = arith.cmpi slt, %arg1, %lt3A_18 : i32
    %convert_element_type3A_20 = arith.extui %lt3A_19 : i1 to i32
    %cond3A_21 = arith.constant 0 : i32
    %cond3A_22 = arith.cmpi ne, %convert_element_type3A_20, %cond3A_21 : i32
    scf.if %cond3A_22 {
      %mul3A_80 = arith.constant 1000 : i32
      %mul3A_81 = arith.muli %arg1, %mul3A_80 : i32
      "tpu.region"() ({
        %run_scoped3A = tpu.sem_alloc : memref<!tpu.dma_semaphore, #tpu.memory_space<semaphore_mem>>
        %dma_start3A = arith.constant 0 : i32
        %dma_start3A_82 = tpu.memref_slice %arg19[%mul3A_81, %dma_start3A] : memref<10000x16xf32, #tpu.memory_space<vmem_shared>> -> memref<1000x16xf32, #tpu.memory_space<vmem_shared>>
        tpu.enqueue_dma source(%arg8 : memref<1000x16xf32, #tpu.memory_space<hbm>>) target(%dma_start3A_82 : memref<1000x16xf32, #tpu.memory_space<vmem_shared>>) target_semaphore(%run_scoped3A : memref<!tpu.dma_semaphore, #tpu.memory_space<semaphore_mem>>)
        %dma_wait3A = arith.constant 0 : i32
        %dma_wait3A_83 = tpu.memref_slice %arg19[%mul3A_81, %dma_wait3A] : memref<10000x16xf32, #tpu.memory_space<vmem_shared>> -> memref<1000x16xf32, #tpu.memory_space<vmem_shared>>
        tpu.wait_dma2 semaphore(%run_scoped3A : memref<!tpu.dma_semaphore, #tpu.memory_space<semaphore_mem>>) src(%arg8 : memref<1000x16xf32, #tpu.memory_space<hbm>>) dst(%dma_wait3A_83 : memref<1000x16xf32, #tpu.memory_space<vmem_shared>>)
        tpu.yield
      }) : () -> ()
    } else {
    }
    %barrier3A = arith.constant 0 : index
    tpu.barrier barrier_id(%barrier3A)
    %while3A = arith.constant 0 : i32
    %while3A_23 = arith.constant 0 : i32
    %while3A_24 = arith.subi %select_n3A, %while3A_23 : i32
    %while3A_25 = arith.addi %while3A_23, %while3A_24 : i32
    %while3A_26 = arith.constant 1 : i32
    %while3A_27 = arith.divsi %while3A_24, %while3A_26 : i32
    %while3A_28 = arith.muli %while3A_27, %while3A_26 : i32
    %while3A_29 = arith.addi %while3A_23, %while3A_28 : i32
    %while3A_30 = arith.constant 1 : i32
    scf.for %while3A_80 = %while3A_23 to %while3A_29 step %while3A_30  : i32 {
      %add3A_81 = arith.addi %add3A, %while3A_80 : i32
      %mul3A_82 = arith.constant 128 : i32
      %mul3A_83 = arith.muli %add3A_81, %mul3A_82 : i32
      "tpu.region"() ({
        %run_scoped3A = tpu.sem_alloc : memref<!tpu.dma_semaphore, #tpu.memory_space<semaphore_mem>>
        %dma_start3A_111 = tpu.memref_slice %arg5[%mul3A_83] : memref<160000xi32, #tpu.memory_space<hbm>> -> memref<128xi32, #tpu.memory_space<hbm>>
        %dma_start3A_112 = tpu.memref_slice %arg5[%mul3A_83] : memref<160000xi32, #tpu.memory_space<hbm>> -> memref<128xi32, #tpu.memory_space<hbm>>
        tpu.enqueue_dma source(%dma_start3A_112 : memref<128xi32, #tpu.memory_space<hbm>>) target(%arg11 : memref<128xi32, #tpu.memory_space<vmem>>) target_semaphore(%run_scoped3A : memref<!tpu.dma_semaphore, #tpu.memory_space<semaphore_mem>>)
        %dma_wait3A_113 = tpu.memref_slice %arg5[%mul3A_83] : memref<160000xi32, #tpu.memory_space<hbm>> -> memref<128xi32, #tpu.memory_space<hbm>>
        %dma_wait3A_114 = tpu.memref_slice %arg5[%mul3A_83] : memref<160000xi32, #tpu.memory_space<hbm>> -> memref<128xi32, #tpu.memory_space<hbm>>
        tpu.wait_dma2 semaphore(%run_scoped3A : memref<!tpu.dma_semaphore, #tpu.memory_space<semaphore_mem>>) src(%dma_wait3A_114 : memref<128xi32, #tpu.memory_space<hbm>>) dst(%arg11 : memref<128xi32, #tpu.memory_space<vmem>>)
        tpu.yield
      }) : () -> ()
      "tpu.region"() ({
        %run_scoped3A = tpu.sem_alloc : memref<!tpu.dma_semaphore, #tpu.memory_space<semaphore_mem>>
        %dma_start3A_111 = tpu.memref_slice %arg6[%mul3A_83] : memref<160000xi32, #tpu.memory_space<hbm>> -> memref<128xi32, #tpu.memory_space<hbm>>
        %dma_start3A_112 = tpu.memref_slice %arg6[%mul3A_83] : memref<160000xi32, #tpu.memory_space<hbm>> -> memref<128xi32, #tpu.memory_space<hbm>>
        tpu.enqueue_dma source(%dma_start3A_112 : memref<128xi32, #tpu.memory_space<hbm>>) target(%arg13 : memref<128xi32, #tpu.memory_space<vmem>>) target_semaphore(%run_scoped3A : memref<!tpu.dma_semaphore, #tpu.memory_space<semaphore_mem>>)
        %dma_wait3A_113 = tpu.memref_slice %arg6[%mul3A_83] : memref<160000xi32, #tpu.memory_space<hbm>> -> memref<128xi32, #tpu.memory_space<hbm>>
        %dma_wait3A_114 = tpu.memref_slice %arg6[%mul3A_83] : memref<160000xi32, #tpu.memory_space<hbm>> -> memref<128xi32, #tpu.memory_space<hbm>>
        tpu.wait_dma2 semaphore(%run_scoped3A : memref<!tpu.dma_semaphore, #tpu.memory_space<semaphore_mem>>) src(%dma_wait3A_114 : memref<128xi32, #tpu.memory_space<hbm>>) dst(%arg13 : memref<128xi32, #tpu.memory_space<vmem>>)
        tpu.yield
      }) : () -> ()
      %dma_start3A = arith.constant 0 : i32
      %dma_start3A_84 = arith.constant 0 : i32
      %dma_start3A_85 = tpu.memref_slice %arg2[%dma_start3A, %dma_start3A_84] : memref<10000x16xf32, #tpu.memory_space<hbm>> -> memref<10000x16xf32, #tpu.memory_space<hbm>>
      tpu.enqueue_indirect_dma source(%dma_start3A_85 : memref<10000x16xf32, #tpu.memory_space<hbm>>) target(%arg14 : memref<128x16xf32, #tpu.memory_space<vmem>>) offsets(%arg11 : memref<128xi32, #tpu.memory_space<vmem>>) semaphore(%arg20 : memref<!tpu.dma_semaphore, #tpu.memory_space<semaphore_mem>>)
      %dma_start3A_86 = arith.constant 0 : i32
      %dma_start3A_87 = arith.constant 0 : i32
      %dma_start3A_88 = tpu.memref_slice %arg3[%dma_start3A_86, %dma_start3A_87] : memref<10000x16xf32, #tpu.memory_space<hbm>> -> memref<10000x16xf32, #tpu.memory_space<hbm>>
      tpu.enqueue_indirect_dma source(%dma_start3A_88 : memref<10000x16xf32, #tpu.memory_space<hbm>>) target(%arg15 : memref<128x16xf32, #tpu.memory_space<vmem>>) offsets(%arg13 : memref<128xi32, #tpu.memory_space<vmem>>) semaphore(%arg21 : memref<!tpu.dma_semaphore, #tpu.memory_space<semaphore_mem>>)
      %scan3A = arith.constant 0 : i32
      %scan3A_89 = arith.constant 0 : i32
      %scan3A_90 = arith.constant 8 : i32
      %scan3A_91 = arith.addi %scan3A_89, %scan3A_90 : i32
      %scan3A_92 = arith.constant 1 : i32
      scf.for %scan3A_111 = %scan3A_89 to %scan3A_91 step %scan3A_92  : i32 {
        %mul3A_112 = arith.constant 16 : i32
        %mul3A_113 = arith.muli %scan3A_111, %mul3A_112 : i32
        %get3A = arith.index_cast %mul3A_113 : i32 to index
        %get3A_114 = tpu.vector_load %arg11[%get3A] {strides = array<i32>} : memref<128xi32, #tpu.memory_space<vmem>>, vector<16xi32>,
        %get3A_115 = vector.shape_cast %get3A_114 : vector<16xi32> to vector<16xi32>
        %mul3A_116 = arith.constant 10000 : i32
        %mul3A_117 = arith.muli %add3A_7, %mul3A_116 : i32
        %add3A_118 = vector.broadcast %mul3A_117 : i32 to vector<16xi32>
        %add3A_119 = arith.addi %get3A_115, %add3A_118 : vector<16xi32>
        %mul3A_120 = arith.constant 16 : i32
        %mul3A_121 = arith.muli %scan3A_111, %mul3A_120 : i32
        %swap3A = arith.index_cast %mul3A_121 : i32 to index
        %swap3A_122 = tpu.vector_load %arg12[%swap3A] {strides = array<i32>} : memref<128xi32, #tpu.memory_space<vmem>>, vector<16xi32>,
        %swap3A_123 = vector.shape_cast %swap3A_122 : vector<16xi32> to vector<16xi32>
        %swap3A_124 = vector.shape_cast %add3A_119 : vector<16xi32> to vector<16xi32>
        tpu.vector_store %arg12[%swap3A], %swap3A_124 {strides = array<i32>} : memref<128xi32, #tpu.memory_space<vmem>>, vector<16xi32>,
      }
      %scan3A_93 = arith.constant 8 : i32
      %dma_start3A_94 = arith.constant 0 : i32
      %dma_start3A_95 = arith.constant 0 : i32
      %dma_start3A_96 = tpu.memref_slice %arg4[%dma_start3A_94, %dma_start3A_95] : memref<40000x128xf32, #tpu.memory_space<hbm>> -> memref<40000x128xf32, #tpu.memory_space<hbm>>
      tpu.enqueue_indirect_dma source(%dma_start3A_96 : memref<40000x128xf32, #tpu.memory_space<hbm>>) target(%arg17 : memref<128x128xf32, #tpu.memory_space<vmem>>) offsets(%arg12 : memref<128xi32, #tpu.memory_space<vmem>>) semaphore(%arg22 : memref<!tpu.dma_semaphore, #tpu.memory_space<semaphore_mem>>)
      %dma_wait3A = arith.constant 0 : i32
      %dma_wait3A_97 = arith.constant 0 : i32
      %dma_wait3A_98 = tpu.memref_slice %arg2[%dma_wait3A, %dma_wait3A_97] : memref<10000x16xf32, #tpu.memory_space<hbm>> -> memref<10000x16xf32, #tpu.memory_space<hbm>>
      tpu.wait_indirect_dma semaphore(%arg20 : memref<!tpu.dma_semaphore, #tpu.memory_space<semaphore_mem>>) src(%dma_wait3A_98 : memref<10000x16xf32, #tpu.memory_space<hbm>>) dst(%arg14 : memref<128x16xf32, #tpu.memory_space<vmem>>)
      %dma_wait3A_99 = arith.constant 0 : i32
      %dma_wait3A_100 = arith.constant 0 : i32
      %dma_wait3A_101 = tpu.memref_slice %arg3[%dma_wait3A_99, %dma_wait3A_100] : memref<10000x16xf32, #tpu.memory_space<hbm>> -> memref<10000x16xf32, #tpu.memory_space<hbm>>
      tpu.wait_indirect_dma semaphore(%arg21 : memref<!tpu.dma_semaphore, #tpu.memory_space<semaphore_mem>>) src(%dma_wait3A_101 : memref<10000x16xf32, #tpu.memory_space<hbm>>) dst(%arg15 : memref<128x16xf32, #tpu.memory_space<vmem>>)
      %dma_wait3A_102 = arith.constant 0 : i32
      %dma_wait3A_103 = arith.constant 0 : i32
      %dma_wait3A_104 = tpu.memref_slice %arg4[%dma_wait3A_102, %dma_wait3A_103] : memref<40000x128xf32, #tpu.memory_space<hbm>> -> memref<40000x128xf32, #tpu.memory_space<hbm>>
      tpu.wait_indirect_dma semaphore(%arg22 : memref<!tpu.dma_semaphore, #tpu.memory_space<semaphore_mem>>) src(%dma_wait3A_104 : memref<40000x128xf32, #tpu.memory_space<hbm>>) dst(%arg17 : memref<128x128xf32, #tpu.memory_space<vmem>>)
      %scan3A_105 = arith.constant 0 : i32
      %scan3A_106 = arith.constant 0 : i32
      %scan3A_107 = arith.constant 128 : i32
      %scan3A_108 = arith.addi %scan3A_106, %scan3A_107 : i32
      %scan3A_109 = arith.constant 1 : i32
      scf.for %scan3A_111 = %scan3A_106 to %scan3A_108 step %scan3A_109  : i32 {
        %get3A = arith.index_cast %scan3A_111 : i32 to index
        %get3A_112 = arith.constant 0 : index
        %get3A_113 = tpu.vector_load %arg14[%get3A, %get3A_112] {strides = array<i32>} : memref<128x16xf32, #tpu.memory_space<vmem>>, vector<1x16xf32>,
        %get3A_114 = vector.shape_cast %get3A_113 : vector<1x16xf32> to vector<16xf32>
        %get3A_115 = arith.index_cast %scan3A_111 : i32 to index
        %get3A_116 = arith.constant 0 : index
        %get3A_117 = tpu.vector_load %arg15[%get3A_115, %get3A_116] {strides = array<i32>} : memref<128x16xf32, #tpu.memory_space<vmem>>, vector<1x16xf32>,
        %get3A_118 = vector.shape_cast %get3A_117 : vector<1x16xf32> to vector<16xf32>
        %add3A_119 = arith.addf %get3A_114, %get3A_118 : vector<16xf32>
        %mul3A_120 = arith.constant 2.000000e-01 : f32
        %mul3A_121 = vector.broadcast %mul3A_120 : f32 to vector<16xf32>
        %mul3A_122 = arith.mulf %mul3A_121, %add3A_119 : vector<16xf32>
        %max3A = arith.maximumf %add3A_119, %mul3A_122 : vector<16xf32>
        %exp3A = math.exp %max3A : vector<16xf32>
        %swap3A = arith.index_cast %scan3A_111 : i32 to index
        %swap3A_123 = arith.constant 0 : index
        %swap3A_124 = tpu.vector_load %arg16[%swap3A, %swap3A_123] {strides = array<i32>} : memref<128x16xf32, #tpu.memory_space<vmem>>, vector<1x16xf32>,
        %swap3A_125 = vector.shape_cast %swap3A_124 : vector<1x16xf32> to vector<16xf32>
        %swap3A_126 = vector.shape_cast %exp3A : vector<16xf32> to vector<1x16xf32>
        tpu.vector_store %arg16[%swap3A, %swap3A_123], %swap3A_126 {strides = array<i32>} : memref<128x16xf32, #tpu.memory_space<vmem>>, vector<1x16xf32>,
        %gather3A = vector.shape_cast %broadcast_in_dim3A_10 : vector<16x1xi32> to vector<16xi32>
        %gather3A_127 = tpu.dynamic_gather %exp3A[%gather3A] in [0] : vector<16xf32>, vector<16xi32> -> vector<16xf32>
        %gather3A_128 = vector.shape_cast %broadcast_in_dim3A_14 : vector<16x1xi32> to vector<16xi32>
        %gather3A_129 = tpu.dynamic_gather %exp3A[%gather3A_128] in [0] : vector<16xf32>, vector<16xi32> -> vector<16xf32>
        %get3A_130 = arith.index_cast %scan3A_111 : i32 to index
        %get3A_131 = arith.constant 0 : index
        %get3A_132 = tpu.vector_load %arg17[%get3A_130, %get3A_131] {strides = array<i32>} : memref<128x128xf32, #tpu.memory_space<vmem>>, vector<1x16xf32>,
        %get3A_133 = vector.shape_cast %get3A_132 : vector<1x16xf32> to vector<16xf32>
        %mul3A_134 = arith.mulf %get3A_133, %gather3A_127 : vector<16xf32>
        %swap3A_135 = arith.index_cast %scan3A_111 : i32 to index
        %swap3A_136 = arith.constant 0 : index
        %swap3A_137 = tpu.vector_load %arg17[%swap3A_135, %swap3A_136] {strides = array<i32>} : memref<128x128xf32, #tpu.memory_space<vmem>>, vector<1x16xf32>,
        %swap3A_138 = vector.shape_cast %swap3A_137 : vector<1x16xf32> to vector<16xf32>
        %swap3A_139 = vector.shape_cast %mul3A_134 : vector<16xf32> to vector<1x16xf32>
        tpu.vector_store %arg17[%swap3A_135, %swap3A_136], %swap3A_139 {strides = array<i32>} : memref<128x128xf32, #tpu.memory_space<vmem>>, vector<1x16xf32>,
        %get3A_140 = arith.index_cast %scan3A_111 : i32 to index
        %get3A_141 = arith.constant 16 : index
        %get3A_142 = tpu.vector_load %arg17[%get3A_140, %get3A_141] {strides = array<i32>} : memref<128x128xf32, #tpu.memory_space<vmem>>, vector<1x16xf32>,
        %get3A_143 = vector.shape_cast %get3A_142 : vector<1x16xf32> to vector<16xf32>
        %mul3A_144 = arith.mulf %get3A_143, %gather3A_127 : vector<16xf32>
        %swap3A_145 = arith.index_cast %scan3A_111 : i32 to index
        %swap3A_146 = arith.constant 16 : index
        %swap3A_147 = tpu.vector_load %arg17[%swap3A_145, %swap3A_146] {strides = array<i32>} : memref<128x128xf32, #tpu.memory_space<vmem>>, vector<1x16xf32>,
        %swap3A_148 = vector.shape_cast %swap3A_147 : vector<1x16xf32> to vector<16xf32>
        %swap3A_149 = vector.shape_cast %mul3A_144 : vector<16xf32> to vector<1x16xf32>
        tpu.vector_store %arg17[%swap3A_145, %swap3A_146], %swap3A_149 {strides = array<i32>} : memref<128x128xf32, #tpu.memory_space<vmem>>, vector<1x16xf32>,
        %get3A_150 = arith.index_cast %scan3A_111 : i32 to index
        %get3A_151 = arith.constant 32 : index
        %get3A_152 = tpu.vector_load %arg17[%get3A_150, %get3A_151] {strides = array<i32>} : memref<128x128xf32, #tpu.memory_space<vmem>>, vector<1x16xf32>,
        %get3A_153 = vector.shape_cast %get3A_152 : vector<1x16xf32> to vector<16xf32>
        %mul3A_154 = arith.mulf %get3A_153, %gather3A_127 : vector<16xf32>
        %swap3A_155 = arith.index_cast %scan3A_111 : i32 to index
        %swap3A_156 = arith.constant 32 : index
        %swap3A_157 = tpu.vector_load %arg17[%swap3A_155, %swap3A_156] {strides = array<i32>} : memref<128x128xf32, #tpu.memory_space<vmem>>, vector<1x16xf32>,
        %swap3A_158 = vector.shape_cast %swap3A_157 : vector<1x16xf32> to vector<16xf32>
        %swap3A_159 = vector.shape_cast %mul3A_154 : vector<16xf32> to vector<1x16xf32>
        tpu.vector_store %arg17[%swap3A_155, %swap3A_156], %swap3A_159 {strides = array<i32>} : memref<128x128xf32, #tpu.memory_space<vmem>>, vector<1x16xf32>,
        %get3A_160 = arith.index_cast %scan3A_111 : i32 to index
        %get3A_161 = arith.constant 48 : index
        %get3A_162 = tpu.vector_load %arg17[%get3A_160, %get3A_161] {strides = array<i32>} : memref<128x128xf32, #tpu.memory_space<vmem>>, vector<1x16xf32>,
        %get3A_163 = vector.shape_cast %get3A_162 : vector<1x16xf32> to vector<16xf32>
        %mul3A_164 = arith.mulf %get3A_163, %gather3A_127 : vector<16xf32>
        %swap3A_165 = arith.index_cast %scan3A_111 : i32 to index
        %swap3A_166 = arith.constant 48 : index
        %swap3A_167 = tpu.vector_load %arg17[%swap3A_165, %swap3A_166] {strides = array<i32>} : memref<128x128xf32, #tpu.memory_space<vmem>>, vector<1x16xf32>,
        %swap3A_168 = vector.shape_cast %swap3A_167 : vector<1x16xf32> to vector<16xf32>
        %swap3A_169 = vector.shape_cast %mul3A_164 : vector<16xf32> to vector<1x16xf32>
        tpu.vector_store %arg17[%swap3A_165, %swap3A_166], %swap3A_169 {strides = array<i32>} : memref<128x128xf32, #tpu.memory_space<vmem>>, vector<1x16xf32>,
        %get3A_170 = arith.index_cast %scan3A_111 : i32 to index
        %get3A_171 = arith.constant 64 : index
        %get3A_172 = tpu.vector_load %arg17[%get3A_170, %get3A_171] {strides = array<i32>} : memref<128x128xf32, #tpu.memory_space<vmem>>, vector<1x16xf32>,
        %get3A_173 = vector.shape_cast %get3A_172 : vector<1x16xf32> to vector<16xf32>
        %mul3A_174 = arith.mulf %get3A_173, %gather3A_129 : vector<16xf32>
        %swap3A_175 = arith.index_cast %scan3A_111 : i32 to index
        %swap3A_176 = arith.constant 64 : index
        %swap3A_177 = tpu.vector_load %arg17[%swap3A_175, %swap3A_176] {strides = array<i32>} : memref<128x128xf32, #tpu.memory_space<vmem>>, vector<1x16xf32>,
        %swap3A_178 = vector.shape_cast %swap3A_177 : vector<1x16xf32> to vector<16xf32>
        %swap3A_179 = vector.shape_cast %mul3A_174 : vector<16xf32> to vector<1x16xf32>
        tpu.vector_store %arg17[%swap3A_175, %swap3A_176], %swap3A_179 {strides = array<i32>} : memref<128x128xf32, #tpu.memory_space<vmem>>, vector<1x16xf32>,
        %get3A_180 = arith.index_cast %scan3A_111 : i32 to index
        %get3A_181 = arith.constant 80 : index
        %get3A_182 = tpu.vector_load %arg17[%get3A_180, %get3A_181] {strides = array<i32>} : memref<128x128xf32, #tpu.memory_space<vmem>>, vector<1x16xf32>,
        %get3A_183 = vector.shape_cast %get3A_182 : vector<1x16xf32> to vector<16xf32>
        %mul3A_184 = arith.mulf %get3A_183, %gather3A_129 : vector<16xf32>
        %swap3A_185 = arith.index_cast %scan3A_111 : i32 to index
        %swap3A_186 = arith.constant 80 : index
        %swap3A_187 = tpu.vector_load %arg17[%swap3A_185, %swap3A_186] {strides = array<i32>} : memref<128x128xf32, #tpu.memory_space<vmem>>, vector<1x16xf32>,
        %swap3A_188 = vector.shape_cast %swap3A_187 : vector<1x16xf32> to vector<16xf32>
        %swap3A_189 = vector.shape_cast %mul3A_184 : vector<16xf32> to vector<1x16xf32>
        tpu.vector_store %arg17[%swap3A_185, %swap3A_186], %swap3A_189 {strides = array<i32>} : memref<128x128xf32, #tpu.memory_space<vmem>>, vector<1x16xf32>,
        %get3A_190 = arith.index_cast %scan3A_111 : i32 to index
        %get3A_191 = arith.constant 96 : index
        %get3A_192 = tpu.vector_load %arg17[%get3A_190, %get3A_191] {strides = array<i32>} : memref<128x128xf32, #tpu.memory_space<vmem>>, vector<1x16xf32>,
        %get3A_193 = vector.shape_cast %get3A_192 : vector<1x16xf32> to vector<16xf32>
        %mul3A_194 = arith.mulf %get3A_193, %gather3A_129 : vector<16xf32>
        %swap3A_195 = arith.index_cast %scan3A_111 : i32 to index
        %swap3A_196 = arith.constant 96 : index
        %swap3A_197 = tpu.vector_load %arg17[%swap3A_195, %swap3A_196] {strides = array<i32>} : memref<128x128xf32, #tpu.memory_space<vmem>>, vector<1x16xf32>,
        %swap3A_198 = vector.shape_cast %swap3A_197 : vector<1x16xf32> to vector<16xf32>
        %swap3A_199 = vector.shape_cast %mul3A_194 : vector<16xf32> to vector<1x16xf32>
        tpu.vector_store %arg17[%swap3A_195, %swap3A_196], %swap3A_199 {strides = array<i32>} : memref<128x128xf32, #tpu.memory_space<vmem>>, vector<1x16xf32>,
        %get3A_200 = arith.index_cast %scan3A_111 : i32 to index
        %get3A_201 = arith.constant 112 : index
        %get3A_202 = tpu.vector_load %arg17[%get3A_200, %get3A_201] {strides = array<i32>} : memref<128x128xf32, #tpu.memory_space<vmem>>, vector<1x16xf32>,
        %get3A_203 = vector.shape_cast %get3A_202 : vector<1x16xf32> to vector<16xf32>
        %mul3A_204 = arith.mulf %get3A_203, %gather3A_129 : vector<16xf32>
        %swap3A_205 = arith.index_cast %scan3A_111 : i32 to index
        %swap3A_206 = arith.constant 112 : index
        %swap3A_207 = tpu.vector_load %arg17[%swap3A_205, %swap3A_206] {strides = array<i32>} : memref<128x128xf32, #tpu.memory_space<vmem>>, vector<1x16xf32>,
        %swap3A_208 = vector.shape_cast %swap3A_207 : vector<1x16xf32> to vector<16xf32>
        %swap3A_209 = vector.shape_cast %mul3A_204 : vector<16xf32> to vector<1x16xf32>
        tpu.vector_store %arg17[%swap3A_205, %swap3A_206], %swap3A_209 {strides = array<i32>} : memref<128x128xf32, #tpu.memory_space<vmem>>, vector<1x16xf32>,
      }
      %scan3A_110 = arith.constant 128 : i32
      "tpu.region"() ({
        %run_scoped3A = tpu.sem_alloc : memref<!tpu.dma_semaphore, #tpu.memory_space<semaphore_mem>>
        %dma_start3A_111 = arith.constant 0 : i32
        %dma_start3A_112 = arith.constant 0 : i32
        %dma_start3A_113 = tpu.memref_slice %arg19[%dma_start3A_111, %dma_start3A_112] : memref<10000x16xf32, #tpu.memory_space<vmem_shared>> -> memref<10000x16xf32, #tpu.memory_space<vmem_shared>>
        tpu.enqueue_indirect_dma source(%arg16 : memref<128x16xf32, #tpu.memory_space<vmem>>) target(%dma_start3A_113 : memref<10000x16xf32, #tpu.memory_space<vmem_shared>>) offsets(%arg13 : memref<128xi32, #tpu.memory_space<vmem>>) semaphore(%run_scoped3A : memref<!tpu.dma_semaphore, #tpu.memory_space<semaphore_mem>>) {add = true}
        %dma_wait3A_114 = arith.constant 0 : i32
        %dma_wait3A_115 = arith.constant 0 : i32
        %dma_wait3A_116 = tpu.memref_slice %arg19[%dma_wait3A_114, %dma_wait3A_115] : memref<10000x16xf32, #tpu.memory_space<vmem_shared>> -> memref<10000x16xf32, #tpu.memory_space<vmem_shared>>
        tpu.wait_indirect_dma semaphore(%run_scoped3A : memref<!tpu.dma_semaphore, #tpu.memory_space<semaphore_mem>>) src(%arg16 : memref<128x16xf32, #tpu.memory_space<vmem>>) dst(%dma_wait3A_116 : memref<10000x16xf32, #tpu.memory_space<vmem_shared>>)
        tpu.yield
      }) : () -> ()
      "tpu.region"() ({
        %run_scoped3A = tpu.sem_alloc : memref<!tpu.dma_semaphore, #tpu.memory_space<semaphore_mem>>
        %dma_start3A_111 = arith.constant 0 : i32
        %dma_start3A_112 = arith.constant 0 : i32
        %dma_start3A_113 = tpu.memref_slice %arg18[%dma_start3A_111, %dma_start3A_112] : memref<10000x128xf32, #tpu.memory_space<vmem_shared>> -> memref<10000x128xf32, #tpu.memory_space<vmem_shared>>
        tpu.enqueue_indirect_dma source(%arg17 : memref<128x128xf32, #tpu.memory_space<vmem>>) target(%dma_start3A_113 : memref<10000x128xf32, #tpu.memory_space<vmem_shared>>) offsets(%arg13 : memref<128xi32, #tpu.memory_space<vmem>>) semaphore(%run_scoped3A : memref<!tpu.dma_semaphore, #tpu.memory_space<semaphore_mem>>) {add = true}
        %dma_wait3A_114 = arith.constant 0 : i32
        %dma_wait3A_115 = arith.constant 0 : i32
        %dma_wait3A_116 = tpu.memref_slice %arg18[%dma_wait3A_114, %dma_wait3A_115] : memref<10000x128xf32, #tpu.memory_space<vmem_shared>> -> memref<10000x128xf32, #tpu.memory_space<vmem_shared>>
        tpu.wait_indirect_dma semaphore(%run_scoped3A : memref<!tpu.dma_semaphore, #tpu.memory_space<semaphore_mem>>) src(%arg17 : memref<128x128xf32, #tpu.memory_space<vmem>>) dst(%dma_wait3A_116 : memref<10000x128xf32, #tpu.memory_space<vmem_shared>>)
        tpu.yield
      }) : () -> ()
    }
    %while3A_31 = arith.constant 1 : i32
    scf.for %while3A_80 = %while3A_29 to %while3A_25 step %while3A_31  : i32 {
      %add3A_81 = arith.addi %add3A, %while3A_80 : i32
      %mul3A_82 = arith.constant 128 : i32
      %mul3A_83 = arith.muli %add3A_81, %mul3A_82 : i32
      "tpu.region"() ({
        %run_scoped3A = tpu.sem_alloc : memref<!tpu.dma_semaphore, #tpu.memory_space<semaphore_mem>>
        %dma_start3A_111 = tpu.memref_slice %arg5[%mul3A_83] : memref<160000xi32, #tpu.memory_space<hbm>> -> memref<128xi32, #tpu.memory_space<hbm>>
        %dma_start3A_112 = tpu.memref_slice %arg5[%mul3A_83] : memref<160000xi32, #tpu.memory_space<hbm>> -> memref<128xi32, #tpu.memory_space<hbm>>
        tpu.enqueue_dma source(%dma_start3A_112 : memref<128xi32, #tpu.memory_space<hbm>>) target(%arg11 : memref<128xi32, #tpu.memory_space<vmem>>) target_semaphore(%run_scoped3A : memref<!tpu.dma_semaphore, #tpu.memory_space<semaphore_mem>>)
        %dma_wait3A_113 = tpu.memref_slice %arg5[%mul3A_83] : memref<160000xi32, #tpu.memory_space<hbm>> -> memref<128xi32, #tpu.memory_space<hbm>>
        %dma_wait3A_114 = tpu.memref_slice %arg5[%mul3A_83] : memref<160000xi32, #tpu.memory_space<hbm>> -> memref<128xi32, #tpu.memory_space<hbm>>
        tpu.wait_dma2 semaphore(%run_scoped3A : memref<!tpu.dma_semaphore, #tpu.memory_space<semaphore_mem>>) src(%dma_wait3A_114 : memref<128xi32, #tpu.memory_space<hbm>>) dst(%arg11 : memref<128xi32, #tpu.memory_space<vmem>>)
        tpu.yield
      }) : () -> ()
      "tpu.region"() ({
        %run_scoped3A = tpu.sem_alloc : memref<!tpu.dma_semaphore, #tpu.memory_space<semaphore_mem>>
        %dma_start3A_111 = tpu.memref_slice %arg6[%mul3A_83] : memref<160000xi32, #tpu.memory_space<hbm>> -> memref<128xi32, #tpu.memory_space<hbm>>
        %dma_start3A_112 = tpu.memref_slice %arg6[%mul3A_83] : memref<160000xi32, #tpu.memory_space<hbm>> -> memref<128xi32, #tpu.memory_space<hbm>>
        tpu.enqueue_dma source(%dma_start3A_112 : memref<128xi32, #tpu.memory_space<hbm>>) target(%arg13 : memref<128xi32, #tpu.memory_space<vmem>>) target_semaphore(%run_scoped3A : memref<!tpu.dma_semaphore, #tpu.memory_space<semaphore_mem>>)
        %dma_wait3A_113 = tpu.memref_slice %arg6[%mul3A_83] : memref<160000xi32, #tpu.memory_space<hbm>> -> memref<128xi32, #tpu.memory_space<hbm>>
        %dma_wait3A_114 = tpu.memref_slice %arg6[%mul3A_83] : memref<160000xi32, #tpu.memory_space<hbm>> -> memref<128xi32, #tpu.memory_space<hbm>>
        tpu.wait_dma2 semaphore(%run_scoped3A : memref<!tpu.dma_semaphore, #tpu.memory_space<semaphore_mem>>) src(%dma_wait3A_114 : memref<128xi32, #tpu.memory_space<hbm>>) dst(%arg13 : memref<128xi32, #tpu.memory_space<vmem>>)
        tpu.yield
      }) : () -> ()
      %dma_start3A = arith.constant 0 : i32
      %dma_start3A_84 = arith.constant 0 : i32
      %dma_start3A_85 = tpu.memref_slice %arg2[%dma_start3A, %dma_start3A_84] : memref<10000x16xf32, #tpu.memory_space<hbm>> -> memref<10000x16xf32, #tpu.memory_space<hbm>>
      tpu.enqueue_indirect_dma source(%dma_start3A_85 : memref<10000x16xf32, #tpu.memory_space<hbm>>) target(%arg14 : memref<128x16xf32, #tpu.memory_space<vmem>>) offsets(%arg11 : memref<128xi32, #tpu.memory_space<vmem>>) semaphore(%arg20 : memref<!tpu.dma_semaphore, #tpu.memory_space<semaphore_mem>>)
      %dma_start3A_86 = arith.constant 0 : i32
      %dma_start3A_87 = arith.constant 0 : i32
      %dma_start3A_88 = tpu.memref_slice %arg3[%dma_start3A_86, %dma_start3A_87] : memref<10000x16xf32, #tpu.memory_space<hbm>> -> memref<10000x16xf32, #tpu.memory_space<hbm>>
      tpu.enqueue_indirect_dma source(%dma_start3A_88 : memref<10000x16xf32, #tpu.memory_space<hbm>>) target(%arg15 : memref<128x16xf32, #tpu.memory_space<vmem>>) offsets(%arg13 : memref<128xi32, #tpu.memory_space<vmem>>) semaphore(%arg21 : memref<!tpu.dma_semaphore, #tpu.memory_space<semaphore_mem>>)
      %scan3A = arith.constant 0 : i32
      %scan3A_89 = arith.constant 0 : i32
      %scan3A_90 = arith.constant 8 : i32
      %scan3A_91 = arith.addi %scan3A_89, %scan3A_90 : i32
      %scan3A_92 = arith.constant 1 : i32
      scf.for %scan3A_111 = %scan3A_89 to %scan3A_91 step %scan3A_92  : i32 {
        %mul3A_112 = arith.constant 16 : i32
        %mul3A_113 = arith.muli %scan3A_111, %mul3A_112 : i32
        %get3A = arith.index_cast %mul3A_113 : i32 to index
        %get3A_114 = tpu.vector_load %arg11[%get3A] {strides = array<i32>} : memref<128xi32, #tpu.memory_space<vmem>>, vector<16xi32>,
        %get3A_115 = vector.shape_cast %get3A_114 : vector<16xi32> to vector<16xi32>
        %mul3A_116 = arith.constant 10000 : i32
        %mul3A_117 = arith.muli %add3A_7, %mul3A_116 : i32
        %add3A_118 = vector.broadcast %mul3A_117 : i32 to vector<16xi32>
        %add3A_119 = arith.addi %get3A_115, %add3A_118 : vector<16xi32>
        %mul3A_120 = arith.constant 16 : i32
        %mul3A_121 = arith.muli %scan3A_111, %mul3A_120 : i32
        %swap3A = arith.index_cast %mul3A_121 : i32 to index
        %swap3A_122 = tpu.vector_load %arg12[%swap3A] {strides = array<i32>} : memref<128xi32, #tpu.memory_space<vmem>>, vector<16xi32>,
        %swap3A_123 = vector.shape_cast %swap3A_122 : vector<16xi32> to vector<16xi32>
        %swap3A_124 = vector.shape_cast %add3A_119 : vector<16xi32> to vector<16xi32>
        tpu.vector_store %arg12[%swap3A], %swap3A_124 {strides = array<i32>} : memref<128xi32, #tpu.memory_space<vmem>>, vector<16xi32>,
      }
      %scan3A_93 = arith.constant 8 : i32
      %dma_start3A_94 = arith.constant 0 : i32
      %dma_start3A_95 = arith.constant 0 : i32
      %dma_start3A_96 = tpu.memref_slice %arg4[%dma_start3A_94, %dma_start3A_95] : memref<40000x128xf32, #tpu.memory_space<hbm>> -> memref<40000x128xf32, #tpu.memory_space<hbm>>
      tpu.enqueue_indirect_dma source(%dma_start3A_96 : memref<40000x128xf32, #tpu.memory_space<hbm>>) target(%arg17 : memref<128x128xf32, #tpu.memory_space<vmem>>) offsets(%arg12 : memref<128xi32, #tpu.memory_space<vmem>>) semaphore(%arg22 : memref<!tpu.dma_semaphore, #tpu.memory_space<semaphore_mem>>)
      %dma_wait3A = arith.constant 0 : i32
      %dma_wait3A_97 = arith.constant 0 : i32
      %dma_wait3A_98 = tpu.memref_slice %arg2[%dma_wait3A, %dma_wait3A_97] : memref<10000x16xf32, #tpu.memory_space<hbm>> -> memref<10000x16xf32, #tpu.memory_space<hbm>>
      tpu.wait_indirect_dma semaphore(%arg20 : memref<!tpu.dma_semaphore, #tpu.memory_space<semaphore_mem>>) src(%dma_wait3A_98 : memref<10000x16xf32, #tpu.memory_space<hbm>>) dst(%arg14 : memref<128x16xf32, #tpu.memory_space<vmem>>)
      %dma_wait3A_99 = arith.constant 0 : i32
      %dma_wait3A_100 = arith.constant 0 : i32
      %dma_wait3A_101 = tpu.memref_slice %arg3[%dma_wait3A_99, %dma_wait3A_100] : memref<10000x16xf32, #tpu.memory_space<hbm>> -> memref<10000x16xf32, #tpu.memory_space<hbm>>
      tpu.wait_indirect_dma semaphore(%arg21 : memref<!tpu.dma_semaphore, #tpu.memory_space<semaphore_mem>>) src(%dma_wait3A_101 : memref<10000x16xf32, #tpu.memory_space<hbm>>) dst(%arg15 : memref<128x16xf32, #tpu.memory_space<vmem>>)
      %dma_wait3A_102 = arith.constant 0 : i32
      %dma_wait3A_103 = arith.constant 0 : i32
      %dma_wait3A_104 = tpu.memref_slice %arg4[%dma_wait3A_102, %dma_wait3A_103] : memref<40000x128xf32, #tpu.memory_space<hbm>> -> memref<40000x128xf32, #tpu.memory_space<hbm>>
      tpu.wait_indirect_dma semaphore(%arg22 : memref<!tpu.dma_semaphore, #tpu.memory_space<semaphore_mem>>) src(%dma_wait3A_104 : memref<40000x128xf32, #tpu.memory_space<hbm>>) dst(%arg17 : memref<128x128xf32, #tpu.memory_space<vmem>>)
      %scan3A_105 = arith.constant 0 : i32
      %scan3A_106 = arith.constant 0 : i32
      %scan3A_107 = arith.constant 128 : i32
      %scan3A_108 = arith.addi %scan3A_106, %scan3A_107 : i32
      %scan3A_109 = arith.constant 1 : i32
      scf.for %scan3A_111 = %scan3A_106 to %scan3A_108 step %scan3A_109  : i32 {
        %get3A = arith.index_cast %scan3A_111 : i32 to index
        %get3A_112 = arith.constant 0 : index
        %get3A_113 = tpu.vector_load %arg14[%get3A, %get3A_112] {strides = array<i32>} : memref<128x16xf32, #tpu.memory_space<vmem>>, vector<1x16xf32>,
        %get3A_114 = vector.shape_cast %get3A_113 : vector<1x16xf32> to vector<16xf32>
        %get3A_115 = arith.index_cast %scan3A_111 : i32 to index
        %get3A_116 = arith.constant 0 : index
        %get3A_117 = tpu.vector_load %arg15[%get3A_115, %get3A_116] {strides = array<i32>} : memref<128x16xf32, #tpu.memory_space<vmem>>, vector<1x16xf32>,
        %get3A_118 = vector.shape_cast %get3A_117 : vector<1x16xf32> to vector<16xf32>
        %add3A_119 = arith.addf %get3A_114, %get3A_118 : vector<16xf32>
        %mul3A_120 = arith.constant 2.000000e-01 : f32
        %mul3A_121 = vector.broadcast %mul3A_120 : f32 to vector<16xf32>
        %mul3A_122 = arith.mulf %mul3A_121, %add3A_119 : vector<16xf32>
        %max3A = arith.maximumf %add3A_119, %mul3A_122 : vector<16xf32>
        %exp3A = math.exp %max3A : vector<16xf32>
        %swap3A = arith.index_cast %scan3A_111 : i32 to index
        %swap3A_123 = arith.constant 0 : index
        %swap3A_124 = tpu.vector_load %arg16[%swap3A, %swap3A_123] {strides = array<i32>} : memref<128x16xf32, #tpu.memory_space<vmem>>, vector<1x16xf32>,
        %swap3A_125 = vector.shape_cast %swap3A_124 : vector<1x16xf32> to vector<16xf32>
        %swap3A_126 = vector.shape_cast %exp3A : vector<16xf32> to vector<1x16xf32>
        tpu.vector_store %arg16[%swap3A, %swap3A_123], %swap3A_126 {strides = array<i32>} : memref<128x16xf32, #tpu.memory_space<vmem>>, vector<1x16xf32>,
        %gather3A = vector.shape_cast %broadcast_in_dim3A_10 : vector<16x1xi32> to vector<16xi32>
        %gather3A_127 = tpu.dynamic_gather %exp3A[%gather3A] in [0] : vector<16xf32>, vector<16xi32> -> vector<16xf32>
        %gather3A_128 = vector.shape_cast %broadcast_in_dim3A_14 : vector<16x1xi32> to vector<16xi32>
        %gather3A_129 = tpu.dynamic_gather %exp3A[%gather3A_128] in [0] : vector<16xf32>, vector<16xi32> -> vector<16xf32>
        %get3A_130 = arith.index_cast %scan3A_111 : i32 to index
        %get3A_131 = arith.constant 0 : index
        %get3A_132 = tpu.vector_load %arg17[%get3A_130, %get3A_131] {strides = array<i32>} : memref<128x128xf32, #tpu.memory_space<vmem>>, vector<1x16xf32>,
        %get3A_133 = vector.shape_cast %get3A_132 : vector<1x16xf32> to vector<16xf32>
        %mul3A_134 = arith.mulf %get3A_133, %gather3A_127 : vector<16xf32>
        %swap3A_135 = arith.index_cast %scan3A_111 : i32 to index
        %swap3A_136 = arith.constant 0 : index
        %swap3A_137 = tpu.vector_load %arg17[%swap3A_135, %swap3A_136] {strides = array<i32>} : memref<128x128xf32, #tpu.memory_space<vmem>>, vector<1x16xf32>,
        %swap3A_138 = vector.shape_cast %swap3A_137 : vector<1x16xf32> to vector<16xf32>
        %swap3A_139 = vector.shape_cast %mul3A_134 : vector<16xf32> to vector<1x16xf32>
        tpu.vector_store %arg17[%swap3A_135, %swap3A_136], %swap3A_139 {strides = array<i32>} : memref<128x128xf32, #tpu.memory_space<vmem>>, vector<1x16xf32>,
        %get3A_140 = arith.index_cast %scan3A_111 : i32 to index
        %get3A_141 = arith.constant 16 : index
        %get3A_142 = tpu.vector_load %arg17[%get3A_140, %get3A_141] {strides = array<i32>} : memref<128x128xf32, #tpu.memory_space<vmem>>, vector<1x16xf32>,
        %get3A_143 = vector.shape_cast %get3A_142 : vector<1x16xf32> to vector<16xf32>
        %mul3A_144 = arith.mulf %get3A_143, %gather3A_127 : vector<16xf32>
        %swap3A_145 = arith.index_cast %scan3A_111 : i32 to index
        %swap3A_146 = arith.constant 16 : index
        %swap3A_147 = tpu.vector_load %arg17[%swap3A_145, %swap3A_146] {strides = array<i32>} : memref<128x128xf32, #tpu.memory_space<vmem>>, vector<1x16xf32>,
        %swap3A_148 = vector.shape_cast %swap3A_147 : vector<1x16xf32> to vector<16xf32>
        %swap3A_149 = vector.shape_cast %mul3A_144 : vector<16xf32> to vector<1x16xf32>
        tpu.vector_store %arg17[%swap3A_145, %swap3A_146], %swap3A_149 {strides = array<i32>} : memref<128x128xf32, #tpu.memory_space<vmem>>, vector<1x16xf32>,
        %get3A_150 = arith.index_cast %scan3A_111 : i32 to index
        %get3A_151 = arith.constant 32 : index
        %get3A_152 = tpu.vector_load %arg17[%get3A_150, %get3A_151] {strides = array<i32>} : memref<128x128xf32, #tpu.memory_space<vmem>>, vector<1x16xf32>,
        %get3A_153 = vector.shape_cast %get3A_152 : vector<1x16xf32> to vector<16xf32>
        %mul3A_154 = arith.mulf %get3A_153, %gather3A_127 : vector<16xf32>
        %swap3A_155 = arith.index_cast %scan3A_111 : i32 to index
        %swap3A_156 = arith.constant 32 : index
        %swap3A_157 = tpu.vector_load %arg17[%swap3A_155, %swap3A_156] {strides = array<i32>} : memref<128x128xf32, #tpu.memory_space<vmem>>, vector<1x16xf32>,
        %swap3A_158 = vector.shape_cast %swap3A_157 : vector<1x16xf32> to vector<16xf32>
        %swap3A_159 = vector.shape_cast %mul3A_154 : vector<16xf32> to vector<1x16xf32>
        tpu.vector_store %arg17[%swap3A_155, %swap3A_156], %swap3A_159 {strides = array<i32>} : memref<128x128xf32, #tpu.memory_space<vmem>>, vector<1x16xf32>,
        %get3A_160 = arith.index_cast %scan3A_111 : i32 to index
        %get3A_161 = arith.constant 48 : index
        %get3A_162 = tpu.vector_load %arg17[%get3A_160, %get3A_161] {strides = array<i32>} : memref<128x128xf32, #tpu.memory_space<vmem>>, vector<1x16xf32>,
        %get3A_163 = vector.shape_cast %get3A_162 : vector<1x16xf32> to vector<16xf32>
        %mul3A_164 = arith.mulf %get3A_163, %gather3A_127 : vector<16xf32>
        %swap3A_165 = arith.index_cast %scan3A_111 : i32 to index
        %swap3A_166 = arith.constant 48 : index
        %swap3A_167 = tpu.vector_load %arg17[%swap3A_165, %swap3A_166] {strides = array<i32>} : memref<128x128xf32, #tpu.memory_space<vmem>>, vector<1x16xf32>,
        %swap3A_168 = vector.shape_cast %swap3A_167 : vector<1x16xf32> to vector<16xf32>
        %swap3A_169 = vector.shape_cast %mul3A_164 : vector<16xf32> to vector<1x16xf32>
        tpu.vector_store %arg17[%swap3A_165, %swap3A_166], %swap3A_169 {strides = array<i32>} : memref<128x128xf32, #tpu.memory_space<vmem>>, vector<1x16xf32>,
        %get3A_170 = arith.index_cast %scan3A_111 : i32 to index
        %get3A_171 = arith.constant 64 : index
        %get3A_172 = tpu.vector_load %arg17[%get3A_170, %get3A_171] {strides = array<i32>} : memref<128x128xf32, #tpu.memory_space<vmem>>, vector<1x16xf32>,
        %get3A_173 = vector.shape_cast %get3A_172 : vector<1x16xf32> to vector<16xf32>
        %mul3A_174 = arith.mulf %get3A_173, %gather3A_129 : vector<16xf32>
        %swap3A_175 = arith.index_cast %scan3A_111 : i32 to index
        %swap3A_176 = arith.constant 64 : index
        %swap3A_177 = tpu.vector_load %arg17[%swap3A_175, %swap3A_176] {strides = array<i32>} : memref<128x128xf32, #tpu.memory_space<vmem>>, vector<1x16xf32>,
        %swap3A_178 = vector.shape_cast %swap3A_177 : vector<1x16xf32> to vector<16xf32>
        %swap3A_179 = vector.shape_cast %mul3A_174 : vector<16xf32> to vector<1x16xf32>
        tpu.vector_store %arg17[%swap3A_175, %swap3A_176], %swap3A_179 {strides = array<i32>} : memref<128x128xf32, #tpu.memory_space<vmem>>, vector<1x16xf32>,
        %get3A_180 = arith.index_cast %scan3A_111 : i32 to index
        %get3A_181 = arith.constant 80 : index
        %get3A_182 = tpu.vector_load %arg17[%get3A_180, %get3A_181] {strides = array<i32>} : memref<128x128xf32, #tpu.memory_space<vmem>>, vector<1x16xf32>,
        %get3A_183 = vector.shape_cast %get3A_182 : vector<1x16xf32> to vector<16xf32>
        %mul3A_184 = arith.mulf %get3A_183, %gather3A_129 : vector<16xf32>
        %swap3A_185 = arith.index_cast %scan3A_111 : i32 to index
        %swap3A_186 = arith.constant 80 : index
        %swap3A_187 = tpu.vector_load %arg17[%swap3A_185, %swap3A_186] {strides = array<i32>} : memref<128x128xf32, #tpu.memory_space<vmem>>, vector<1x16xf32>,
        %swap3A_188 = vector.shape_cast %swap3A_187 : vector<1x16xf32> to vector<16xf32>
        %swap3A_189 = vector.shape_cast %mul3A_184 : vector<16xf32> to vector<1x16xf32>
        tpu.vector_store %arg17[%swap3A_185, %swap3A_186], %swap3A_189 {strides = array<i32>} : memref<128x128xf32, #tpu.memory_space<vmem>>, vector<1x16xf32>,
        %get3A_190 = arith.index_cast %scan3A_111 : i32 to index
        %get3A_191 = arith.constant 96 : index
        %get3A_192 = tpu.vector_load %arg17[%get3A_190, %get3A_191] {strides = array<i32>} : memref<128x128xf32, #tpu.memory_space<vmem>>, vector<1x16xf32>,
        %get3A_193 = vector.shape_cast %get3A_192 : vector<1x16xf32> to vector<16xf32>
        %mul3A_194 = arith.mulf %get3A_193, %gather3A_129 : vector<16xf32>
        %swap3A_195 = arith.index_cast %scan3A_111 : i32 to index
        %swap3A_196 = arith.constant 96 : index
        %swap3A_197 = tpu.vector_load %arg17[%swap3A_195, %swap3A_196] {strides = array<i32>} : memref<128x128xf32, #tpu.memory_space<vmem>>, vector<1x16xf32>,
        %swap3A_198 = vector.shape_cast %swap3A_197 : vector<1x16xf32> to vector<16xf32>
        %swap3A_199 = vector.shape_cast %mul3A_194 : vector<16xf32> to vector<1x16xf32>
        tpu.vector_store %arg17[%swap3A_195, %swap3A_196], %swap3A_199 {strides = array<i32>} : memref<128x128xf32, #tpu.memory_space<vmem>>, vector<1x16xf32>,
        %get3A_200 = arith.index_cast %scan3A_111 : i32 to index
        %get3A_201 = arith.constant 112 : index
        %get3A_202 = tpu.vector_load %arg17[%get3A_200, %get3A_201] {strides = array<i32>} : memref<128x128xf32, #tpu.memory_space<vmem>>, vector<1x16xf32>,
        %get3A_203 = vector.shape_cast %get3A_202 : vector<1x16xf32> to vector<16xf32>
        %mul3A_204 = arith.mulf %get3A_203, %gather3A_129 : vector<16xf32>
        %swap3A_205 = arith.index_cast %scan3A_111 : i32 to index
        %swap3A_206 = arith.constant 112 : index
        %swap3A_207 = tpu.vector_load %arg17[%swap3A_205, %swap3A_206] {strides = array<i32>} : memref<128x128xf32, #tpu.memory_space<vmem>>, vector<1x16xf32>,
        %swap3A_208 = vector.shape_cast %swap3A_207 : vector<1x16xf32> to vector<16xf32>
        %swap3A_209 = vector.shape_cast %mul3A_204 : vector<16xf32> to vector<1x16xf32>
        tpu.vector_store %arg17[%swap3A_205, %swap3A_206], %swap3A_209 {strides = array<i32>} : memref<128x128xf32, #tpu.memory_space<vmem>>, vector<1x16xf32>,
      }
      %scan3A_110 = arith.constant 128 : i32
      "tpu.region"() ({
        %run_scoped3A = tpu.sem_alloc : memref<!tpu.dma_semaphore, #tpu.memory_space<semaphore_mem>>
        %dma_start3A_111 = arith.constant 0 : i32
        %dma_start3A_112 = arith.constant 0 : i32
        %dma_start3A_113 = tpu.memref_slice %arg19[%dma_start3A_111, %dma_start3A_112] : memref<10000x16xf32, #tpu.memory_space<vmem_shared>> -> memref<10000x16xf32, #tpu.memory_space<vmem_shared>>
        tpu.enqueue_indirect_dma source(%arg16 : memref<128x16xf32, #tpu.memory_space<vmem>>) target(%dma_start3A_113 : memref<10000x16xf32, #tpu.memory_space<vmem_shared>>) offsets(%arg13 : memref<128xi32, #tpu.memory_space<vmem>>) semaphore(%run_scoped3A : memref<!tpu.dma_semaphore, #tpu.memory_space<semaphore_mem>>) {add = true}
        %dma_wait3A_114 = arith.constant 0 : i32
        %dma_wait3A_115 = arith.constant 0 : i32
        %dma_wait3A_116 = tpu.memref_slice %arg19[%dma_wait3A_114, %dma_wait3A_115] : memref<10000x16xf32, #tpu.memory_space<vmem_shared>> -> memref<10000x16xf32, #tpu.memory_space<vmem_shared>>
        tpu.wait_indirect_dma semaphore(%run_scoped3A : memref<!tpu.dma_semaphore, #tpu.memory_space<semaphore_mem>>) src(%arg16 : memref<128x16xf32, #tpu.memory_space<vmem>>) dst(%dma_wait3A_116 : memref<10000x16xf32, #tpu.memory_space<vmem_shared>>)
        tpu.yield
      }) : () -> ()
      "tpu.region"() ({
        %run_scoped3A = tpu.sem_alloc : memref<!tpu.dma_semaphore, #tpu.memory_space<semaphore_mem>>
        %dma_start3A_111 = arith.constant 0 : i32
        %dma_start3A_112 = arith.constant 0 : i32
        %dma_start3A_113 = tpu.memref_slice %arg18[%dma_start3A_111, %dma_start3A_112] : memref<10000x128xf32, #tpu.memory_space<vmem_shared>> -> memref<10000x128xf32, #tpu.memory_space<vmem_shared>>
        tpu.enqueue_indirect_dma source(%arg17 : memref<128x128xf32, #tpu.memory_space<vmem>>) target(%dma_start3A_113 : memref<10000x128xf32, #tpu.memory_space<vmem_shared>>) offsets(%arg13 : memref<128xi32, #tpu.memory_space<vmem>>) semaphore(%run_scoped3A : memref<!tpu.dma_semaphore, #tpu.memory_space<semaphore_mem>>) {add = true}
        %dma_wait3A_114 = arith.constant 0 : i32
        %dma_wait3A_115 = arith.constant 0 : i32
        %dma_wait3A_116 = tpu.memref_slice %arg18[%dma_wait3A_114, %dma_wait3A_115] : memref<10000x128xf32, #tpu.memory_space<vmem_shared>> -> memref<10000x128xf32, #tpu.memory_space<vmem_shared>>
        tpu.wait_indirect_dma semaphore(%run_scoped3A : memref<!tpu.dma_semaphore, #tpu.memory_space<semaphore_mem>>) src(%arg17 : memref<128x128xf32, #tpu.memory_space<vmem>>) dst(%dma_wait3A_116 : memref<10000x128xf32, #tpu.memory_space<vmem_shared>>)
        tpu.yield
      }) : () -> ()
    }
    %barrier3A_32 = arith.constant 0 : index
    tpu.barrier barrier_id(%barrier3A_32)
    %lt3A_33 = arith.constant 10 : i32
    %lt3A_34 = arith.cmpi slt, %arg1, %lt3A_33 : i32
    %convert_element_type3A_35 = arith.extui %lt3A_34 : i1 to i32
    %cond3A_36 = arith.constant 0 : i32
    %cond3A_37 = arith.cmpi ne, %convert_element_type3A_35, %cond3A_36 : i32
    scf.if %cond3A_37 {
      %mul3A_80 = arith.constant 1000 : i32
      %mul3A_81 = arith.muli %arg1, %mul3A_80 : i32
      %mul3A_82 = arith.constant 10000 : i32
      %mul3A_83 = arith.muli %add3A_7, %mul3A_82 : i32
      %mul3A_84 = arith.constant 1000 : i32
      %mul3A_85 = arith.muli %arg1, %mul3A_84 : i32
      %add3A_86 = arith.addi %mul3A_83, %mul3A_85 : i32
      "tpu.region"() ({
        %run_scoped3A = tpu.sem_alloc : memref<!tpu.dma_semaphore, #tpu.memory_space<semaphore_mem>>
        %dma_start3A = arith.constant 0 : i32
        %dma_start3A_87 = tpu.memref_slice %arg9[%add3A_86, %dma_start3A] : memref<40000x128xf32, #tpu.memory_space<hbm>> -> memref<1000x128xf32, #tpu.memory_space<hbm>>
        %dma_start3A_88 = arith.constant 0 : i32
        %dma_start3A_89 = tpu.memref_slice %arg18[%mul3A_81, %dma_start3A_88] : memref<10000x128xf32, #tpu.memory_space<vmem_shared>> -> memref<1000x128xf32, #tpu.memory_space<vmem_shared>>
        tpu.enqueue_dma source(%dma_start3A_89 : memref<1000x128xf32, #tpu.memory_space<vmem_shared>>) target(%dma_start3A_87 : memref<1000x128xf32, #tpu.memory_space<hbm>>) target_semaphore(%run_scoped3A : memref<!tpu.dma_semaphore, #tpu.memory_space<semaphore_mem>>)
        %dma_wait3A = arith.constant 0 : i32
        %dma_wait3A_90 = tpu.memref_slice %arg9[%add3A_86, %dma_wait3A] : memref<40000x128xf32, #tpu.memory_space<hbm>> -> memref<1000x128xf32, #tpu.memory_space<hbm>>
        %dma_wait3A_91 = arith.constant 0 : i32
        %dma_wait3A_92 = tpu.memref_slice %arg18[%mul3A_81, %dma_wait3A_91] : memref<10000x128xf32, #tpu.memory_space<vmem_shared>> -> memref<1000x128xf32, #tpu.memory_space<vmem_shared>>
        tpu.wait_dma2 semaphore(%run_scoped3A : memref<!tpu.dma_semaphore, #tpu.memory_space<semaphore_mem>>) src(%dma_wait3A_92 : memref<1000x128xf32, #tpu.memory_space<vmem_shared>>) dst(%dma_wait3A_90 : memref<1000x128xf32, #tpu.memory_space<hbm>>)
        tpu.yield
      }) : () -> ()
    } else {
    }
    %eq3A = arith.constant 0 : i32
    %eq3A_38 = arith.cmpi eq, %arg0, %eq3A : i32
    %lt3A_39 = arith.constant 10 : i32
    %lt3A_40 = arith.cmpi slt, %arg1, %lt3A_39 : i32
    %and3A = arith.andi %eq3A_38, %lt3A_40 : i1
    %convert_element_type3A_41 = arith.extui %and3A : i1 to i32
    %cond3A_42 = arith.constant 0 : i32
    %cond3A_43 = arith.cmpi ne, %convert_element_type3A_41, %cond3A_42 : i32
    scf.if %cond3A_43 {
      %mul3A_80 = arith.constant 1000 : i32
      %mul3A_81 = arith.muli %arg1, %mul3A_80 : i32
      %mul3A_82 = arith.constant 1000 : i32
      %mul3A_83 = arith.muli %arg1, %mul3A_82 : i32
      "tpu.region"() ({
        %run_scoped3A = tpu.sem_alloc : memref<!tpu.dma_semaphore, #tpu.memory_space<semaphore_mem>>
        %dma_start3A = arith.constant 0 : i32
        %dma_start3A_84 = tpu.memref_slice %arg10[%mul3A_83, %dma_start3A] : memref<10000x16xf32, #tpu.memory_space<hbm>> -> memref<1000x16xf32, #tpu.memory_space<hbm>>
        %dma_start3A_85 = arith.constant 0 : i32
        %dma_start3A_86 = tpu.memref_slice %arg19[%mul3A_81, %dma_start3A_85] : memref<10000x16xf32, #tpu.memory_space<vmem_shared>> -> memref<1000x16xf32, #tpu.memory_space<vmem_shared>>
        tpu.enqueue_dma source(%dma_start3A_86 : memref<1000x16xf32, #tpu.memory_space<vmem_shared>>) target(%dma_start3A_84 : memref<1000x16xf32, #tpu.memory_space<hbm>>) target_semaphore(%run_scoped3A : memref<!tpu.dma_semaphore, #tpu.memory_space<semaphore_mem>>)
        %dma_wait3A = arith.constant 0 : i32
        %dma_wait3A_87 = tpu.memref_slice %arg10[%mul3A_83, %dma_wait3A] : memref<10000x16xf32, #tpu.memory_space<hbm>> -> memref<1000x16xf32, #tpu.memory_space<hbm>>
        %dma_wait3A_88 = arith.constant 0 : i32
        %dma_wait3A_89 = tpu.memref_slice %arg19[%mul3A_81, %dma_wait3A_88] : memref<10000x16xf32, #tpu.memory_space<vmem_shared>> -> memref<1000x16xf32, #tpu.memory_space<vmem_shared>>
        tpu.wait_dma2 semaphore(%run_scoped3A : memref<!tpu.dma_semaphore, #tpu.memory_space<semaphore_mem>>) src(%dma_wait3A_89 : memref<1000x16xf32, #tpu.memory_space<vmem_shared>>) dst(%dma_wait3A_87 : memref<1000x16xf32, #tpu.memory_space<hbm>>)
        tpu.yield
      }) : () -> ()
    } else {
    }
    %barrier3A_44 = arith.constant 0 : index
    tpu.barrier barrier_id(%barrier3A_44)
    %mul3A_45 = arith.constant 2 : i32
    %mul3A_46 = arith.muli %mul3A_45, %arg0 : i32
    %add3A_47 = arith.constant 1 : i32
    %add3A_48 = arith.addi %mul3A_46, %add3A_47 : i32
    %mul3A_49 = arith.constant 2 : i32
    %mul3A_50 = arith.muli %mul3A_49, %add3A_48 : i32
    %broadcast_in_dim3A_51 = vector.broadcast %mul3A_50 : i32 to vector<16xi32>
    %broadcast_in_dim3A_52 = vector.shape_cast %broadcast_in_dim3A_51 : vector<16xi32> to vector<16x1xi32>
    %add3A_53 = arith.constant 1 : i32
    %add3A_54 = arith.addi %mul3A_50, %add3A_53 : i32
    %broadcast_in_dim3A_55 = vector.broadcast %add3A_54 : i32 to vector<16xi32>
    %broadcast_in_dim3A_56 = vector.shape_cast %broadcast_in_dim3A_55 : vector<16xi32> to vector<16x1xi32>
    %lt3A_57 = arith.constant 10 : i32
    %lt3A_58 = arith.cmpi slt, %arg1, %lt3A_57 : i32
    %convert_element_type3A_59 = arith.extui %lt3A_58 : i1 to i32
    %cond3A_60 = arith.constant 0 : i32
    %cond3A_61 = arith.cmpi ne, %convert_element_type3A_59, %cond3A_60 : i32
    scf.if %cond3A_61 {
      %mul3A_80 = arith.constant 1000 : i32
      %mul3A_81 = arith.muli %arg1, %mul3A_80 : i32
      "tpu.region"() ({
        %run_scoped3A = tpu.sem_alloc : memref<!tpu.dma_semaphore, #tpu.memory_space<semaphore_mem>>
        %dma_start3A = arith.constant 0 : i32
        %dma_start3A_82 = tpu.memref_slice %arg18[%mul3A_81, %dma_start3A] : memref<10000x128xf32, #tpu.memory_space<vmem_shared>> -> memref<1000x128xf32, #tpu.memory_space<vmem_shared>>
        tpu.enqueue_dma source(%arg7 : memref<1000x128xf32, #tpu.memory_space<hbm>>) target(%dma_start3A_82 : memref<1000x128xf32, #tpu.memory_space<vmem_shared>>) target_semaphore(%run_scoped3A : memref<!tpu.dma_semaphore, #tpu.memory_space<semaphore_mem>>)
        %dma_wait3A = arith.constant 0 : i32
        %dma_wait3A_83 = tpu.memref_slice %arg18[%mul3A_81, %dma_wait3A] : memref<10000x128xf32, #tpu.memory_space<vmem_shared>> -> memref<1000x128xf32, #tpu.memory_space<vmem_shared>>
        tpu.wait_dma2 semaphore(%run_scoped3A : memref<!tpu.dma_semaphore, #tpu.memory_space<semaphore_mem>>) src(%arg7 : memref<1000x128xf32, #tpu.memory_space<hbm>>) dst(%dma_wait3A_83 : memref<1000x128xf32, #tpu.memory_space<vmem_shared>>)
        tpu.yield
      }) : () -> ()
    } else {
    }
    %barrier3A_62 = arith.constant 0 : index
    tpu.barrier barrier_id(%barrier3A_62)
    %while3A_63 = arith.constant 0 : i32
    %while3A_64 = arith.constant 0 : i32
    %while3A_65 = arith.subi %select_n3A, %while3A_64 : i32
    %while3A_66 = arith.addi %while3A_64, %while3A_65 : i32
    %while3A_67 = arith.constant 1 : i32
    %while3A_68 = arith.divsi %while3A_65, %while3A_67 : i32
    %while3A_69 = arith.muli %while3A_68, %while3A_67 : i32
    %while3A_70 = arith.addi %while3A_64, %while3A_69 : i32
    %while3A_71 = arith.constant 1 : i32
    scf.for %while3A_80 = %while3A_64 to %while3A_70 step %while3A_71  : i32 {
      %add3A_81 = arith.addi %add3A, %while3A_80 : i32
      %mul3A_82 = arith.constant 128 : i32
      %mul3A_83 = arith.muli %add3A_81, %mul3A_82 : i32
      "tpu.region"() ({
        %run_scoped3A = tpu.sem_alloc : memref<!tpu.dma_semaphore, #tpu.memory_space<semaphore_mem>>
        %dma_start3A_111 = tpu.memref_slice %arg5[%mul3A_83] : memref<160000xi32, #tpu.memory_space<hbm>> -> memref<128xi32, #tpu.memory_space<hbm>>
        %dma_start3A_112 = tpu.memref_slice %arg5[%mul3A_83] : memref<160000xi32, #tpu.memory_space<hbm>> -> memref<128xi32, #tpu.memory_space<hbm>>
        tpu.enqueue_dma source(%dma_start3A_112 : memref<128xi32, #tpu.memory_space<hbm>>) target(%arg11 : memref<128xi32, #tpu.memory_space<vmem>>) target_semaphore(%run_scoped3A : memref<!tpu.dma_semaphore, #tpu.memory_space<semaphore_mem>>)
        %dma_wait3A_113 = tpu.memref_slice %arg5[%mul3A_83] : memref<160000xi32, #tpu.memory_space<hbm>> -> memref<128xi32, #tpu.memory_space<hbm>>
        %dma_wait3A_114 = tpu.memref_slice %arg5[%mul3A_83] : memref<160000xi32, #tpu.memory_space<hbm>> -> memref<128xi32, #tpu.memory_space<hbm>>
        tpu.wait_dma2 semaphore(%run_scoped3A : memref<!tpu.dma_semaphore, #tpu.memory_space<semaphore_mem>>) src(%dma_wait3A_114 : memref<128xi32, #tpu.memory_space<hbm>>) dst(%arg11 : memref<128xi32, #tpu.memory_space<vmem>>)
        tpu.yield
      }) : () -> ()
      "tpu.region"() ({
        %run_scoped3A = tpu.sem_alloc : memref<!tpu.dma_semaphore, #tpu.memory_space<semaphore_mem>>
        %dma_start3A_111 = tpu.memref_slice %arg6[%mul3A_83] : memref<160000xi32, #tpu.memory_space<hbm>> -> memref<128xi32, #tpu.memory_space<hbm>>
        %dma_start3A_112 = tpu.memref_slice %arg6[%mul3A_83] : memref<160000xi32, #tpu.memory_space<hbm>> -> memref<128xi32, #tpu.memory_space<hbm>>
        tpu.enqueue_dma source(%dma_start3A_112 : memref<128xi32, #tpu.memory_space<hbm>>) target(%arg13 : memref<128xi32, #tpu.memory_space<vmem>>) target_semaphore(%run_scoped3A : memref<!tpu.dma_semaphore, #tpu.memory_space<semaphore_mem>>)
        %dma_wait3A_113 = tpu.memref_slice %arg6[%mul3A_83] : memref<160000xi32, #tpu.memory_space<hbm>> -> memref<128xi32, #tpu.memory_space<hbm>>
        %dma_wait3A_114 = tpu.memref_slice %arg6[%mul3A_83] : memref<160000xi32, #tpu.memory_space<hbm>> -> memref<128xi32, #tpu.memory_space<hbm>>
        tpu.wait_dma2 semaphore(%run_scoped3A : memref<!tpu.dma_semaphore, #tpu.memory_space<semaphore_mem>>) src(%dma_wait3A_114 : memref<128xi32, #tpu.memory_space<hbm>>) dst(%arg13 : memref<128xi32, #tpu.memory_space<vmem>>)
        tpu.yield
      }) : () -> ()
      %dma_start3A = arith.constant 0 : i32
      %dma_start3A_84 = arith.constant 0 : i32
      %dma_start3A_85 = tpu.memref_slice %arg2[%dma_start3A, %dma_start3A_84] : memref<10000x16xf32, #tpu.memory_space<hbm>> -> memref<10000x16xf32, #tpu.memory_space<hbm>>
      tpu.enqueue_indirect_dma source(%dma_start3A_85 : memref<10000x16xf32, #tpu.memory_space<hbm>>) target(%arg14 : memref<128x16xf32, #tpu.memory_space<vmem>>) offsets(%arg11 : memref<128xi32, #tpu.memory_space<vmem>>) semaphore(%arg20 : memref<!tpu.dma_semaphore, #tpu.memory_space<semaphore_mem>>)
      %dma_start3A_86 = arith.constant 0 : i32
      %dma_start3A_87 = arith.constant 0 : i32
      %dma_start3A_88 = tpu.memref_slice %arg3[%dma_start3A_86, %dma_start3A_87] : memref<10000x16xf32, #tpu.memory_space<hbm>> -> memref<10000x16xf32, #tpu.memory_space<hbm>>
      tpu.enqueue_indirect_dma source(%dma_start3A_88 : memref<10000x16xf32, #tpu.memory_space<hbm>>) target(%arg15 : memref<128x16xf32, #tpu.memory_space<vmem>>) offsets(%arg13 : memref<128xi32, #tpu.memory_space<vmem>>) semaphore(%arg21 : memref<!tpu.dma_semaphore, #tpu.memory_space<semaphore_mem>>)
      %scan3A = arith.constant 0 : i32
      %scan3A_89 = arith.constant 0 : i32
      %scan3A_90 = arith.constant 8 : i32
      %scan3A_91 = arith.addi %scan3A_89, %scan3A_90 : i32
      %scan3A_92 = arith.constant 1 : i32
      scf.for %scan3A_111 = %scan3A_89 to %scan3A_91 step %scan3A_92  : i32 {
        %mul3A_112 = arith.constant 16 : i32
        %mul3A_113 = arith.muli %scan3A_111, %mul3A_112 : i32
        %get3A = arith.index_cast %mul3A_113 : i32 to index
        %get3A_114 = tpu.vector_load %arg11[%get3A] {strides = array<i32>} : memref<128xi32, #tpu.memory_space<vmem>>, vector<16xi32>,
        %get3A_115 = vector.shape_cast %get3A_114 : vector<16xi32> to vector<16xi32>
        %mul3A_116 = arith.constant 10000 : i32
        %mul3A_117 = arith.muli %add3A_48, %mul3A_116 : i32
        %add3A_118 = vector.broadcast %mul3A_117 : i32 to vector<16xi32>
        %add3A_119 = arith.addi %get3A_115, %add3A_118 : vector<16xi32>
        %mul3A_120 = arith.constant 16 : i32
        %mul3A_121 = arith.muli %scan3A_111, %mul3A_120 : i32
        %swap3A = arith.index_cast %mul3A_121 : i32 to index
        %swap3A_122 = tpu.vector_load %arg12[%swap3A] {strides = array<i32>} : memref<128xi32, #tpu.memory_space<vmem>>, vector<16xi32>,
        %swap3A_123 = vector.shape_cast %swap3A_122 : vector<16xi32> to vector<16xi32>
        %swap3A_124 = vector.shape_cast %add3A_119 : vector<16xi32> to vector<16xi32>
        tpu.vector_store %arg12[%swap3A], %swap3A_124 {strides = array<i32>} : memref<128xi32, #tpu.memory_space<vmem>>, vector<16xi32>,
      }
      %scan3A_93 = arith.constant 8 : i32
      %dma_start3A_94 = arith.constant 0 : i32
      %dma_start3A_95 = arith.constant 0 : i32
      %dma_start3A_96 = tpu.memref_slice %arg4[%dma_start3A_94, %dma_start3A_95] : memref<40000x128xf32, #tpu.memory_space<hbm>> -> memref<40000x128xf32, #tpu.memory_space<hbm>>
      tpu.enqueue_indirect_dma source(%dma_start3A_96 : memref<40000x128xf32, #tpu.memory_space<hbm>>) target(%arg17 : memref<128x128xf32, #tpu.memory_space<vmem>>) offsets(%arg12 : memref<128xi32, #tpu.memory_space<vmem>>) semaphore(%arg22 : memref<!tpu.dma_semaphore, #tpu.memory_space<semaphore_mem>>)
      %dma_wait3A = arith.constant 0 : i32
      %dma_wait3A_97 = arith.constant 0 : i32
      %dma_wait3A_98 = tpu.memref_slice %arg2[%dma_wait3A, %dma_wait3A_97] : memref<10000x16xf32, #tpu.memory_space<hbm>> -> memref<10000x16xf32, #tpu.memory_space<hbm>>
      tpu.wait_indirect_dma semaphore(%arg20 : memref<!tpu.dma_semaphore, #tpu.memory_space<semaphore_mem>>) src(%dma_wait3A_98 : memref<10000x16xf32, #tpu.memory_space<hbm>>) dst(%arg14 : memref<128x16xf32, #tpu.memory_space<vmem>>)
      %dma_wait3A_99 = arith.constant 0 : i32
      %dma_wait3A_100 = arith.constant 0 : i32
      %dma_wait3A_101 = tpu.memref_slice %arg3[%dma_wait3A_99, %dma_wait3A_100] : memref<10000x16xf32, #tpu.memory_space<hbm>> -> memref<10000x16xf32, #tpu.memory_space<hbm>>
      tpu.wait_indirect_dma semaphore(%arg21 : memref<!tpu.dma_semaphore, #tpu.memory_space<semaphore_mem>>) src(%dma_wait3A_101 : memref<10000x16xf32, #tpu.memory_space<hbm>>) dst(%arg15 : memref<128x16xf32, #tpu.memory_space<vmem>>)
      %dma_wait3A_102 = arith.constant 0 : i32
      %dma_wait3A_103 = arith.constant 0 : i32
      %dma_wait3A_104 = tpu.memref_slice %arg4[%dma_wait3A_102, %dma_wait3A_103] : memref<40000x128xf32, #tpu.memory_space<hbm>> -> memref<40000x128xf32, #tpu.memory_space<hbm>>
      tpu.wait_indirect_dma semaphore(%arg22 : memref<!tpu.dma_semaphore, #tpu.memory_space<semaphore_mem>>) src(%dma_wait3A_104 : memref<40000x128xf32, #tpu.memory_space<hbm>>) dst(%arg17 : memref<128x128xf32, #tpu.memory_space<vmem>>)
      %scan3A_105 = arith.constant 0 : i32
      %scan3A_106 = arith.constant 0 : i32
      %scan3A_107 = arith.constant 128 : i32
      %scan3A_108 = arith.addi %scan3A_106, %scan3A_107 : i32
      %scan3A_109 = arith.constant 1 : i32
      scf.for %scan3A_111 = %scan3A_106 to %scan3A_108 step %scan3A_109  : i32 {
        %get3A = arith.index_cast %scan3A_111 : i32 to index
        %get3A_112 = arith.constant 0 : index
        %get3A_113 = tpu.vector_load %arg14[%get3A, %get3A_112] {strides = array<i32>} : memref<128x16xf32, #tpu.memory_space<vmem>>, vector<1x16xf32>,
        %get3A_114 = vector.shape_cast %get3A_113 : vector<1x16xf32> to vector<16xf32>
        %get3A_115 = arith.index_cast %scan3A_111 : i32 to index
        %get3A_116 = arith.constant 0 : index
        %get3A_117 = tpu.vector_load %arg15[%get3A_115, %get3A_116] {strides = array<i32>} : memref<128x16xf32, #tpu.memory_space<vmem>>, vector<1x16xf32>,
        %get3A_118 = vector.shape_cast %get3A_117 : vector<1x16xf32> to vector<16xf32>
        %add3A_119 = arith.addf %get3A_114, %get3A_118 : vector<16xf32>
        %mul3A_120 = arith.constant 2.000000e-01 : f32
        %mul3A_121 = vector.broadcast %mul3A_120 : f32 to vector<16xf32>
        %mul3A_122 = arith.mulf %mul3A_121, %add3A_119 : vector<16xf32>
        %max3A = arith.maximumf %add3A_119, %mul3A_122 : vector<16xf32>
        %exp3A = math.exp %max3A : vector<16xf32>
        %swap3A = arith.index_cast %scan3A_111 : i32 to index
        %swap3A_123 = arith.constant 0 : index
        %swap3A_124 = tpu.vector_load %arg16[%swap3A, %swap3A_123] {strides = array<i32>} : memref<128x16xf32, #tpu.memory_space<vmem>>, vector<1x16xf32>,
        %swap3A_125 = vector.shape_cast %swap3A_124 : vector<1x16xf32> to vector<16xf32>
        %swap3A_126 = vector.shape_cast %exp3A : vector<16xf32> to vector<1x16xf32>
        tpu.vector_store %arg16[%swap3A, %swap3A_123], %swap3A_126 {strides = array<i32>} : memref<128x16xf32, #tpu.memory_space<vmem>>, vector<1x16xf32>,
        %gather3A = vector.shape_cast %broadcast_in_dim3A_52 : vector<16x1xi32> to vector<16xi32>
        %gather3A_127 = tpu.dynamic_gather %exp3A[%gather3A] in [0] : vector<16xf32>, vector<16xi32> -> vector<16xf32>
        %gather3A_128 = vector.shape_cast %broadcast_in_dim3A_56 : vector<16x1xi32> to vector<16xi32>
        %gather3A_129 = tpu.dynamic_gather %exp3A[%gather3A_128] in [0] : vector<16xf32>, vector<16xi32> -> vector<16xf32>
        %get3A_130 = arith.index_cast %scan3A_111 : i32 to index
        %get3A_131 = arith.constant 0 : index
        %get3A_132 = tpu.vector_load %arg17[%get3A_130, %get3A_131] {strides = array<i32>} : memref<128x128xf32, #tpu.memory_space<vmem>>, vector<1x16xf32>,
        %get3A_133 = vector.shape_cast %get3A_132 : vector<1x16xf32> to vector<16xf32>
        %mul3A_134 = arith.mulf %get3A_133, %gather3A_127 : vector<16xf32>
        %swap3A_135 = arith.index_cast %scan3A_111 : i32 to index
        %swap3A_136 = arith.constant 0 : index
        %swap3A_137 = tpu.vector_load %arg17[%swap3A_135, %swap3A_136] {strides = array<i32>} : memref<128x128xf32, #tpu.memory_space<vmem>>, vector<1x16xf32>,
        %swap3A_138 = vector.shape_cast %swap3A_137 : vector<1x16xf32> to vector<16xf32>
        %swap3A_139 = vector.shape_cast %mul3A_134 : vector<16xf32> to vector<1x16xf32>
        tpu.vector_store %arg17[%swap3A_135, %swap3A_136], %swap3A_139 {strides = array<i32>} : memref<128x128xf32, #tpu.memory_space<vmem>>, vector<1x16xf32>,
        %get3A_140 = arith.index_cast %scan3A_111 : i32 to index
        %get3A_141 = arith.constant 16 : index
        %get3A_142 = tpu.vector_load %arg17[%get3A_140, %get3A_141] {strides = array<i32>} : memref<128x128xf32, #tpu.memory_space<vmem>>, vector<1x16xf32>,
        %get3A_143 = vector.shape_cast %get3A_142 : vector<1x16xf32> to vector<16xf32>
        %mul3A_144 = arith.mulf %get3A_143, %gather3A_127 : vector<16xf32>
        %swap3A_145 = arith.index_cast %scan3A_111 : i32 to index
        %swap3A_146 = arith.constant 16 : index
        %swap3A_147 = tpu.vector_load %arg17[%swap3A_145, %swap3A_146] {strides = array<i32>} : memref<128x128xf32, #tpu.memory_space<vmem>>, vector<1x16xf32>,
        %swap3A_148 = vector.shape_cast %swap3A_147 : vector<1x16xf32> to vector<16xf32>
        %swap3A_149 = vector.shape_cast %mul3A_144 : vector<16xf32> to vector<1x16xf32>
        tpu.vector_store %arg17[%swap3A_145, %swap3A_146], %swap3A_149 {strides = array<i32>} : memref<128x128xf32, #tpu.memory_space<vmem>>, vector<1x16xf32>,
        %get3A_150 = arith.index_cast %scan3A_111 : i32 to index
        %get3A_151 = arith.constant 32 : index
        %get3A_152 = tpu.vector_load %arg17[%get3A_150, %get3A_151] {strides = array<i32>} : memref<128x128xf32, #tpu.memory_space<vmem>>, vector<1x16xf32>,
        %get3A_153 = vector.shape_cast %get3A_152 : vector<1x16xf32> to vector<16xf32>
        %mul3A_154 = arith.mulf %get3A_153, %gather3A_127 : vector<16xf32>
        %swap3A_155 = arith.index_cast %scan3A_111 : i32 to index
        %swap3A_156 = arith.constant 32 : index
        %swap3A_157 = tpu.vector_load %arg17[%swap3A_155, %swap3A_156] {strides = array<i32>} : memref<128x128xf32, #tpu.memory_space<vmem>>, vector<1x16xf32>,
        %swap3A_158 = vector.shape_cast %swap3A_157 : vector<1x16xf32> to vector<16xf32>
        %swap3A_159 = vector.shape_cast %mul3A_154 : vector<16xf32> to vector<1x16xf32>
        tpu.vector_store %arg17[%swap3A_155, %swap3A_156], %swap3A_159 {strides = array<i32>} : memref<128x128xf32, #tpu.memory_space<vmem>>, vector<1x16xf32>,
        %get3A_160 = arith.index_cast %scan3A_111 : i32 to index
        %get3A_161 = arith.constant 48 : index
        %get3A_162 = tpu.vector_load %arg17[%get3A_160, %get3A_161] {strides = array<i32>} : memref<128x128xf32, #tpu.memory_space<vmem>>, vector<1x16xf32>,
        %get3A_163 = vector.shape_cast %get3A_162 : vector<1x16xf32> to vector<16xf32>
        %mul3A_164 = arith.mulf %get3A_163, %gather3A_127 : vector<16xf32>
        %swap3A_165 = arith.index_cast %scan3A_111 : i32 to index
        %swap3A_166 = arith.constant 48 : index
        %swap3A_167 = tpu.vector_load %arg17[%swap3A_165, %swap3A_166] {strides = array<i32>} : memref<128x128xf32, #tpu.memory_space<vmem>>, vector<1x16xf32>,
        %swap3A_168 = vector.shape_cast %swap3A_167 : vector<1x16xf32> to vector<16xf32>
        %swap3A_169 = vector.shape_cast %mul3A_164 : vector<16xf32> to vector<1x16xf32>
        tpu.vector_store %arg17[%swap3A_165, %swap3A_166], %swap3A_169 {strides = array<i32>} : memref<128x128xf32, #tpu.memory_space<vmem>>, vector<1x16xf32>,
        %get3A_170 = arith.index_cast %scan3A_111 : i32 to index
        %get3A_171 = arith.constant 64 : index
        %get3A_172 = tpu.vector_load %arg17[%get3A_170, %get3A_171] {strides = array<i32>} : memref<128x128xf32, #tpu.memory_space<vmem>>, vector<1x16xf32>,
        %get3A_173 = vector.shape_cast %get3A_172 : vector<1x16xf32> to vector<16xf32>
        %mul3A_174 = arith.mulf %get3A_173, %gather3A_129 : vector<16xf32>
        %swap3A_175 = arith.index_cast %scan3A_111 : i32 to index
        %swap3A_176 = arith.constant 64 : index
        %swap3A_177 = tpu.vector_load %arg17[%swap3A_175, %swap3A_176] {strides = array<i32>} : memref<128x128xf32, #tpu.memory_space<vmem>>, vector<1x16xf32>,
        %swap3A_178 = vector.shape_cast %swap3A_177 : vector<1x16xf32> to vector<16xf32>
        %swap3A_179 = vector.shape_cast %mul3A_174 : vector<16xf32> to vector<1x16xf32>
        tpu.vector_store %arg17[%swap3A_175, %swap3A_176], %swap3A_179 {strides = array<i32>} : memref<128x128xf32, #tpu.memory_space<vmem>>, vector<1x16xf32>,
        %get3A_180 = arith.index_cast %scan3A_111 : i32 to index
        %get3A_181 = arith.constant 80 : index
        %get3A_182 = tpu.vector_load %arg17[%get3A_180, %get3A_181] {strides = array<i32>} : memref<128x128xf32, #tpu.memory_space<vmem>>, vector<1x16xf32>,
        %get3A_183 = vector.shape_cast %get3A_182 : vector<1x16xf32> to vector<16xf32>
        %mul3A_184 = arith.mulf %get3A_183, %gather3A_129 : vector<16xf32>
        %swap3A_185 = arith.index_cast %scan3A_111 : i32 to index
        %swap3A_186 = arith.constant 80 : index
        %swap3A_187 = tpu.vector_load %arg17[%swap3A_185, %swap3A_186] {strides = array<i32>} : memref<128x128xf32, #tpu.memory_space<vmem>>, vector<1x16xf32>,
        %swap3A_188 = vector.shape_cast %swap3A_187 : vector<1x16xf32> to vector<16xf32>
        %swap3A_189 = vector.shape_cast %mul3A_184 : vector<16xf32> to vector<1x16xf32>
        tpu.vector_store %arg17[%swap3A_185, %swap3A_186], %swap3A_189 {strides = array<i32>} : memref<128x128xf32, #tpu.memory_space<vmem>>, vector<1x16xf32>,
        %get3A_190 = arith.index_cast %scan3A_111 : i32 to index
        %get3A_191 = arith.constant 96 : index
        %get3A_192 = tpu.vector_load %arg17[%get3A_190, %get3A_191] {strides = array<i32>} : memref<128x128xf32, #tpu.memory_space<vmem>>, vector<1x16xf32>,
        %get3A_193 = vector.shape_cast %get3A_192 : vector<1x16xf32> to vector<16xf32>
        %mul3A_194 = arith.mulf %get3A_193, %gather3A_129 : vector<16xf32>
        %swap3A_195 = arith.index_cast %scan3A_111 : i32 to index
        %swap3A_196 = arith.constant 96 : index
        %swap3A_197 = tpu.vector_load %arg17[%swap3A_195, %swap3A_196] {strides = array<i32>} : memref<128x128xf32, #tpu.memory_space<vmem>>, vector<1x16xf32>,
        %swap3A_198 = vector.shape_cast %swap3A_197 : vector<1x16xf32> to vector<16xf32>
        %swap3A_199 = vector.shape_cast %mul3A_194 : vector<16xf32> to vector<1x16xf32>
        tpu.vector_store %arg17[%swap3A_195, %swap3A_196], %swap3A_199 {strides = array<i32>} : memref<128x128xf32, #tpu.memory_space<vmem>>, vector<1x16xf32>,
        %get3A_200 = arith.index_cast %scan3A_111 : i32 to index
        %get3A_201 = arith.constant 112 : index
        %get3A_202 = tpu.vector_load %arg17[%get3A_200, %get3A_201] {strides = array<i32>} : memref<128x128xf32, #tpu.memory_space<vmem>>, vector<1x16xf32>,
        %get3A_203 = vector.shape_cast %get3A_202 : vector<1x16xf32> to vector<16xf32>
        %mul3A_204 = arith.mulf %get3A_203, %gather3A_129 : vector<16xf32>
        %swap3A_205 = arith.index_cast %scan3A_111 : i32 to index
        %swap3A_206 = arith.constant 112 : index
        %swap3A_207 = tpu.vector_load %arg17[%swap3A_205, %swap3A_206] {strides = array<i32>} : memref<128x128xf32, #tpu.memory_space<vmem>>, vector<1x16xf32>,
        %swap3A_208 = vector.shape_cast %swap3A_207 : vector<1x16xf32> to vector<16xf32>
        %swap3A_209 = vector.shape_cast %mul3A_204 : vector<16xf32> to vector<1x16xf32>
        tpu.vector_store %arg17[%swap3A_205, %swap3A_206], %swap3A_209 {strides = array<i32>} : memref<128x128xf32, #tpu.memory_space<vmem>>, vector<1x16xf32>,
      }
      %scan3A_110 = arith.constant 128 : i32
      "tpu.region"() ({
        %run_scoped3A = tpu.sem_alloc : memref<!tpu.dma_semaphore, #tpu.memory_space<semaphore_mem>>
        %dma_start3A_111 = arith.constant 0 : i32
        %dma_start3A_112 = arith.constant 0 : i32
        %dma_start3A_113 = tpu.memref_slice %arg18[%dma_start3A_111, %dma_start3A_112] : memref<10000x128xf32, #tpu.memory_space<vmem_shared>> -> memref<10000x128xf32, #tpu.memory_space<vmem_shared>>
        tpu.enqueue_indirect_dma source(%arg17 : memref<128x128xf32, #tpu.memory_space<vmem>>) target(%dma_start3A_113 : memref<10000x128xf32, #tpu.memory_space<vmem_shared>>) offsets(%arg13 : memref<128xi32, #tpu.memory_space<vmem>>) semaphore(%run_scoped3A : memref<!tpu.dma_semaphore, #tpu.memory_space<semaphore_mem>>) {add = true}
        %dma_wait3A_114 = arith.constant 0 : i32
        %dma_wait3A_115 = arith.constant 0 : i32
        %dma_wait3A_116 = tpu.memref_slice %arg18[%dma_wait3A_114, %dma_wait3A_115] : memref<10000x128xf32, #tpu.memory_space<vmem_shared>> -> memref<10000x128xf32, #tpu.memory_space<vmem_shared>>
        tpu.wait_indirect_dma semaphore(%run_scoped3A : memref<!tpu.dma_semaphore, #tpu.memory_space<semaphore_mem>>) src(%arg17 : memref<128x128xf32, #tpu.memory_space<vmem>>) dst(%dma_wait3A_116 : memref<10000x128xf32, #tpu.memory_space<vmem_shared>>)
        tpu.yield
      }) : () -> ()
    }
    %while3A_72 = arith.constant 1 : i32
    scf.for %while3A_80 = %while3A_70 to %while3A_66 step %while3A_72  : i32 {
      %add3A_81 = arith.addi %add3A, %while3A_80 : i32
      %mul3A_82 = arith.constant 128 : i32
      %mul3A_83 = arith.muli %add3A_81, %mul3A_82 : i32
      "tpu.region"() ({
        %run_scoped3A = tpu.sem_alloc : memref<!tpu.dma_semaphore, #tpu.memory_space<semaphore_mem>>
        %dma_start3A_111 = tpu.memref_slice %arg5[%mul3A_83] : memref<160000xi32, #tpu.memory_space<hbm>> -> memref<128xi32, #tpu.memory_space<hbm>>
        %dma_start3A_112 = tpu.memref_slice %arg5[%mul3A_83] : memref<160000xi32, #tpu.memory_space<hbm>> -> memref<128xi32, #tpu.memory_space<hbm>>
        tpu.enqueue_dma source(%dma_start3A_112 : memref<128xi32, #tpu.memory_space<hbm>>) target(%arg11 : memref<128xi32, #tpu.memory_space<vmem>>) target_semaphore(%run_scoped3A : memref<!tpu.dma_semaphore, #tpu.memory_space<semaphore_mem>>)
        %dma_wait3A_113 = tpu.memref_slice %arg5[%mul3A_83] : memref<160000xi32, #tpu.memory_space<hbm>> -> memref<128xi32, #tpu.memory_space<hbm>>
        %dma_wait3A_114 = tpu.memref_slice %arg5[%mul3A_83] : memref<160000xi32, #tpu.memory_space<hbm>> -> memref<128xi32, #tpu.memory_space<hbm>>
        tpu.wait_dma2 semaphore(%run_scoped3A : memref<!tpu.dma_semaphore, #tpu.memory_space<semaphore_mem>>) src(%dma_wait3A_114 : memref<128xi32, #tpu.memory_space<hbm>>) dst(%arg11 : memref<128xi32, #tpu.memory_space<vmem>>)
        tpu.yield
      }) : () -> ()
      "tpu.region"() ({
        %run_scoped3A = tpu.sem_alloc : memref<!tpu.dma_semaphore, #tpu.memory_space<semaphore_mem>>
        %dma_start3A_111 = tpu.memref_slice %arg6[%mul3A_83] : memref<160000xi32, #tpu.memory_space<hbm>> -> memref<128xi32, #tpu.memory_space<hbm>>
        %dma_start3A_112 = tpu.memref_slice %arg6[%mul3A_83] : memref<160000xi32, #tpu.memory_space<hbm>> -> memref<128xi32, #tpu.memory_space<hbm>>
        tpu.enqueue_dma source(%dma_start3A_112 : memref<128xi32, #tpu.memory_space<hbm>>) target(%arg13 : memref<128xi32, #tpu.memory_space<vmem>>) target_semaphore(%run_scoped3A : memref<!tpu.dma_semaphore, #tpu.memory_space<semaphore_mem>>)
        %dma_wait3A_113 = tpu.memref_slice %arg6[%mul3A_83] : memref<160000xi32, #tpu.memory_space<hbm>> -> memref<128xi32, #tpu.memory_space<hbm>>
        %dma_wait3A_114 = tpu.memref_slice %arg6[%mul3A_83] : memref<160000xi32, #tpu.memory_space<hbm>> -> memref<128xi32, #tpu.memory_space<hbm>>
        tpu.wait_dma2 semaphore(%run_scoped3A : memref<!tpu.dma_semaphore, #tpu.memory_space<semaphore_mem>>) src(%dma_wait3A_114 : memref<128xi32, #tpu.memory_space<hbm>>) dst(%arg13 : memref<128xi32, #tpu.memory_space<vmem>>)
        tpu.yield
      }) : () -> ()
      %dma_start3A = arith.constant 0 : i32
      %dma_start3A_84 = arith.constant 0 : i32
      %dma_start3A_85 = tpu.memref_slice %arg2[%dma_start3A, %dma_start3A_84] : memref<10000x16xf32, #tpu.memory_space<hbm>> -> memref<10000x16xf32, #tpu.memory_space<hbm>>
      tpu.enqueue_indirect_dma source(%dma_start3A_85 : memref<10000x16xf32, #tpu.memory_space<hbm>>) target(%arg14 : memref<128x16xf32, #tpu.memory_space<vmem>>) offsets(%arg11 : memref<128xi32, #tpu.memory_space<vmem>>) semaphore(%arg20 : memref<!tpu.dma_semaphore, #tpu.memory_space<semaphore_mem>>)
      %dma_start3A_86 = arith.constant 0 : i32
      %dma_start3A_87 = arith.constant 0 : i32
      %dma_start3A_88 = tpu.memref_slice %arg3[%dma_start3A_86, %dma_start3A_87] : memref<10000x16xf32, #tpu.memory_space<hbm>> -> memref<10000x16xf32, #tpu.memory_space<hbm>>
      tpu.enqueue_indirect_dma source(%dma_start3A_88 : memref<10000x16xf32, #tpu.memory_space<hbm>>) target(%arg15 : memref<128x16xf32, #tpu.memory_space<vmem>>) offsets(%arg13 : memref<128xi32, #tpu.memory_space<vmem>>) semaphore(%arg21 : memref<!tpu.dma_semaphore, #tpu.memory_space<semaphore_mem>>)
      %scan3A = arith.constant 0 : i32
      %scan3A_89 = arith.constant 0 : i32
      %scan3A_90 = arith.constant 8 : i32
      %scan3A_91 = arith.addi %scan3A_89, %scan3A_90 : i32
      %scan3A_92 = arith.constant 1 : i32
      scf.for %scan3A_111 = %scan3A_89 to %scan3A_91 step %scan3A_92  : i32 {
        %mul3A_112 = arith.constant 16 : i32
        %mul3A_113 = arith.muli %scan3A_111, %mul3A_112 : i32
        %get3A = arith.index_cast %mul3A_113 : i32 to index
        %get3A_114 = tpu.vector_load %arg11[%get3A] {strides = array<i32>} : memref<128xi32, #tpu.memory_space<vmem>>, vector<16xi32>,
        %get3A_115 = vector.shape_cast %get3A_114 : vector<16xi32> to vector<16xi32>
        %mul3A_116 = arith.constant 10000 : i32
        %mul3A_117 = arith.muli %add3A_48, %mul3A_116 : i32
        %add3A_118 = vector.broadcast %mul3A_117 : i32 to vector<16xi32>
        %add3A_119 = arith.addi %get3A_115, %add3A_118 : vector<16xi32>
        %mul3A_120 = arith.constant 16 : i32
        %mul3A_121 = arith.muli %scan3A_111, %mul3A_120 : i32
        %swap3A = arith.index_cast %mul3A_121 : i32 to index
        %swap3A_122 = tpu.vector_load %arg12[%swap3A] {strides = array<i32>} : memref<128xi32, #tpu.memory_space<vmem>>, vector<16xi32>,
        %swap3A_123 = vector.shape_cast %swap3A_122 : vector<16xi32> to vector<16xi32>
        %swap3A_124 = vector.shape_cast %add3A_119 : vector<16xi32> to vector<16xi32>
        tpu.vector_store %arg12[%swap3A], %swap3A_124 {strides = array<i32>} : memref<128xi32, #tpu.memory_space<vmem>>, vector<16xi32>,
      }
      %scan3A_93 = arith.constant 8 : i32
      %dma_start3A_94 = arith.constant 0 : i32
      %dma_start3A_95 = arith.constant 0 : i32
      %dma_start3A_96 = tpu.memref_slice %arg4[%dma_start3A_94, %dma_start3A_95] : memref<40000x128xf32, #tpu.memory_space<hbm>> -> memref<40000x128xf32, #tpu.memory_space<hbm>>
      tpu.enqueue_indirect_dma source(%dma_start3A_96 : memref<40000x128xf32, #tpu.memory_space<hbm>>) target(%arg17 : memref<128x128xf32, #tpu.memory_space<vmem>>) offsets(%arg12 : memref<128xi32, #tpu.memory_space<vmem>>) semaphore(%arg22 : memref<!tpu.dma_semaphore, #tpu.memory_space<semaphore_mem>>)
      %dma_wait3A = arith.constant 0 : i32
      %dma_wait3A_97 = arith.constant 0 : i32
      %dma_wait3A_98 = tpu.memref_slice %arg2[%dma_wait3A, %dma_wait3A_97] : memref<10000x16xf32, #tpu.memory_space<hbm>> -> memref<10000x16xf32, #tpu.memory_space<hbm>>
      tpu.wait_indirect_dma semaphore(%arg20 : memref<!tpu.dma_semaphore, #tpu.memory_space<semaphore_mem>>) src(%dma_wait3A_98 : memref<10000x16xf32, #tpu.memory_space<hbm>>) dst(%arg14 : memref<128x16xf32, #tpu.memory_space<vmem>>)
      %dma_wait3A_99 = arith.constant 0 : i32
      %dma_wait3A_100 = arith.constant 0 : i32
      %dma_wait3A_101 = tpu.memref_slice %arg3[%dma_wait3A_99, %dma_wait3A_100] : memref<10000x16xf32, #tpu.memory_space<hbm>> -> memref<10000x16xf32, #tpu.memory_space<hbm>>
      tpu.wait_indirect_dma semaphore(%arg21 : memref<!tpu.dma_semaphore, #tpu.memory_space<semaphore_mem>>) src(%dma_wait3A_101 : memref<10000x16xf32, #tpu.memory_space<hbm>>) dst(%arg15 : memref<128x16xf32, #tpu.memory_space<vmem>>)
      %dma_wait3A_102 = arith.constant 0 : i32
      %dma_wait3A_103 = arith.constant 0 : i32
      %dma_wait3A_104 = tpu.memref_slice %arg4[%dma_wait3A_102, %dma_wait3A_103] : memref<40000x128xf32, #tpu.memory_space<hbm>> -> memref<40000x128xf32, #tpu.memory_space<hbm>>
      tpu.wait_indirect_dma semaphore(%arg22 : memref<!tpu.dma_semaphore, #tpu.memory_space<semaphore_mem>>) src(%dma_wait3A_104 : memref<40000x128xf32, #tpu.memory_space<hbm>>) dst(%arg17 : memref<128x128xf32, #tpu.memory_space<vmem>>)
      %scan3A_105 = arith.constant 0 : i32
      %scan3A_106 = arith.constant 0 : i32
      %scan3A_107 = arith.constant 128 : i32
      %scan3A_108 = arith.addi %scan3A_106, %scan3A_107 : i32
      %scan3A_109 = arith.constant 1 : i32
      scf.for %scan3A_111 = %scan3A_106 to %scan3A_108 step %scan3A_109  : i32 {
        %get3A = arith.index_cast %scan3A_111 : i32 to index
        %get3A_112 = arith.constant 0 : index
        %get3A_113 = tpu.vector_load %arg14[%get3A, %get3A_112] {strides = array<i32>} : memref<128x16xf32, #tpu.memory_space<vmem>>, vector<1x16xf32>,
        %get3A_114 = vector.shape_cast %get3A_113 : vector<1x16xf32> to vector<16xf32>
        %get3A_115 = arith.index_cast %scan3A_111 : i32 to index
        %get3A_116 = arith.constant 0 : index
        %get3A_117 = tpu.vector_load %arg15[%get3A_115, %get3A_116] {strides = array<i32>} : memref<128x16xf32, #tpu.memory_space<vmem>>, vector<1x16xf32>,
        %get3A_118 = vector.shape_cast %get3A_117 : vector<1x16xf32> to vector<16xf32>
        %add3A_119 = arith.addf %get3A_114, %get3A_118 : vector<16xf32>
        %mul3A_120 = arith.constant 2.000000e-01 : f32
        %mul3A_121 = vector.broadcast %mul3A_120 : f32 to vector<16xf32>
        %mul3A_122 = arith.mulf %mul3A_121, %add3A_119 : vector<16xf32>
        %max3A = arith.maximumf %add3A_119, %mul3A_122 : vector<16xf32>
        %exp3A = math.exp %max3A : vector<16xf32>
        %swap3A = arith.index_cast %scan3A_111 : i32 to index
        %swap3A_123 = arith.constant 0 : index
        %swap3A_124 = tpu.vector_load %arg16[%swap3A, %swap3A_123] {strides = array<i32>} : memref<128x16xf32, #tpu.memory_space<vmem>>, vector<1x16xf32>,
        %swap3A_125 = vector.shape_cast %swap3A_124 : vector<1x16xf32> to vector<16xf32>
        %swap3A_126 = vector.shape_cast %exp3A : vector<16xf32> to vector<1x16xf32>
        tpu.vector_store %arg16[%swap3A, %swap3A_123], %swap3A_126 {strides = array<i32>} : memref<128x16xf32, #tpu.memory_space<vmem>>, vector<1x16xf32>,
        %gather3A = vector.shape_cast %broadcast_in_dim3A_52 : vector<16x1xi32> to vector<16xi32>
        %gather3A_127 = tpu.dynamic_gather %exp3A[%gather3A] in [0] : vector<16xf32>, vector<16xi32> -> vector<16xf32>
        %gather3A_128 = vector.shape_cast %broadcast_in_dim3A_56 : vector<16x1xi32> to vector<16xi32>
        %gather3A_129 = tpu.dynamic_gather %exp3A[%gather3A_128] in [0] : vector<16xf32>, vector<16xi32> -> vector<16xf32>
        %get3A_130 = arith.index_cast %scan3A_111 : i32 to index
        %get3A_131 = arith.constant 0 : index
        %get3A_132 = tpu.vector_load %arg17[%get3A_130, %get3A_131] {strides = array<i32>} : memref<128x128xf32, #tpu.memory_space<vmem>>, vector<1x16xf32>,
        %get3A_133 = vector.shape_cast %get3A_132 : vector<1x16xf32> to vector<16xf32>
        %mul3A_134 = arith.mulf %get3A_133, %gather3A_127 : vector<16xf32>
        %swap3A_135 = arith.index_cast %scan3A_111 : i32 to index
        %swap3A_136 = arith.constant 0 : index
        %swap3A_137 = tpu.vector_load %arg17[%swap3A_135, %swap3A_136] {strides = array<i32>} : memref<128x128xf32, #tpu.memory_space<vmem>>, vector<1x16xf32>,
        %swap3A_138 = vector.shape_cast %swap3A_137 : vector<1x16xf32> to vector<16xf32>
        %swap3A_139 = vector.shape_cast %mul3A_134 : vector<16xf32> to vector<1x16xf32>
        tpu.vector_store %arg17[%swap3A_135, %swap3A_136], %swap3A_139 {strides = array<i32>} : memref<128x128xf32, #tpu.memory_space<vmem>>, vector<1x16xf32>,
        %get3A_140 = arith.index_cast %scan3A_111 : i32 to index
        %get3A_141 = arith.constant 16 : index
        %get3A_142 = tpu.vector_load %arg17[%get3A_140, %get3A_141] {strides = array<i32>} : memref<128x128xf32, #tpu.memory_space<vmem>>, vector<1x16xf32>,
        %get3A_143 = vector.shape_cast %get3A_142 : vector<1x16xf32> to vector<16xf32>
        %mul3A_144 = arith.mulf %get3A_143, %gather3A_127 : vector<16xf32>
        %swap3A_145 = arith.index_cast %scan3A_111 : i32 to index
        %swap3A_146 = arith.constant 16 : index
        %swap3A_147 = tpu.vector_load %arg17[%swap3A_145, %swap3A_146] {strides = array<i32>} : memref<128x128xf32, #tpu.memory_space<vmem>>, vector<1x16xf32>,
        %swap3A_148 = vector.shape_cast %swap3A_147 : vector<1x16xf32> to vector<16xf32>
        %swap3A_149 = vector.shape_cast %mul3A_144 : vector<16xf32> to vector<1x16xf32>
        tpu.vector_store %arg17[%swap3A_145, %swap3A_146], %swap3A_149 {strides = array<i32>} : memref<128x128xf32, #tpu.memory_space<vmem>>, vector<1x16xf32>,
        %get3A_150 = arith.index_cast %scan3A_111 : i32 to index
        %get3A_151 = arith.constant 32 : index
        %get3A_152 = tpu.vector_load %arg17[%get3A_150, %get3A_151] {strides = array<i32>} : memref<128x128xf32, #tpu.memory_space<vmem>>, vector<1x16xf32>,
        %get3A_153 = vector.shape_cast %get3A_152 : vector<1x16xf32> to vector<16xf32>
        %mul3A_154 = arith.mulf %get3A_153, %gather3A_127 : vector<16xf32>
        %swap3A_155 = arith.index_cast %scan3A_111 : i32 to index
        %swap3A_156 = arith.constant 32 : index
        %swap3A_157 = tpu.vector_load %arg17[%swap3A_155, %swap3A_156] {strides = array<i32>} : memref<128x128xf32, #tpu.memory_space<vmem>>, vector<1x16xf32>,
        %swap3A_158 = vector.shape_cast %swap3A_157 : vector<1x16xf32> to vector<16xf32>
        %swap3A_159 = vector.shape_cast %mul3A_154 : vector<16xf32> to vector<1x16xf32>
        tpu.vector_store %arg17[%swap3A_155, %swap3A_156], %swap3A_159 {strides = array<i32>} : memref<128x128xf32, #tpu.memory_space<vmem>>, vector<1x16xf32>,
        %get3A_160 = arith.index_cast %scan3A_111 : i32 to index
        %get3A_161 = arith.constant 48 : index
        %get3A_162 = tpu.vector_load %arg17[%get3A_160, %get3A_161] {strides = array<i32>} : memref<128x128xf32, #tpu.memory_space<vmem>>, vector<1x16xf32>,
        %get3A_163 = vector.shape_cast %get3A_162 : vector<1x16xf32> to vector<16xf32>
        %mul3A_164 = arith.mulf %get3A_163, %gather3A_127 : vector<16xf32>
        %swap3A_165 = arith.index_cast %scan3A_111 : i32 to index
        %swap3A_166 = arith.constant 48 : index
        %swap3A_167 = tpu.vector_load %arg17[%swap3A_165, %swap3A_166] {strides = array<i32>} : memref<128x128xf32, #tpu.memory_space<vmem>>, vector<1x16xf32>,
        %swap3A_168 = vector.shape_cast %swap3A_167 : vector<1x16xf32> to vector<16xf32>
        %swap3A_169 = vector.shape_cast %mul3A_164 : vector<16xf32> to vector<1x16xf32>
        tpu.vector_store %arg17[%swap3A_165, %swap3A_166], %swap3A_169 {strides = array<i32>} : memref<128x128xf32, #tpu.memory_space<vmem>>, vector<1x16xf32>,
        %get3A_170 = arith.index_cast %scan3A_111 : i32 to index
        %get3A_171 = arith.constant 64 : index
        %get3A_172 = tpu.vector_load %arg17[%get3A_170, %get3A_171] {strides = array<i32>} : memref<128x128xf32, #tpu.memory_space<vmem>>, vector<1x16xf32>,
        %get3A_173 = vector.shape_cast %get3A_172 : vector<1x16xf32> to vector<16xf32>
        %mul3A_174 = arith.mulf %get3A_173, %gather3A_129 : vector<16xf32>
        %swap3A_175 = arith.index_cast %scan3A_111 : i32 to index
        %swap3A_176 = arith.constant 64 : index
        %swap3A_177 = tpu.vector_load %arg17[%swap3A_175, %swap3A_176] {strides = array<i32>} : memref<128x128xf32, #tpu.memory_space<vmem>>, vector<1x16xf32>,
        %swap3A_178 = vector.shape_cast %swap3A_177 : vector<1x16xf32> to vector<16xf32>
        %swap3A_179 = vector.shape_cast %mul3A_174 : vector<16xf32> to vector<1x16xf32>
        tpu.vector_store %arg17[%swap3A_175, %swap3A_176], %swap3A_179 {strides = array<i32>} : memref<128x128xf32, #tpu.memory_space<vmem>>, vector<1x16xf32>,
        %get3A_180 = arith.index_cast %scan3A_111 : i32 to index
        %get3A_181 = arith.constant 80 : index
        %get3A_182 = tpu.vector_load %arg17[%get3A_180, %get3A_181] {strides = array<i32>} : memref<128x128xf32, #tpu.memory_space<vmem>>, vector<1x16xf32>,
        %get3A_183 = vector.shape_cast %get3A_182 : vector<1x16xf32> to vector<16xf32>
        %mul3A_184 = arith.mulf %get3A_183, %gather3A_129 : vector<16xf32>
        %swap3A_185 = arith.index_cast %scan3A_111 : i32 to index
        %swap3A_186 = arith.constant 80 : index
        %swap3A_187 = tpu.vector_load %arg17[%swap3A_185, %swap3A_186] {strides = array<i32>} : memref<128x128xf32, #tpu.memory_space<vmem>>, vector<1x16xf32>,
        %swap3A_188 = vector.shape_cast %swap3A_187 : vector<1x16xf32> to vector<16xf32>
        %swap3A_189 = vector.shape_cast %mul3A_184 : vector<16xf32> to vector<1x16xf32>
        tpu.vector_store %arg17[%swap3A_185, %swap3A_186], %swap3A_189 {strides = array<i32>} : memref<128x128xf32, #tpu.memory_space<vmem>>, vector<1x16xf32>,
        %get3A_190 = arith.index_cast %scan3A_111 : i32 to index
        %get3A_191 = arith.constant 96 : index
        %get3A_192 = tpu.vector_load %arg17[%get3A_190, %get3A_191] {strides = array<i32>} : memref<128x128xf32, #tpu.memory_space<vmem>>, vector<1x16xf32>,
        %get3A_193 = vector.shape_cast %get3A_192 : vector<1x16xf32> to vector<16xf32>
        %mul3A_194 = arith.mulf %get3A_193, %gather3A_129 : vector<16xf32>
        %swap3A_195 = arith.index_cast %scan3A_111 : i32 to index
        %swap3A_196 = arith.constant 96 : index
        %swap3A_197 = tpu.vector_load %arg17[%swap3A_195, %swap3A_196] {strides = array<i32>} : memref<128x128xf32, #tpu.memory_space<vmem>>, vector<1x16xf32>,
        %swap3A_198 = vector.shape_cast %swap3A_197 : vector<1x16xf32> to vector<16xf32>
        %swap3A_199 = vector.shape_cast %mul3A_194 : vector<16xf32> to vector<1x16xf32>
        tpu.vector_store %arg17[%swap3A_195, %swap3A_196], %swap3A_199 {strides = array<i32>} : memref<128x128xf32, #tpu.memory_space<vmem>>, vector<1x16xf32>,
        %get3A_200 = arith.index_cast %scan3A_111 : i32 to index
        %get3A_201 = arith.constant 112 : index
        %get3A_202 = tpu.vector_load %arg17[%get3A_200, %get3A_201] {strides = array<i32>} : memref<128x128xf32, #tpu.memory_space<vmem>>, vector<1x16xf32>,
        %get3A_203 = vector.shape_cast %get3A_202 : vector<1x16xf32> to vector<16xf32>
        %mul3A_204 = arith.mulf %get3A_203, %gather3A_129 : vector<16xf32>
        %swap3A_205 = arith.index_cast %scan3A_111 : i32 to index
        %swap3A_206 = arith.constant 112 : index
        %swap3A_207 = tpu.vector_load %arg17[%swap3A_205, %swap3A_206] {strides = array<i32>} : memref<128x128xf32, #tpu.memory_space<vmem>>, vector<1x16xf32>,
        %swap3A_208 = vector.shape_cast %swap3A_207 : vector<1x16xf32> to vector<16xf32>
        %swap3A_209 = vector.shape_cast %mul3A_204 : vector<16xf32> to vector<1x16xf32>
        tpu.vector_store %arg17[%swap3A_205, %swap3A_206], %swap3A_209 {strides = array<i32>} : memref<128x128xf32, #tpu.memory_space<vmem>>, vector<1x16xf32>,
      }
      %scan3A_110 = arith.constant 128 : i32
      "tpu.region"() ({
        %run_scoped3A = tpu.sem_alloc : memref<!tpu.dma_semaphore, #tpu.memory_space<semaphore_mem>>
        %dma_start3A_111 = arith.constant 0 : i32
        %dma_start3A_112 = arith.constant 0 : i32
        %dma_start3A_113 = tpu.memref_slice %arg18[%dma_start3A_111, %dma_start3A_112] : memref<10000x128xf32, #tpu.memory_space<vmem_shared>> -> memref<10000x128xf32, #tpu.memory_space<vmem_shared>>
        tpu.enqueue_indirect_dma source(%arg17 : memref<128x128xf32, #tpu.memory_space<vmem>>) target(%dma_start3A_113 : memref<10000x128xf32, #tpu.memory_space<vmem_shared>>) offsets(%arg13 : memref<128xi32, #tpu.memory_space<vmem>>) semaphore(%run_scoped3A : memref<!tpu.dma_semaphore, #tpu.memory_space<semaphore_mem>>) {add = true}
        %dma_wait3A_114 = arith.constant 0 : i32
        %dma_wait3A_115 = arith.constant 0 : i32
        %dma_wait3A_116 = tpu.memref_slice %arg18[%dma_wait3A_114, %dma_wait3A_115] : memref<10000x128xf32, #tpu.memory_space<vmem_shared>> -> memref<10000x128xf32, #tpu.memory_space<vmem_shared>>
        tpu.wait_indirect_dma semaphore(%run_scoped3A : memref<!tpu.dma_semaphore, #tpu.memory_space<semaphore_mem>>) src(%arg17 : memref<128x128xf32, #tpu.memory_space<vmem>>) dst(%dma_wait3A_116 : memref<10000x128xf32, #tpu.memory_space<vmem_shared>>)
        tpu.yield
      }) : () -> ()
    }
    %barrier3A_73 = arith.constant 0 : index
    tpu.barrier barrier_id(%barrier3A_73)
    %lt3A_74 = arith.constant 10 : i32
    %lt3A_75 = arith.cmpi slt, %arg1, %lt3A_74 : i32
    %convert_element_type3A_76 = arith.extui %lt3A_75 : i1 to i32
    %cond3A_77 = arith.constant 0 : i32
    %cond3A_78 = arith.cmpi ne, %convert_element_type3A_76, %cond3A_77 : i32
    scf.if %cond3A_78 {
      %mul3A_80 = arith.constant 1000 : i32
      %mul3A_81 = arith.muli %arg1, %mul3A_80 : i32
      %mul3A_82 = arith.constant 10000 : i32
      %mul3A_83 = arith.muli %add3A_48, %mul3A_82 : i32
      %mul3A_84 = arith.constant 1000 : i32
      %mul3A_85 = arith.muli %arg1, %mul3A_84 : i32
      %add3A_86 = arith.addi %mul3A_83, %mul3A_85 : i32
      "tpu.region"() ({
        %run_scoped3A = tpu.sem_alloc : memref<!tpu.dma_semaphore, #tpu.memory_space<semaphore_mem>>
        %dma_start3A = arith.constant 0 : i32
        %dma_start3A_87 = tpu.memref_slice %arg9[%add3A_86, %dma_start3A] : memref<40000x128xf32, #tpu.memory_space<hbm>> -> memref<1000x128xf32, #tpu.memory_space<hbm>>
        %dma_start3A_88 = arith.constant 0 : i32
        %dma_start3A_89 = tpu.memref_slice %arg18[%mul3A_81, %dma_start3A_88] : memref<10000x128xf32, #tpu.memory_space<vmem_shared>> -> memref<1000x128xf32, #tpu.memory_space<vmem_shared>>
        tpu.enqueue_dma source(%dma_start3A_89 : memref<1000x128xf32, #tpu.memory_space<vmem_shared>>) target(%dma_start3A_87 : memref<1000x128xf32, #tpu.memory_space<hbm>>) target_semaphore(%run_scoped3A : memref<!tpu.dma_semaphore, #tpu.memory_space<semaphore_mem>>)
        %dma_wait3A = arith.constant 0 : i32
        %dma_wait3A_90 = tpu.memref_slice %arg9[%add3A_86, %dma_wait3A] : memref<40000x128xf32, #tpu.memory_space<hbm>> -> memref<1000x128xf32, #tpu.memory_space<hbm>>
        %dma_wait3A_91 = arith.constant 0 : i32
        %dma_wait3A_92 = tpu.memref_slice %arg18[%mul3A_81, %dma_wait3A_91] : memref<10000x128xf32, #tpu.memory_space<vmem_shared>> -> memref<1000x128xf32, #tpu.memory_space<vmem_shared>>
        tpu.wait_dma2 semaphore(%run_scoped3A : memref<!tpu.dma_semaphore, #tpu.memory_space<semaphore_mem>>) src(%dma_wait3A_92 : memref<1000x128xf32, #tpu.memory_space<vmem_shared>>) dst(%dma_wait3A_90 : memref<1000x128xf32, #tpu.memory_space<hbm>>)
        tpu.yield
      }) : () -> ()
    } else {
    }
    %barrier3A_79 = arith.constant 0 : index
    tpu.barrier barrier_id(%barrier3A_79)
    return
  }
}

#map = affine_map<(d0, d1) -> (0, 0)>
#map1 = affine_map<(d0, d1) -> (0)>
module attributes {stable_mosaic.version = 14 : i64} {
  func.func @_sc_edge_body(%arg0: i32, %arg1: i32, %arg2: memref<10000x16xf32, #tpu.memory_space<hbm>>, %arg3: memref<10000x16xf32, #tpu.memory_space<hbm>>, %arg4: memref<40000x128xf32, #tpu.memory_space<hbm>>, %arg5: memref<160000xi32, #tpu.memory_space<hbm>>, %arg6: memref<160000xi32, #tpu.memory_space<hbm>>, %arg7: memref<1000x128xf32, #tpu.memory_space<hbm>>, %arg8: memref<1000x16xf32, #tpu.memory_space<hbm>>, %arg9: memref<40000x128xf32, #tpu.memory_space<hbm>>, %arg10: memref<10000x16xf32, #tpu.memory_space<hbm>>, %arg11: memref<128xi32, #tpu.memory_space<vmem>>, %arg12: memref<128xi32, #tpu.memory_space<vmem>>, %arg13: memref<128xi32, #tpu.memory_space<vmem>>, %arg14: memref<128x16xf32, #tpu.memory_space<vmem>>, %arg15: memref<128x16xf32, #tpu.memory_space<vmem>>, %arg16: memref<128x16xf32, #tpu.memory_space<vmem>>, %arg17: memref<128x128xf32, #tpu.memory_space<vmem>>, %arg18: memref<10000x128xf32, #tpu.memory_space<vmem_shared>>, %arg19: memref<10000x16xf32, #tpu.memory_space<vmem_shared>>, %arg20: memref<!tpu.dma_semaphore, #tpu.memory_space<semaphore_mem>>, %arg21: memref<!tpu.dma_semaphore, #tpu.memory_space<semaphore_mem>>, %arg22: memref<!tpu.dma_semaphore, #tpu.memory_space<semaphore_mem>>) attributes {dimension_semantics = [#tpu.dimension_semantics<core_parallel>, #tpu.dimension_semantics<subcore_parallel>], iteration_bounds = array<i64: 2, 16>, scalar_prefetch = 0 : i64, scratch_operands = 12 : i64, tpu.core_type = #tpu.core_type<sc_vector_subcore>, window_params = [{transform_indices = #map}, {transform_indices = #map}, {transform_indices = #map}, {transform_indices = #map1}, {transform_indices = #map1}, {transform_indices = #map}, {transform_indices = #map}, {transform_indices = #map}, {transform_indices = #map}]} {
    %lt3A = arith.constant 2 : i32
    %lt3A_0 = arith.cmpi slt, %arg1, %lt3A : i32
    %jit3A = arith.constant 79 : i32
    %jit3A_1 = arith.constant 78 : i32
    %select_n3A = arith.select %lt3A_0, %jit3A, %jit3A_1 : i32
    %mul3A = arith.constant 78 : i32
    %mul3A_2 = arith.muli %arg1, %mul3A : i32
    %min3A = arith.constant 2 : i32
    %min3A_3 = arith.minsi %arg1, %min3A : i32
    %add3A = arith.addi %mul3A_2, %min3A_3 : i32
    %mul3A_4 = arith.constant 2 : i32
    %mul3A_5 = arith.muli %mul3A_4, %arg0 : i32
    %add3A_6 = arith.constant 0 : i32
    %add3A_7 = arith.addi %mul3A_5, %add3A_6 : i32
    %mul3A_8 = arith.constant 2 : i32
    %mul3A_9 = arith.muli %mul3A_8, %add3A_7 : i32
    %broadcast_in_dim3A = vector.broadcast %mul3A_9 : i32 to vector<16xi32>
    %broadcast_in_dim3A_10 = vector.shape_cast %broadcast_in_dim3A : vector<16xi32> to vector<16x1xi32>
    %add3A_11 = arith.constant 1 : i32
    %add3A_12 = arith.addi %mul3A_9, %add3A_11 : i32
    %broadcast_in_dim3A_13 = vector.broadcast %add3A_12 : i32 to vector<16xi32>
    %broadcast_in_dim3A_14 = vector.shape_cast %broadcast_in_dim3A_13 : vector<16xi32> to vector<16x1xi32>
    %lt3A_15 = arith.constant 10 : i32
    %lt3A_16 = arith.cmpi slt, %arg1, %lt3A_15 : i32
    %convert_element_type3A = arith.extui %lt3A_16 : i1 to i32
    %cond3A = arith.constant 0 : i32
    %cond3A_17 = arith.cmpi ne, %convert_element_type3A, %cond3A : i32
    scf.if %cond3A_17 {
      %mul3A_80 = arith.constant 1000 : i32
      %mul3A_81 = arith.muli %arg1, %mul3A_80 : i32
      "tpu.region"() ({
        %run_scoped3A = tpu.sem_alloc : memref<!tpu.dma_semaphore, #tpu.memory_space<semaphore_mem>>
        %dma_start3A = arith.constant 0 : i32
        %dma_start3A_82 = tpu.memref_slice %arg18[%mul3A_81, %dma_start3A] : memref<10000x128xf32, #tpu.memory_space<vmem_shared>> -> memref<1000x128xf32, #tpu.memory_space<vmem_shared>>
        tpu.enqueue_dma source(%arg7 : memref<1000x128xf32, #tpu.memory_space<hbm>>) target(%dma_start3A_82 : memref<1000x128xf32, #tpu.memory_space<vmem_shared>>) target_semaphore(%run_scoped3A : memref<!tpu.dma_semaphore, #tpu.memory_space<semaphore_mem>>)
        %dma_wait3A = arith.constant 0 : i32
        %dma_wait3A_83 = tpu.memref_slice %arg18[%mul3A_81, %dma_wait3A] : memref<10000x128xf32, #tpu.memory_space<vmem_shared>> -> memref<1000x128xf32, #tpu.memory_space<vmem_shared>>
        tpu.wait_dma2 semaphore(%run_scoped3A : memref<!tpu.dma_semaphore, #tpu.memory_space<semaphore_mem>>) src(%arg7 : memref<1000x128xf32, #tpu.memory_space<hbm>>) dst(%dma_wait3A_83 : memref<1000x128xf32, #tpu.memory_space<vmem_shared>>)
        tpu.yield
      }) : () -> ()
    } else {
    }
    %lt3A_18 = arith.constant 10 : i32
    %lt3A_19 = arith.cmpi slt, %arg1, %lt3A_18 : i32
    %convert_element_type3A_20 = arith.extui %lt3A_19 : i1 to i32
    %cond3A_21 = arith.constant 0 : i32
    %cond3A_22 = arith.cmpi ne, %convert_element_type3A_20, %cond3A_21 : i32
    scf.if %cond3A_22 {
      %mul3A_80 = arith.constant 1000 : i32
      %mul3A_81 = arith.muli %arg1, %mul3A_80 : i32
      "tpu.region"() ({
        %run_scoped3A = tpu.sem_alloc : memref<!tpu.dma_semaphore, #tpu.memory_space<semaphore_mem>>
        %dma_start3A = arith.constant 0 : i32
        %dma_start3A_82 = tpu.memref_slice %arg19[%mul3A_81, %dma_start3A] : memref<10000x16xf32, #tpu.memory_space<vmem_shared>> -> memref<1000x16xf32, #tpu.memory_space<vmem_shared>>
        tpu.enqueue_dma source(%arg8 : memref<1000x16xf32, #tpu.memory_space<hbm>>) target(%dma_start3A_82 : memref<1000x16xf32, #tpu.memory_space<vmem_shared>>) target_semaphore(%run_scoped3A : memref<!tpu.dma_semaphore, #tpu.memory_space<semaphore_mem>>)
        %dma_wait3A = arith.constant 0 : i32
        %dma_wait3A_83 = tpu.memref_slice %arg19[%mul3A_81, %dma_wait3A] : memref<10000x16xf32, #tpu.memory_space<vmem_shared>> -> memref<1000x16xf32, #tpu.memory_space<vmem_shared>>
        tpu.wait_dma2 semaphore(%run_scoped3A : memref<!tpu.dma_semaphore, #tpu.memory_space<semaphore_mem>>) src(%arg8 : memref<1000x16xf32, #tpu.memory_space<hbm>>) dst(%dma_wait3A_83 : memref<1000x16xf32, #tpu.memory_space<vmem_shared>>)
        tpu.yield
      }) : () -> ()
    } else {
    }
    %barrier3A = arith.constant 0 : index
    tpu.barrier barrier_id(%barrier3A)
    %while3A = arith.constant 0 : i32
    %while3A_23 = arith.constant 0 : i32
    %while3A_24 = arith.subi %select_n3A, %while3A_23 : i32
    %while3A_25 = arith.addi %while3A_23, %while3A_24 : i32
    %while3A_26 = arith.constant 1 : i32
    %while3A_27 = arith.divsi %while3A_24, %while3A_26 : i32
    %while3A_28 = arith.muli %while3A_27, %while3A_26 : i32
    %while3A_29 = arith.addi %while3A_23, %while3A_28 : i32
    %while3A_30 = arith.constant 1 : i32
    scf.for %while3A_80 = %while3A_23 to %while3A_29 step %while3A_30  : i32 {
      %add3A_81 = arith.addi %add3A, %while3A_80 : i32
      %mul3A_82 = arith.constant 128 : i32
      %mul3A_83 = arith.muli %add3A_81, %mul3A_82 : i32
      "tpu.region"() ({
        %run_scoped3A = tpu.sem_alloc : memref<!tpu.dma_semaphore, #tpu.memory_space<semaphore_mem>>
        %dma_start3A_111 = tpu.memref_slice %arg5[%mul3A_83] : memref<160000xi32, #tpu.memory_space<hbm>> -> memref<128xi32, #tpu.memory_space<hbm>>
        %dma_start3A_112 = tpu.memref_slice %arg5[%mul3A_83] : memref<160000xi32, #tpu.memory_space<hbm>> -> memref<128xi32, #tpu.memory_space<hbm>>
        tpu.enqueue_dma source(%dma_start3A_112 : memref<128xi32, #tpu.memory_space<hbm>>) target(%arg11 : memref<128xi32, #tpu.memory_space<vmem>>) target_semaphore(%run_scoped3A : memref<!tpu.dma_semaphore, #tpu.memory_space<semaphore_mem>>)
        %dma_wait3A_113 = tpu.memref_slice %arg5[%mul3A_83] : memref<160000xi32, #tpu.memory_space<hbm>> -> memref<128xi32, #tpu.memory_space<hbm>>
        %dma_wait3A_114 = tpu.memref_slice %arg5[%mul3A_83] : memref<160000xi32, #tpu.memory_space<hbm>> -> memref<128xi32, #tpu.memory_space<hbm>>
        tpu.wait_dma2 semaphore(%run_scoped3A : memref<!tpu.dma_semaphore, #tpu.memory_space<semaphore_mem>>) src(%dma_wait3A_114 : memref<128xi32, #tpu.memory_space<hbm>>) dst(%arg11 : memref<128xi32, #tpu.memory_space<vmem>>)
        tpu.yield
      }) : () -> ()
      "tpu.region"() ({
        %run_scoped3A = tpu.sem_alloc : memref<!tpu.dma_semaphore, #tpu.memory_space<semaphore_mem>>
        %dma_start3A_111 = tpu.memref_slice %arg6[%mul3A_83] : memref<160000xi32, #tpu.memory_space<hbm>> -> memref<128xi32, #tpu.memory_space<hbm>>
        %dma_start3A_112 = tpu.memref_slice %arg6[%mul3A_83] : memref<160000xi32, #tpu.memory_space<hbm>> -> memref<128xi32, #tpu.memory_space<hbm>>
        tpu.enqueue_dma source(%dma_start3A_112 : memref<128xi32, #tpu.memory_space<hbm>>) target(%arg13 : memref<128xi32, #tpu.memory_space<vmem>>) target_semaphore(%run_scoped3A : memref<!tpu.dma_semaphore, #tpu.memory_space<semaphore_mem>>)
        %dma_wait3A_113 = tpu.memref_slice %arg6[%mul3A_83] : memref<160000xi32, #tpu.memory_space<hbm>> -> memref<128xi32, #tpu.memory_space<hbm>>
        %dma_wait3A_114 = tpu.memref_slice %arg6[%mul3A_83] : memref<160000xi32, #tpu.memory_space<hbm>> -> memref<128xi32, #tpu.memory_space<hbm>>
        tpu.wait_dma2 semaphore(%run_scoped3A : memref<!tpu.dma_semaphore, #tpu.memory_space<semaphore_mem>>) src(%dma_wait3A_114 : memref<128xi32, #tpu.memory_space<hbm>>) dst(%arg13 : memref<128xi32, #tpu.memory_space<vmem>>)
        tpu.yield
      }) : () -> ()
      %dma_start3A = arith.constant 0 : i32
      %dma_start3A_84 = arith.constant 0 : i32
      %dma_start3A_85 = tpu.memref_slice %arg2[%dma_start3A, %dma_start3A_84] : memref<10000x16xf32, #tpu.memory_space<hbm>> -> memref<10000x16xf32, #tpu.memory_space<hbm>>
      tpu.enqueue_indirect_dma source(%dma_start3A_85 : memref<10000x16xf32, #tpu.memory_space<hbm>>) target(%arg14 : memref<128x16xf32, #tpu.memory_space<vmem>>) offsets(%arg11 : memref<128xi32, #tpu.memory_space<vmem>>) semaphore(%arg20 : memref<!tpu.dma_semaphore, #tpu.memory_space<semaphore_mem>>)
      %dma_start3A_86 = arith.constant 0 : i32
      %dma_start3A_87 = arith.constant 0 : i32
      %dma_start3A_88 = tpu.memref_slice %arg3[%dma_start3A_86, %dma_start3A_87] : memref<10000x16xf32, #tpu.memory_space<hbm>> -> memref<10000x16xf32, #tpu.memory_space<hbm>>
      tpu.enqueue_indirect_dma source(%dma_start3A_88 : memref<10000x16xf32, #tpu.memory_space<hbm>>) target(%arg15 : memref<128x16xf32, #tpu.memory_space<vmem>>) offsets(%arg13 : memref<128xi32, #tpu.memory_space<vmem>>) semaphore(%arg21 : memref<!tpu.dma_semaphore, #tpu.memory_space<semaphore_mem>>)
      %scan3A = arith.constant 0 : i32
      %scan3A_89 = arith.constant 0 : i32
      %scan3A_90 = arith.constant 8 : i32
      %scan3A_91 = arith.addi %scan3A_89, %scan3A_90 : i32
      %scan3A_92 = arith.constant 1 : i32
      scf.for %scan3A_111 = %scan3A_89 to %scan3A_91 step %scan3A_92  : i32 {
        %mul3A_112 = arith.constant 16 : i32
        %mul3A_113 = arith.muli %scan3A_111, %mul3A_112 : i32
        %get3A = arith.index_cast %mul3A_113 : i32 to index
        %get3A_114 = tpu.vector_load %arg11[%get3A] {strides = array<i32>} : memref<128xi32, #tpu.memory_space<vmem>>, vector<16xi32>,
        %get3A_115 = vector.shape_cast %get3A_114 : vector<16xi32> to vector<16xi32>
        %mul3A_116 = arith.constant 10000 : i32
        %mul3A_117 = arith.muli %add3A_7, %mul3A_116 : i32
        %add3A_118 = vector.broadcast %mul3A_117 : i32 to vector<16xi32>
        %add3A_119 = arith.addi %get3A_115, %add3A_118 : vector<16xi32>
        %mul3A_120 = arith.constant 16 : i32
        %mul3A_121 = arith.muli %scan3A_111, %mul3A_120 : i32
        %swap3A = arith.index_cast %mul3A_121 : i32 to index
        %swap3A_122 = tpu.vector_load %arg12[%swap3A] {strides = array<i32>} : memref<128xi32, #tpu.memory_space<vmem>>, vector<16xi32>,
        %swap3A_123 = vector.shape_cast %swap3A_122 : vector<16xi32> to vector<16xi32>
        %swap3A_124 = vector.shape_cast %add3A_119 : vector<16xi32> to vector<16xi32>
        tpu.vector_store %arg12[%swap3A], %swap3A_124 {strides = array<i32>} : memref<128xi32, #tpu.memory_space<vmem>>, vector<16xi32>,
      }
      %scan3A_93 = arith.constant 8 : i32
      %dma_start3A_94 = arith.constant 0 : i32
      %dma_start3A_95 = arith.constant 0 : i32
      %dma_start3A_96 = tpu.memref_slice %arg4[%dma_start3A_94, %dma_start3A_95] : memref<40000x128xf32, #tpu.memory_space<hbm>> -> memref<40000x128xf32, #tpu.memory_space<hbm>>
      tpu.enqueue_indirect_dma source(%dma_start3A_96 : memref<40000x128xf32, #tpu.memory_space<hbm>>) target(%arg17 : memref<128x128xf32, #tpu.memory_space<vmem>>) offsets(%arg12 : memref<128xi32, #tpu.memory_space<vmem>>) semaphore(%arg22 : memref<!tpu.dma_semaphore, #tpu.memory_space<semaphore_mem>>)
      %dma_wait3A = arith.constant 0 : i32
      %dma_wait3A_97 = arith.constant 0 : i32
      %dma_wait3A_98 = tpu.memref_slice %arg2[%dma_wait3A, %dma_wait3A_97] : memref<10000x16xf32, #tpu.memory_space<hbm>> -> memref<10000x16xf32, #tpu.memory_space<hbm>>
      tpu.wait_indirect_dma semaphore(%arg20 : memref<!tpu.dma_semaphore, #tpu.memory_space<semaphore_mem>>) src(%dma_wait3A_98 : memref<10000x16xf32, #tpu.memory_space<hbm>>) dst(%arg14 : memref<128x16xf32, #tpu.memory_space<vmem>>)
      %dma_wait3A_99 = arith.constant 0 : i32
      %dma_wait3A_100 = arith.constant 0 : i32
      %dma_wait3A_101 = tpu.memref_slice %arg3[%dma_wait3A_99, %dma_wait3A_100] : memref<10000x16xf32, #tpu.memory_space<hbm>> -> memref<10000x16xf32, #tpu.memory_space<hbm>>
      tpu.wait_indirect_dma semaphore(%arg21 : memref<!tpu.dma_semaphore, #tpu.memory_space<semaphore_mem>>) src(%dma_wait3A_101 : memref<10000x16xf32, #tpu.memory_space<hbm>>) dst(%arg15 : memref<128x16xf32, #tpu.memory_space<vmem>>)
      %dma_wait3A_102 = arith.constant 0 : i32
      %dma_wait3A_103 = arith.constant 0 : i32
      %dma_wait3A_104 = tpu.memref_slice %arg4[%dma_wait3A_102, %dma_wait3A_103] : memref<40000x128xf32, #tpu.memory_space<hbm>> -> memref<40000x128xf32, #tpu.memory_space<hbm>>
      tpu.wait_indirect_dma semaphore(%arg22 : memref<!tpu.dma_semaphore, #tpu.memory_space<semaphore_mem>>) src(%dma_wait3A_104 : memref<40000x128xf32, #tpu.memory_space<hbm>>) dst(%arg17 : memref<128x128xf32, #tpu.memory_space<vmem>>)
      %scan3A_105 = arith.constant 0 : i32
      %scan3A_106 = arith.constant 0 : i32
      %scan3A_107 = arith.constant 128 : i32
      %scan3A_108 = arith.addi %scan3A_106, %scan3A_107 : i32
      %scan3A_109 = arith.constant 1 : i32
      scf.for %scan3A_111 = %scan3A_106 to %scan3A_108 step %scan3A_109  : i32 {
        %get3A = arith.index_cast %scan3A_111 : i32 to index
        %get3A_112 = arith.constant 0 : index
        %get3A_113 = tpu.vector_load %arg14[%get3A, %get3A_112] {strides = array<i32>} : memref<128x16xf32, #tpu.memory_space<vmem>>, vector<1x16xf32>,
        %get3A_114 = vector.shape_cast %get3A_113 : vector<1x16xf32> to vector<16xf32>
        %get3A_115 = arith.index_cast %scan3A_111 : i32 to index
        %get3A_116 = arith.constant 0 : index
        %get3A_117 = tpu.vector_load %arg15[%get3A_115, %get3A_116] {strides = array<i32>} : memref<128x16xf32, #tpu.memory_space<vmem>>, vector<1x16xf32>,
        %get3A_118 = vector.shape_cast %get3A_117 : vector<1x16xf32> to vector<16xf32>
        %add3A_119 = arith.addf %get3A_114, %get3A_118 : vector<16xf32>
        %mul3A_120 = arith.constant 2.000000e-01 : f32
        %mul3A_121 = vector.broadcast %mul3A_120 : f32 to vector<16xf32>
        %mul3A_122 = arith.mulf %mul3A_121, %add3A_119 : vector<16xf32>
        %max3A = arith.maximumf %add3A_119, %mul3A_122 : vector<16xf32>
        %exp3A = math.exp %max3A : vector<16xf32>
        %swap3A = arith.index_cast %scan3A_111 : i32 to index
        %swap3A_123 = arith.constant 0 : index
        %swap3A_124 = tpu.vector_load %arg16[%swap3A, %swap3A_123] {strides = array<i32>} : memref<128x16xf32, #tpu.memory_space<vmem>>, vector<1x16xf32>,
        %swap3A_125 = vector.shape_cast %swap3A_124 : vector<1x16xf32> to vector<16xf32>
        %swap3A_126 = vector.shape_cast %exp3A : vector<16xf32> to vector<1x16xf32>
        tpu.vector_store %arg16[%swap3A, %swap3A_123], %swap3A_126 {strides = array<i32>} : memref<128x16xf32, #tpu.memory_space<vmem>>, vector<1x16xf32>,
        %gather3A = vector.shape_cast %broadcast_in_dim3A_10 : vector<16x1xi32> to vector<16xi32>
        %gather3A_127 = tpu.dynamic_gather %exp3A[%gather3A] in [0] : vector<16xf32>, vector<16xi32> -> vector<16xf32>
        %gather3A_128 = vector.shape_cast %broadcast_in_dim3A_14 : vector<16x1xi32> to vector<16xi32>
        %gather3A_129 = tpu.dynamic_gather %exp3A[%gather3A_128] in [0] : vector<16xf32>, vector<16xi32> -> vector<16xf32>
        %get3A_130 = arith.index_cast %scan3A_111 : i32 to index
        %get3A_131 = arith.constant 0 : index
        %get3A_132 = tpu.vector_load %arg17[%get3A_130, %get3A_131] {strides = array<i32>} : memref<128x128xf32, #tpu.memory_space<vmem>>, vector<1x16xf32>,
        %get3A_133 = vector.shape_cast %get3A_132 : vector<1x16xf32> to vector<16xf32>
        %mul3A_134 = arith.mulf %get3A_133, %gather3A_127 : vector<16xf32>
        %swap3A_135 = arith.index_cast %scan3A_111 : i32 to index
        %swap3A_136 = arith.constant 0 : index
        %swap3A_137 = tpu.vector_load %arg17[%swap3A_135, %swap3A_136] {strides = array<i32>} : memref<128x128xf32, #tpu.memory_space<vmem>>, vector<1x16xf32>,
        %swap3A_138 = vector.shape_cast %swap3A_137 : vector<1x16xf32> to vector<16xf32>
        %swap3A_139 = vector.shape_cast %mul3A_134 : vector<16xf32> to vector<1x16xf32>
        tpu.vector_store %arg17[%swap3A_135, %swap3A_136], %swap3A_139 {strides = array<i32>} : memref<128x128xf32, #tpu.memory_space<vmem>>, vector<1x16xf32>,
        %get3A_140 = arith.index_cast %scan3A_111 : i32 to index
        %get3A_141 = arith.constant 16 : index
        %get3A_142 = tpu.vector_load %arg17[%get3A_140, %get3A_141] {strides = array<i32>} : memref<128x128xf32, #tpu.memory_space<vmem>>, vector<1x16xf32>,
        %get3A_143 = vector.shape_cast %get3A_142 : vector<1x16xf32> to vector<16xf32>
        %mul3A_144 = arith.mulf %get3A_143, %gather3A_127 : vector<16xf32>
        %swap3A_145 = arith.index_cast %scan3A_111 : i32 to index
        %swap3A_146 = arith.constant 16 : index
        %swap3A_147 = tpu.vector_load %arg17[%swap3A_145, %swap3A_146] {strides = array<i32>} : memref<128x128xf32, #tpu.memory_space<vmem>>, vector<1x16xf32>,
        %swap3A_148 = vector.shape_cast %swap3A_147 : vector<1x16xf32> to vector<16xf32>
        %swap3A_149 = vector.shape_cast %mul3A_144 : vector<16xf32> to vector<1x16xf32>
        tpu.vector_store %arg17[%swap3A_145, %swap3A_146], %swap3A_149 {strides = array<i32>} : memref<128x128xf32, #tpu.memory_space<vmem>>, vector<1x16xf32>,
        %get3A_150 = arith.index_cast %scan3A_111 : i32 to index
        %get3A_151 = arith.constant 32 : index
        %get3A_152 = tpu.vector_load %arg17[%get3A_150, %get3A_151] {strides = array<i32>} : memref<128x128xf32, #tpu.memory_space<vmem>>, vector<1x16xf32>,
        %get3A_153 = vector.shape_cast %get3A_152 : vector<1x16xf32> to vector<16xf32>
        %mul3A_154 = arith.mulf %get3A_153, %gather3A_127 : vector<16xf32>
        %swap3A_155 = arith.index_cast %scan3A_111 : i32 to index
        %swap3A_156 = arith.constant 32 : index
        %swap3A_157 = tpu.vector_load %arg17[%swap3A_155, %swap3A_156] {strides = array<i32>} : memref<128x128xf32, #tpu.memory_space<vmem>>, vector<1x16xf32>,
        %swap3A_158 = vector.shape_cast %swap3A_157 : vector<1x16xf32> to vector<16xf32>
        %swap3A_159 = vector.shape_cast %mul3A_154 : vector<16xf32> to vector<1x16xf32>
        tpu.vector_store %arg17[%swap3A_155, %swap3A_156], %swap3A_159 {strides = array<i32>} : memref<128x128xf32, #tpu.memory_space<vmem>>, vector<1x16xf32>,
        %get3A_160 = arith.index_cast %scan3A_111 : i32 to index
        %get3A_161 = arith.constant 48 : index
        %get3A_162 = tpu.vector_load %arg17[%get3A_160, %get3A_161] {strides = array<i32>} : memref<128x128xf32, #tpu.memory_space<vmem>>, vector<1x16xf32>,
        %get3A_163 = vector.shape_cast %get3A_162 : vector<1x16xf32> to vector<16xf32>
        %mul3A_164 = arith.mulf %get3A_163, %gather3A_127 : vector<16xf32>
        %swap3A_165 = arith.index_cast %scan3A_111 : i32 to index
        %swap3A_166 = arith.constant 48 : index
        %swap3A_167 = tpu.vector_load %arg17[%swap3A_165, %swap3A_166] {strides = array<i32>} : memref<128x128xf32, #tpu.memory_space<vmem>>, vector<1x16xf32>,
        %swap3A_168 = vector.shape_cast %swap3A_167 : vector<1x16xf32> to vector<16xf32>
        %swap3A_169 = vector.shape_cast %mul3A_164 : vector<16xf32> to vector<1x16xf32>
        tpu.vector_store %arg17[%swap3A_165, %swap3A_166], %swap3A_169 {strides = array<i32>} : memref<128x128xf32, #tpu.memory_space<vmem>>, vector<1x16xf32>,
        %get3A_170 = arith.index_cast %scan3A_111 : i32 to index
        %get3A_171 = arith.constant 64 : index
        %get3A_172 = tpu.vector_load %arg17[%get3A_170, %get3A_171] {strides = array<i32>} : memref<128x128xf32, #tpu.memory_space<vmem>>, vector<1x16xf32>,
        %get3A_173 = vector.shape_cast %get3A_172 : vector<1x16xf32> to vector<16xf32>
        %mul3A_174 = arith.mulf %get3A_173, %gather3A_129 : vector<16xf32>
        %swap3A_175 = arith.index_cast %scan3A_111 : i32 to index
        %swap3A_176 = arith.constant 64 : index
        %swap3A_177 = tpu.vector_load %arg17[%swap3A_175, %swap3A_176] {strides = array<i32>} : memref<128x128xf32, #tpu.memory_space<vmem>>, vector<1x16xf32>,
        %swap3A_178 = vector.shape_cast %swap3A_177 : vector<1x16xf32> to vector<16xf32>
        %swap3A_179 = vector.shape_cast %mul3A_174 : vector<16xf32> to vector<1x16xf32>
        tpu.vector_store %arg17[%swap3A_175, %swap3A_176], %swap3A_179 {strides = array<i32>} : memref<128x128xf32, #tpu.memory_space<vmem>>, vector<1x16xf32>,
        %get3A_180 = arith.index_cast %scan3A_111 : i32 to index
        %get3A_181 = arith.constant 80 : index
        %get3A_182 = tpu.vector_load %arg17[%get3A_180, %get3A_181] {strides = array<i32>} : memref<128x128xf32, #tpu.memory_space<vmem>>, vector<1x16xf32>,
        %get3A_183 = vector.shape_cast %get3A_182 : vector<1x16xf32> to vector<16xf32>
        %mul3A_184 = arith.mulf %get3A_183, %gather3A_129 : vector<16xf32>
        %swap3A_185 = arith.index_cast %scan3A_111 : i32 to index
        %swap3A_186 = arith.constant 80 : index
        %swap3A_187 = tpu.vector_load %arg17[%swap3A_185, %swap3A_186] {strides = array<i32>} : memref<128x128xf32, #tpu.memory_space<vmem>>, vector<1x16xf32>,
        %swap3A_188 = vector.shape_cast %swap3A_187 : vector<1x16xf32> to vector<16xf32>
        %swap3A_189 = vector.shape_cast %mul3A_184 : vector<16xf32> to vector<1x16xf32>
        tpu.vector_store %arg17[%swap3A_185, %swap3A_186], %swap3A_189 {strides = array<i32>} : memref<128x128xf32, #tpu.memory_space<vmem>>, vector<1x16xf32>,
        %get3A_190 = arith.index_cast %scan3A_111 : i32 to index
        %get3A_191 = arith.constant 96 : index
        %get3A_192 = tpu.vector_load %arg17[%get3A_190, %get3A_191] {strides = array<i32>} : memref<128x128xf32, #tpu.memory_space<vmem>>, vector<1x16xf32>,
        %get3A_193 = vector.shape_cast %get3A_192 : vector<1x16xf32> to vector<16xf32>
        %mul3A_194 = arith.mulf %get3A_193, %gather3A_129 : vector<16xf32>
        %swap3A_195 = arith.index_cast %scan3A_111 : i32 to index
        %swap3A_196 = arith.constant 96 : index
        %swap3A_197 = tpu.vector_load %arg17[%swap3A_195, %swap3A_196] {strides = array<i32>} : memref<128x128xf32, #tpu.memory_space<vmem>>, vector<1x16xf32>,
        %swap3A_198 = vector.shape_cast %swap3A_197 : vector<1x16xf32> to vector<16xf32>
        %swap3A_199 = vector.shape_cast %mul3A_194 : vector<16xf32> to vector<1x16xf32>
        tpu.vector_store %arg17[%swap3A_195, %swap3A_196], %swap3A_199 {strides = array<i32>} : memref<128x128xf32, #tpu.memory_space<vmem>>, vector<1x16xf32>,
        %get3A_200 = arith.index_cast %scan3A_111 : i32 to index
        %get3A_201 = arith.constant 112 : index
        %get3A_202 = tpu.vector_load %arg17[%get3A_200, %get3A_201] {strides = array<i32>} : memref<128x128xf32, #tpu.memory_space<vmem>>, vector<1x16xf32>,
        %get3A_203 = vector.shape_cast %get3A_202 : vector<1x16xf32> to vector<16xf32>
        %mul3A_204 = arith.mulf %get3A_203, %gather3A_129 : vector<16xf32>
        %swap3A_205 = arith.index_cast %scan3A_111 : i32 to index
        %swap3A_206 = arith.constant 112 : index
        %swap3A_207 = tpu.vector_load %arg17[%swap3A_205, %swap3A_206] {strides = array<i32>} : memref<128x128xf32, #tpu.memory_space<vmem>>, vector<1x16xf32>,
        %swap3A_208 = vector.shape_cast %swap3A_207 : vector<1x16xf32> to vector<16xf32>
        %swap3A_209 = vector.shape_cast %mul3A_204 : vector<16xf32> to vector<1x16xf32>
        tpu.vector_store %arg17[%swap3A_205, %swap3A_206], %swap3A_209 {strides = array<i32>} : memref<128x128xf32, #tpu.memory_space<vmem>>, vector<1x16xf32>,
      }
      %scan3A_110 = arith.constant 128 : i32
      "tpu.region"() ({
        %run_scoped3A = tpu.sem_alloc : memref<!tpu.dma_semaphore, #tpu.memory_space<semaphore_mem>>
        %dma_start3A_111 = arith.constant 0 : i32
        %dma_start3A_112 = arith.constant 0 : i32
        %dma_start3A_113 = tpu.memref_slice %arg19[%dma_start3A_111, %dma_start3A_112] : memref<10000x16xf32, #tpu.memory_space<vmem_shared>> -> memref<10000x16xf32, #tpu.memory_space<vmem_shared>>
        tpu.enqueue_indirect_dma source(%arg16 : memref<128x16xf32, #tpu.memory_space<vmem>>) target(%dma_start3A_113 : memref<10000x16xf32, #tpu.memory_space<vmem_shared>>) offsets(%arg13 : memref<128xi32, #tpu.memory_space<vmem>>) semaphore(%run_scoped3A : memref<!tpu.dma_semaphore, #tpu.memory_space<semaphore_mem>>) {add = true}
        %dma_wait3A_114 = arith.constant 0 : i32
        %dma_wait3A_115 = arith.constant 0 : i32
        %dma_wait3A_116 = tpu.memref_slice %arg19[%dma_wait3A_114, %dma_wait3A_115] : memref<10000x16xf32, #tpu.memory_space<vmem_shared>> -> memref<10000x16xf32, #tpu.memory_space<vmem_shared>>
        tpu.wait_indirect_dma semaphore(%run_scoped3A : memref<!tpu.dma_semaphore, #tpu.memory_space<semaphore_mem>>) src(%arg16 : memref<128x16xf32, #tpu.memory_space<vmem>>) dst(%dma_wait3A_116 : memref<10000x16xf32, #tpu.memory_space<vmem_shared>>)
        tpu.yield
      }) : () -> ()
      "tpu.region"() ({
        %run_scoped3A = tpu.sem_alloc : memref<!tpu.dma_semaphore, #tpu.memory_space<semaphore_mem>>
        %dma_start3A_111 = arith.constant 0 : i32
        %dma_start3A_112 = arith.constant 0 : i32
        %dma_start3A_113 = tpu.memref_slice %arg18[%dma_start3A_111, %dma_start3A_112] : memref<10000x128xf32, #tpu.memory_space<vmem_shared>> -> memref<10000x128xf32, #tpu.memory_space<vmem_shared>>
        tpu.enqueue_indirect_dma source(%arg17 : memref<128x128xf32, #tpu.memory_space<vmem>>) target(%dma_start3A_113 : memref<10000x128xf32, #tpu.memory_space<vmem_shared>>) offsets(%arg13 : memref<128xi32, #tpu.memory_space<vmem>>) semaphore(%run_scoped3A : memref<!tpu.dma_semaphore, #tpu.memory_space<semaphore_mem>>) {add = true}
        %dma_wait3A_114 = arith.constant 0 : i32
        %dma_wait3A_115 = arith.constant 0 : i32
        %dma_wait3A_116 = tpu.memref_slice %arg18[%dma_wait3A_114, %dma_wait3A_115] : memref<10000x128xf32, #tpu.memory_space<vmem_shared>> -> memref<10000x128xf32, #tpu.memory_space<vmem_shared>>
        tpu.wait_indirect_dma semaphore(%run_scoped3A : memref<!tpu.dma_semaphore, #tpu.memory_space<semaphore_mem>>) src(%arg17 : memref<128x128xf32, #tpu.memory_space<vmem>>) dst(%dma_wait3A_116 : memref<10000x128xf32, #tpu.memory_space<vmem_shared>>)
        tpu.yield
      }) : () -> ()
    }
    %while3A_31 = arith.constant 1 : i32
    scf.for %while3A_80 = %while3A_29 to %while3A_25 step %while3A_31  : i32 {
      %add3A_81 = arith.addi %add3A, %while3A_80 : i32
      %mul3A_82 = arith.constant 128 : i32
      %mul3A_83 = arith.muli %add3A_81, %mul3A_82 : i32
      "tpu.region"() ({
        %run_scoped3A = tpu.sem_alloc : memref<!tpu.dma_semaphore, #tpu.memory_space<semaphore_mem>>
        %dma_start3A_111 = tpu.memref_slice %arg5[%mul3A_83] : memref<160000xi32, #tpu.memory_space<hbm>> -> memref<128xi32, #tpu.memory_space<hbm>>
        %dma_start3A_112 = tpu.memref_slice %arg5[%mul3A_83] : memref<160000xi32, #tpu.memory_space<hbm>> -> memref<128xi32, #tpu.memory_space<hbm>>
        tpu.enqueue_dma source(%dma_start3A_112 : memref<128xi32, #tpu.memory_space<hbm>>) target(%arg11 : memref<128xi32, #tpu.memory_space<vmem>>) target_semaphore(%run_scoped3A : memref<!tpu.dma_semaphore, #tpu.memory_space<semaphore_mem>>)
        %dma_wait3A_113 = tpu.memref_slice %arg5[%mul3A_83] : memref<160000xi32, #tpu.memory_space<hbm>> -> memref<128xi32, #tpu.memory_space<hbm>>
        %dma_wait3A_114 = tpu.memref_slice %arg5[%mul3A_83] : memref<160000xi32, #tpu.memory_space<hbm>> -> memref<128xi32, #tpu.memory_space<hbm>>
        tpu.wait_dma2 semaphore(%run_scoped3A : memref<!tpu.dma_semaphore, #tpu.memory_space<semaphore_mem>>) src(%dma_wait3A_114 : memref<128xi32, #tpu.memory_space<hbm>>) dst(%arg11 : memref<128xi32, #tpu.memory_space<vmem>>)
        tpu.yield
      }) : () -> ()
      "tpu.region"() ({
        %run_scoped3A = tpu.sem_alloc : memref<!tpu.dma_semaphore, #tpu.memory_space<semaphore_mem>>
        %dma_start3A_111 = tpu.memref_slice %arg6[%mul3A_83] : memref<160000xi32, #tpu.memory_space<hbm>> -> memref<128xi32, #tpu.memory_space<hbm>>
        %dma_start3A_112 = tpu.memref_slice %arg6[%mul3A_83] : memref<160000xi32, #tpu.memory_space<hbm>> -> memref<128xi32, #tpu.memory_space<hbm>>
        tpu.enqueue_dma source(%dma_start3A_112 : memref<128xi32, #tpu.memory_space<hbm>>) target(%arg13 : memref<128xi32, #tpu.memory_space<vmem>>) target_semaphore(%run_scoped3A : memref<!tpu.dma_semaphore, #tpu.memory_space<semaphore_mem>>)
        %dma_wait3A_113 = tpu.memref_slice %arg6[%mul3A_83] : memref<160000xi32, #tpu.memory_space<hbm>> -> memref<128xi32, #tpu.memory_space<hbm>>
        %dma_wait3A_114 = tpu.memref_slice %arg6[%mul3A_83] : memref<160000xi32, #tpu.memory_space<hbm>> -> memref<128xi32, #tpu.memory_space<hbm>>
        tpu.wait_dma2 semaphore(%run_scoped3A : memref<!tpu.dma_semaphore, #tpu.memory_space<semaphore_mem>>) src(%dma_wait3A_114 : memref<128xi32, #tpu.memory_space<hbm>>) dst(%arg13 : memref<128xi32, #tpu.memory_space<vmem>>)
        tpu.yield
      }) : () -> ()
      %dma_start3A = arith.constant 0 : i32
      %dma_start3A_84 = arith.constant 0 : i32
      %dma_start3A_85 = tpu.memref_slice %arg2[%dma_start3A, %dma_start3A_84] : memref<10000x16xf32, #tpu.memory_space<hbm>> -> memref<10000x16xf32, #tpu.memory_space<hbm>>
      tpu.enqueue_indirect_dma source(%dma_start3A_85 : memref<10000x16xf32, #tpu.memory_space<hbm>>) target(%arg14 : memref<128x16xf32, #tpu.memory_space<vmem>>) offsets(%arg11 : memref<128xi32, #tpu.memory_space<vmem>>) semaphore(%arg20 : memref<!tpu.dma_semaphore, #tpu.memory_space<semaphore_mem>>)
      %dma_start3A_86 = arith.constant 0 : i32
      %dma_start3A_87 = arith.constant 0 : i32
      %dma_start3A_88 = tpu.memref_slice %arg3[%dma_start3A_86, %dma_start3A_87] : memref<10000x16xf32, #tpu.memory_space<hbm>> -> memref<10000x16xf32, #tpu.memory_space<hbm>>
      tpu.enqueue_indirect_dma source(%dma_start3A_88 : memref<10000x16xf32, #tpu.memory_space<hbm>>) target(%arg15 : memref<128x16xf32, #tpu.memory_space<vmem>>) offsets(%arg13 : memref<128xi32, #tpu.memory_space<vmem>>) semaphore(%arg21 : memref<!tpu.dma_semaphore, #tpu.memory_space<semaphore_mem>>)
      %scan3A = arith.constant 0 : i32
      %scan3A_89 = arith.constant 0 : i32
      %scan3A_90 = arith.constant 8 : i32
      %scan3A_91 = arith.addi %scan3A_89, %scan3A_90 : i32
      %scan3A_92 = arith.constant 1 : i32
      scf.for %scan3A_111 = %scan3A_89 to %scan3A_91 step %scan3A_92  : i32 {
        %mul3A_112 = arith.constant 16 : i32
        %mul3A_113 = arith.muli %scan3A_111, %mul3A_112 : i32
        %get3A = arith.index_cast %mul3A_113 : i32 to index
        %get3A_114 = tpu.vector_load %arg11[%get3A] {strides = array<i32>} : memref<128xi32, #tpu.memory_space<vmem>>, vector<16xi32>,
        %get3A_115 = vector.shape_cast %get3A_114 : vector<16xi32> to vector<16xi32>
        %mul3A_116 = arith.constant 10000 : i32
        %mul3A_117 = arith.muli %add3A_7, %mul3A_116 : i32
        %add3A_118 = vector.broadcast %mul3A_117 : i32 to vector<16xi32>
        %add3A_119 = arith.addi %get3A_115, %add3A_118 : vector<16xi32>
        %mul3A_120 = arith.constant 16 : i32
        %mul3A_121 = arith.muli %scan3A_111, %mul3A_120 : i32
        %swap3A = arith.index_cast %mul3A_121 : i32 to index
        %swap3A_122 = tpu.vector_load %arg12[%swap3A] {strides = array<i32>} : memref<128xi32, #tpu.memory_space<vmem>>, vector<16xi32>,
        %swap3A_123 = vector.shape_cast %swap3A_122 : vector<16xi32> to vector<16xi32>
        %swap3A_124 = vector.shape_cast %add3A_119 : vector<16xi32> to vector<16xi32>
        tpu.vector_store %arg12[%swap3A], %swap3A_124 {strides = array<i32>} : memref<128xi32, #tpu.memory_space<vmem>>, vector<16xi32>,
      }
      %scan3A_93 = arith.constant 8 : i32
      %dma_start3A_94 = arith.constant 0 : i32
      %dma_start3A_95 = arith.constant 0 : i32
      %dma_start3A_96 = tpu.memref_slice %arg4[%dma_start3A_94, %dma_start3A_95] : memref<40000x128xf32, #tpu.memory_space<hbm>> -> memref<40000x128xf32, #tpu.memory_space<hbm>>
      tpu.enqueue_indirect_dma source(%dma_start3A_96 : memref<40000x128xf32, #tpu.memory_space<hbm>>) target(%arg17 : memref<128x128xf32, #tpu.memory_space<vmem>>) offsets(%arg12 : memref<128xi32, #tpu.memory_space<vmem>>) semaphore(%arg22 : memref<!tpu.dma_semaphore, #tpu.memory_space<semaphore_mem>>)
      %dma_wait3A = arith.constant 0 : i32
      %dma_wait3A_97 = arith.constant 0 : i32
      %dma_wait3A_98 = tpu.memref_slice %arg2[%dma_wait3A, %dma_wait3A_97] : memref<10000x16xf32, #tpu.memory_space<hbm>> -> memref<10000x16xf32, #tpu.memory_space<hbm>>
      tpu.wait_indirect_dma semaphore(%arg20 : memref<!tpu.dma_semaphore, #tpu.memory_space<semaphore_mem>>) src(%dma_wait3A_98 : memref<10000x16xf32, #tpu.memory_space<hbm>>) dst(%arg14 : memref<128x16xf32, #tpu.memory_space<vmem>>)
      %dma_wait3A_99 = arith.constant 0 : i32
      %dma_wait3A_100 = arith.constant 0 : i32
      %dma_wait3A_101 = tpu.memref_slice %arg3[%dma_wait3A_99, %dma_wait3A_100] : memref<10000x16xf32, #tpu.memory_space<hbm>> -> memref<10000x16xf32, #tpu.memory_space<hbm>>
      tpu.wait_indirect_dma semaphore(%arg21 : memref<!tpu.dma_semaphore, #tpu.memory_space<semaphore_mem>>) src(%dma_wait3A_101 : memref<10000x16xf32, #tpu.memory_space<hbm>>) dst(%arg15 : memref<128x16xf32, #tpu.memory_space<vmem>>)
      %dma_wait3A_102 = arith.constant 0 : i32
      %dma_wait3A_103 = arith.constant 0 : i32
      %dma_wait3A_104 = tpu.memref_slice %arg4[%dma_wait3A_102, %dma_wait3A_103] : memref<40000x128xf32, #tpu.memory_space<hbm>> -> memref<40000x128xf32, #tpu.memory_space<hbm>>
      tpu.wait_indirect_dma semaphore(%arg22 : memref<!tpu.dma_semaphore, #tpu.memory_space<semaphore_mem>>) src(%dma_wait3A_104 : memref<40000x128xf32, #tpu.memory_space<hbm>>) dst(%arg17 : memref<128x128xf32, #tpu.memory_space<vmem>>)
      %scan3A_105 = arith.constant 0 : i32
      %scan3A_106 = arith.constant 0 : i32
      %scan3A_107 = arith.constant 128 : i32
      %scan3A_108 = arith.addi %scan3A_106, %scan3A_107 : i32
      %scan3A_109 = arith.constant 1 : i32
      scf.for %scan3A_111 = %scan3A_106 to %scan3A_108 step %scan3A_109  : i32 {
        %get3A = arith.index_cast %scan3A_111 : i32 to index
        %get3A_112 = arith.constant 0 : index
        %get3A_113 = tpu.vector_load %arg14[%get3A, %get3A_112] {strides = array<i32>} : memref<128x16xf32, #tpu.memory_space<vmem>>, vector<1x16xf32>,
        %get3A_114 = vector.shape_cast %get3A_113 : vector<1x16xf32> to vector<16xf32>
        %get3A_115 = arith.index_cast %scan3A_111 : i32 to index
        %get3A_116 = arith.constant 0 : index
        %get3A_117 = tpu.vector_load %arg15[%get3A_115, %get3A_116] {strides = array<i32>} : memref<128x16xf32, #tpu.memory_space<vmem>>, vector<1x16xf32>,
        %get3A_118 = vector.shape_cast %get3A_117 : vector<1x16xf32> to vector<16xf32>
        %add3A_119 = arith.addf %get3A_114, %get3A_118 : vector<16xf32>
        %mul3A_120 = arith.constant 2.000000e-01 : f32
        %mul3A_121 = vector.broadcast %mul3A_120 : f32 to vector<16xf32>
        %mul3A_122 = arith.mulf %mul3A_121, %add3A_119 : vector<16xf32>
        %max3A = arith.maximumf %add3A_119, %mul3A_122 : vector<16xf32>
        %exp3A = math.exp %max3A : vector<16xf32>
        %swap3A = arith.index_cast %scan3A_111 : i32 to index
        %swap3A_123 = arith.constant 0 : index
        %swap3A_124 = tpu.vector_load %arg16[%swap3A, %swap3A_123] {strides = array<i32>} : memref<128x16xf32, #tpu.memory_space<vmem>>, vector<1x16xf32>,
        %swap3A_125 = vector.shape_cast %swap3A_124 : vector<1x16xf32> to vector<16xf32>
        %swap3A_126 = vector.shape_cast %exp3A : vector<16xf32> to vector<1x16xf32>
        tpu.vector_store %arg16[%swap3A, %swap3A_123], %swap3A_126 {strides = array<i32>} : memref<128x16xf32, #tpu.memory_space<vmem>>, vector<1x16xf32>,
        %gather3A = vector.shape_cast %broadcast_in_dim3A_10 : vector<16x1xi32> to vector<16xi32>
        %gather3A_127 = tpu.dynamic_gather %exp3A[%gather3A] in [0] : vector<16xf32>, vector<16xi32> -> vector<16xf32>
        %gather3A_128 = vector.shape_cast %broadcast_in_dim3A_14 : vector<16x1xi32> to vector<16xi32>
        %gather3A_129 = tpu.dynamic_gather %exp3A[%gather3A_128] in [0] : vector<16xf32>, vector<16xi32> -> vector<16xf32>
        %get3A_130 = arith.index_cast %scan3A_111 : i32 to index
        %get3A_131 = arith.constant 0 : index
        %get3A_132 = tpu.vector_load %arg17[%get3A_130, %get3A_131] {strides = array<i32>} : memref<128x128xf32, #tpu.memory_space<vmem>>, vector<1x16xf32>,
        %get3A_133 = vector.shape_cast %get3A_132 : vector<1x16xf32> to vector<16xf32>
        %mul3A_134 = arith.mulf %get3A_133, %gather3A_127 : vector<16xf32>
        %swap3A_135 = arith.index_cast %scan3A_111 : i32 to index
        %swap3A_136 = arith.constant 0 : index
        %swap3A_137 = tpu.vector_load %arg17[%swap3A_135, %swap3A_136] {strides = array<i32>} : memref<128x128xf32, #tpu.memory_space<vmem>>, vector<1x16xf32>,
        %swap3A_138 = vector.shape_cast %swap3A_137 : vector<1x16xf32> to vector<16xf32>
        %swap3A_139 = vector.shape_cast %mul3A_134 : vector<16xf32> to vector<1x16xf32>
        tpu.vector_store %arg17[%swap3A_135, %swap3A_136], %swap3A_139 {strides = array<i32>} : memref<128x128xf32, #tpu.memory_space<vmem>>, vector<1x16xf32>,
        %get3A_140 = arith.index_cast %scan3A_111 : i32 to index
        %get3A_141 = arith.constant 16 : index
        %get3A_142 = tpu.vector_load %arg17[%get3A_140, %get3A_141] {strides = array<i32>} : memref<128x128xf32, #tpu.memory_space<vmem>>, vector<1x16xf32>,
        %get3A_143 = vector.shape_cast %get3A_142 : vector<1x16xf32> to vector<16xf32>
        %mul3A_144 = arith.mulf %get3A_143, %gather3A_127 : vector<16xf32>
        %swap3A_145 = arith.index_cast %scan3A_111 : i32 to index
        %swap3A_146 = arith.constant 16 : index
        %swap3A_147 = tpu.vector_load %arg17[%swap3A_145, %swap3A_146] {strides = array<i32>} : memref<128x128xf32, #tpu.memory_space<vmem>>, vector<1x16xf32>,
        %swap3A_148 = vector.shape_cast %swap3A_147 : vector<1x16xf32> to vector<16xf32>
        %swap3A_149 = vector.shape_cast %mul3A_144 : vector<16xf32> to vector<1x16xf32>
        tpu.vector_store %arg17[%swap3A_145, %swap3A_146], %swap3A_149 {strides = array<i32>} : memref<128x128xf32, #tpu.memory_space<vmem>>, vector<1x16xf32>,
        %get3A_150 = arith.index_cast %scan3A_111 : i32 to index
        %get3A_151 = arith.constant 32 : index
        %get3A_152 = tpu.vector_load %arg17[%get3A_150, %get3A_151] {strides = array<i32>} : memref<128x128xf32, #tpu.memory_space<vmem>>, vector<1x16xf32>,
        %get3A_153 = vector.shape_cast %get3A_152 : vector<1x16xf32> to vector<16xf32>
        %mul3A_154 = arith.mulf %get3A_153, %gather3A_127 : vector<16xf32>
        %swap3A_155 = arith.index_cast %scan3A_111 : i32 to index
        %swap3A_156 = arith.constant 32 : index
        %swap3A_157 = tpu.vector_load %arg17[%swap3A_155, %swap3A_156] {strides = array<i32>} : memref<128x128xf32, #tpu.memory_space<vmem>>, vector<1x16xf32>,
        %swap3A_158 = vector.shape_cast %swap3A_157 : vector<1x16xf32> to vector<16xf32>
        %swap3A_159 = vector.shape_cast %mul3A_154 : vector<16xf32> to vector<1x16xf32>
        tpu.vector_store %arg17[%swap3A_155, %swap3A_156], %swap3A_159 {strides = array<i32>} : memref<128x128xf32, #tpu.memory_space<vmem>>, vector<1x16xf32>,
        %get3A_160 = arith.index_cast %scan3A_111 : i32 to index
        %get3A_161 = arith.constant 48 : index
        %get3A_162 = tpu.vector_load %arg17[%get3A_160, %get3A_161] {strides = array<i32>} : memref<128x128xf32, #tpu.memory_space<vmem>>, vector<1x16xf32>,
        %get3A_163 = vector.shape_cast %get3A_162 : vector<1x16xf32> to vector<16xf32>
        %mul3A_164 = arith.mulf %get3A_163, %gather3A_127 : vector<16xf32>
        %swap3A_165 = arith.index_cast %scan3A_111 : i32 to index
        %swap3A_166 = arith.constant 48 : index
        %swap3A_167 = tpu.vector_load %arg17[%swap3A_165, %swap3A_166] {strides = array<i32>} : memref<128x128xf32, #tpu.memory_space<vmem>>, vector<1x16xf32>,
        %swap3A_168 = vector.shape_cast %swap3A_167 : vector<1x16xf32> to vector<16xf32>
        %swap3A_169 = vector.shape_cast %mul3A_164 : vector<16xf32> to vector<1x16xf32>
        tpu.vector_store %arg17[%swap3A_165, %swap3A_166], %swap3A_169 {strides = array<i32>} : memref<128x128xf32, #tpu.memory_space<vmem>>, vector<1x16xf32>,
        %get3A_170 = arith.index_cast %scan3A_111 : i32 to index
        %get3A_171 = arith.constant 64 : index
        %get3A_172 = tpu.vector_load %arg17[%get3A_170, %get3A_171] {strides = array<i32>} : memref<128x128xf32, #tpu.memory_space<vmem>>, vector<1x16xf32>,
        %get3A_173 = vector.shape_cast %get3A_172 : vector<1x16xf32> to vector<16xf32>
        %mul3A_174 = arith.mulf %get3A_173, %gather3A_129 : vector<16xf32>
        %swap3A_175 = arith.index_cast %scan3A_111 : i32 to index
        %swap3A_176 = arith.constant 64 : index
        %swap3A_177 = tpu.vector_load %arg17[%swap3A_175, %swap3A_176] {strides = array<i32>} : memref<128x128xf32, #tpu.memory_space<vmem>>, vector<1x16xf32>,
        %swap3A_178 = vector.shape_cast %swap3A_177 : vector<1x16xf32> to vector<16xf32>
        %swap3A_179 = vector.shape_cast %mul3A_174 : vector<16xf32> to vector<1x16xf32>
        tpu.vector_store %arg17[%swap3A_175, %swap3A_176], %swap3A_179 {strides = array<i32>} : memref<128x128xf32, #tpu.memory_space<vmem>>, vector<1x16xf32>,
        %get3A_180 = arith.index_cast %scan3A_111 : i32 to index
        %get3A_181 = arith.constant 80 : index
        %get3A_182 = tpu.vector_load %arg17[%get3A_180, %get3A_181] {strides = array<i32>} : memref<128x128xf32, #tpu.memory_space<vmem>>, vector<1x16xf32>,
        %get3A_183 = vector.shape_cast %get3A_182 : vector<1x16xf32> to vector<16xf32>
        %mul3A_184 = arith.mulf %get3A_183, %gather3A_129 : vector<16xf32>
        %swap3A_185 = arith.index_cast %scan3A_111 : i32 to index
        %swap3A_186 = arith.constant 80 : index
        %swap3A_187 = tpu.vector_load %arg17[%swap3A_185, %swap3A_186] {strides = array<i32>} : memref<128x128xf32, #tpu.memory_space<vmem>>, vector<1x16xf32>,
        %swap3A_188 = vector.shape_cast %swap3A_187 : vector<1x16xf32> to vector<16xf32>
        %swap3A_189 = vector.shape_cast %mul3A_184 : vector<16xf32> to vector<1x16xf32>
        tpu.vector_store %arg17[%swap3A_185, %swap3A_186], %swap3A_189 {strides = array<i32>} : memref<128x128xf32, #tpu.memory_space<vmem>>, vector<1x16xf32>,
        %get3A_190 = arith.index_cast %scan3A_111 : i32 to index
        %get3A_191 = arith.constant 96 : index
        %get3A_192 = tpu.vector_load %arg17[%get3A_190, %get3A_191] {strides = array<i32>} : memref<128x128xf32, #tpu.memory_space<vmem>>, vector<1x16xf32>,
        %get3A_193 = vector.shape_cast %get3A_192 : vector<1x16xf32> to vector<16xf32>
        %mul3A_194 = arith.mulf %get3A_193, %gather3A_129 : vector<16xf32>
        %swap3A_195 = arith.index_cast %scan3A_111 : i32 to index
        %swap3A_196 = arith.constant 96 : index
        %swap3A_197 = tpu.vector_load %arg17[%swap3A_195, %swap3A_196] {strides = array<i32>} : memref<128x128xf32, #tpu.memory_space<vmem>>, vector<1x16xf32>,
        %swap3A_198 = vector.shape_cast %swap3A_197 : vector<1x16xf32> to vector<16xf32>
        %swap3A_199 = vector.shape_cast %mul3A_194 : vector<16xf32> to vector<1x16xf32>
        tpu.vector_store %arg17[%swap3A_195, %swap3A_196], %swap3A_199 {strides = array<i32>} : memref<128x128xf32, #tpu.memory_space<vmem>>, vector<1x16xf32>,
        %get3A_200 = arith.index_cast %scan3A_111 : i32 to index
        %get3A_201 = arith.constant 112 : index
        %get3A_202 = tpu.vector_load %arg17[%get3A_200, %get3A_201] {strides = array<i32>} : memref<128x128xf32, #tpu.memory_space<vmem>>, vector<1x16xf32>,
        %get3A_203 = vector.shape_cast %get3A_202 : vector<1x16xf32> to vector<16xf32>
        %mul3A_204 = arith.mulf %get3A_203, %gather3A_129 : vector<16xf32>
        %swap3A_205 = arith.index_cast %scan3A_111 : i32 to index
        %swap3A_206 = arith.constant 112 : index
        %swap3A_207 = tpu.vector_load %arg17[%swap3A_205, %swap3A_206] {strides = array<i32>} : memref<128x128xf32, #tpu.memory_space<vmem>>, vector<1x16xf32>,
        %swap3A_208 = vector.shape_cast %swap3A_207 : vector<1x16xf32> to vector<16xf32>
        %swap3A_209 = vector.shape_cast %mul3A_204 : vector<16xf32> to vector<1x16xf32>
        tpu.vector_store %arg17[%swap3A_205, %swap3A_206], %swap3A_209 {strides = array<i32>} : memref<128x128xf32, #tpu.memory_space<vmem>>, vector<1x16xf32>,
      }
      %scan3A_110 = arith.constant 128 : i32
      "tpu.region"() ({
        %run_scoped3A = tpu.sem_alloc : memref<!tpu.dma_semaphore, #tpu.memory_space<semaphore_mem>>
        %dma_start3A_111 = arith.constant 0 : i32
        %dma_start3A_112 = arith.constant 0 : i32
        %dma_start3A_113 = tpu.memref_slice %arg19[%dma_start3A_111, %dma_start3A_112] : memref<10000x16xf32, #tpu.memory_space<vmem_shared>> -> memref<10000x16xf32, #tpu.memory_space<vmem_shared>>
        tpu.enqueue_indirect_dma source(%arg16 : memref<128x16xf32, #tpu.memory_space<vmem>>) target(%dma_start3A_113 : memref<10000x16xf32, #tpu.memory_space<vmem_shared>>) offsets(%arg13 : memref<128xi32, #tpu.memory_space<vmem>>) semaphore(%run_scoped3A : memref<!tpu.dma_semaphore, #tpu.memory_space<semaphore_mem>>) {add = true}
        %dma_wait3A_114 = arith.constant 0 : i32
        %dma_wait3A_115 = arith.constant 0 : i32
        %dma_wait3A_116 = tpu.memref_slice %arg19[%dma_wait3A_114, %dma_wait3A_115] : memref<10000x16xf32, #tpu.memory_space<vmem_shared>> -> memref<10000x16xf32, #tpu.memory_space<vmem_shared>>
        tpu.wait_indirect_dma semaphore(%run_scoped3A : memref<!tpu.dma_semaphore, #tpu.memory_space<semaphore_mem>>) src(%arg16 : memref<128x16xf32, #tpu.memory_space<vmem>>) dst(%dma_wait3A_116 : memref<10000x16xf32, #tpu.memory_space<vmem_shared>>)
        tpu.yield
      }) : () -> ()
      "tpu.region"() ({
        %run_scoped3A = tpu.sem_alloc : memref<!tpu.dma_semaphore, #tpu.memory_space<semaphore_mem>>
        %dma_start3A_111 = arith.constant 0 : i32
        %dma_start3A_112 = arith.constant 0 : i32
        %dma_start3A_113 = tpu.memref_slice %arg18[%dma_start3A_111, %dma_start3A_112] : memref<10000x128xf32, #tpu.memory_space<vmem_shared>> -> memref<10000x128xf32, #tpu.memory_space<vmem_shared>>
        tpu.enqueue_indirect_dma source(%arg17 : memref<128x128xf32, #tpu.memory_space<vmem>>) target(%dma_start3A_113 : memref<10000x128xf32, #tpu.memory_space<vmem_shared>>) offsets(%arg13 : memref<128xi32, #tpu.memory_space<vmem>>) semaphore(%run_scoped3A : memref<!tpu.dma_semaphore, #tpu.memory_space<semaphore_mem>>) {add = true}
        %dma_wait3A_114 = arith.constant 0 : i32
        %dma_wait3A_115 = arith.constant 0 : i32
        %dma_wait3A_116 = tpu.memref_slice %arg18[%dma_wait3A_114, %dma_wait3A_115] : memref<10000x128xf32, #tpu.memory_space<vmem_shared>> -> memref<10000x128xf32, #tpu.memory_space<vmem_shared>>
        tpu.wait_indirect_dma semaphore(%run_scoped3A : memref<!tpu.dma_semaphore, #tpu.memory_space<semaphore_mem>>) src(%arg17 : memref<128x128xf32, #tpu.memory_space<vmem>>) dst(%dma_wait3A_116 : memref<10000x128xf32, #tpu.memory_space<vmem_shared>>)
        tpu.yield
      }) : () -> ()
    }
    %barrier3A_32 = arith.constant 0 : index
    tpu.barrier barrier_id(%barrier3A_32)
    %lt3A_33 = arith.constant 10 : i32
    %lt3A_34 = arith.cmpi slt, %arg1, %lt3A_33 : i32
    %convert_element_type3A_35 = arith.extui %lt3A_34 : i1 to i32
    %cond3A_36 = arith.constant 0 : i32
    %cond3A_37 = arith.cmpi ne, %convert_element_type3A_35, %cond3A_36 : i32
    scf.if %cond3A_37 {
      %mul3A_80 = arith.constant 1000 : i32
      %mul3A_81 = arith.muli %arg1, %mul3A_80 : i32
      %mul3A_82 = arith.constant 10000 : i32
      %mul3A_83 = arith.muli %add3A_7, %mul3A_82 : i32
      %mul3A_84 = arith.constant 1000 : i32
      %mul3A_85 = arith.muli %arg1, %mul3A_84 : i32
      %add3A_86 = arith.addi %mul3A_83, %mul3A_85 : i32
      "tpu.region"() ({
        %run_scoped3A = tpu.sem_alloc : memref<!tpu.dma_semaphore, #tpu.memory_space<semaphore_mem>>
        %dma_start3A = arith.constant 0 : i32
        %dma_start3A_87 = tpu.memref_slice %arg9[%add3A_86, %dma_start3A] : memref<40000x128xf32, #tpu.memory_space<hbm>> -> memref<1000x128xf32, #tpu.memory_space<hbm>>
        %dma_start3A_88 = arith.constant 0 : i32
        %dma_start3A_89 = tpu.memref_slice %arg18[%mul3A_81, %dma_start3A_88] : memref<10000x128xf32, #tpu.memory_space<vmem_shared>> -> memref<1000x128xf32, #tpu.memory_space<vmem_shared>>
        tpu.enqueue_dma source(%dma_start3A_89 : memref<1000x128xf32, #tpu.memory_space<vmem_shared>>) target(%dma_start3A_87 : memref<1000x128xf32, #tpu.memory_space<hbm>>) target_semaphore(%run_scoped3A : memref<!tpu.dma_semaphore, #tpu.memory_space<semaphore_mem>>)
        %dma_wait3A = arith.constant 0 : i32
        %dma_wait3A_90 = tpu.memref_slice %arg9[%add3A_86, %dma_wait3A] : memref<40000x128xf32, #tpu.memory_space<hbm>> -> memref<1000x128xf32, #tpu.memory_space<hbm>>
        %dma_wait3A_91 = arith.constant 0 : i32
        %dma_wait3A_92 = tpu.memref_slice %arg18[%mul3A_81, %dma_wait3A_91] : memref<10000x128xf32, #tpu.memory_space<vmem_shared>> -> memref<1000x128xf32, #tpu.memory_space<vmem_shared>>
        tpu.wait_dma2 semaphore(%run_scoped3A : memref<!tpu.dma_semaphore, #tpu.memory_space<semaphore_mem>>) src(%dma_wait3A_92 : memref<1000x128xf32, #tpu.memory_space<vmem_shared>>) dst(%dma_wait3A_90 : memref<1000x128xf32, #tpu.memory_space<hbm>>)
        tpu.yield
      }) : () -> ()
    } else {
    }
    %eq3A = arith.constant 0 : i32
    %eq3A_38 = arith.cmpi eq, %arg0, %eq3A : i32
    %lt3A_39 = arith.constant 10 : i32
    %lt3A_40 = arith.cmpi slt, %arg1, %lt3A_39 : i32
    %and3A = arith.andi %eq3A_38, %lt3A_40 : i1
    %convert_element_type3A_41 = arith.extui %and3A : i1 to i32
    %cond3A_42 = arith.constant 0 : i32
    %cond3A_43 = arith.cmpi ne, %convert_element_type3A_41, %cond3A_42 : i32
    scf.if %cond3A_43 {
      %mul3A_80 = arith.constant 1000 : i32
      %mul3A_81 = arith.muli %arg1, %mul3A_80 : i32
      %mul3A_82 = arith.constant 1000 : i32
      %mul3A_83 = arith.muli %arg1, %mul3A_82 : i32
      "tpu.region"() ({
        %run_scoped3A = tpu.sem_alloc : memref<!tpu.dma_semaphore, #tpu.memory_space<semaphore_mem>>
        %dma_start3A = arith.constant 0 : i32
        %dma_start3A_84 = tpu.memref_slice %arg10[%mul3A_83, %dma_start3A] : memref<10000x16xf32, #tpu.memory_space<hbm>> -> memref<1000x16xf32, #tpu.memory_space<hbm>>
        %dma_start3A_85 = arith.constant 0 : i32
        %dma_start3A_86 = tpu.memref_slice %arg19[%mul3A_81, %dma_start3A_85] : memref<10000x16xf32, #tpu.memory_space<vmem_shared>> -> memref<1000x16xf32, #tpu.memory_space<vmem_shared>>
        tpu.enqueue_dma source(%dma_start3A_86 : memref<1000x16xf32, #tpu.memory_space<vmem_shared>>) target(%dma_start3A_84 : memref<1000x16xf32, #tpu.memory_space<hbm>>) target_semaphore(%run_scoped3A : memref<!tpu.dma_semaphore, #tpu.memory_space<semaphore_mem>>)
        %dma_wait3A = arith.constant 0 : i32
        %dma_wait3A_87 = tpu.memref_slice %arg10[%mul3A_83, %dma_wait3A] : memref<10000x16xf32, #tpu.memory_space<hbm>> -> memref<1000x16xf32, #tpu.memory_space<hbm>>
        %dma_wait3A_88 = arith.constant 0 : i32
        %dma_wait3A_89 = tpu.memref_slice %arg19[%mul3A_81, %dma_wait3A_88] : memref<10000x16xf32, #tpu.memory_space<vmem_shared>> -> memref<1000x16xf32, #tpu.memory_space<vmem_shared>>
        tpu.wait_dma2 semaphore(%run_scoped3A : memref<!tpu.dma_semaphore, #tpu.memory_space<semaphore_mem>>) src(%dma_wait3A_89 : memref<1000x16xf32, #tpu.memory_space<vmem_shared>>) dst(%dma_wait3A_87 : memref<1000x16xf32, #tpu.memory_space<hbm>>)
        tpu.yield
      }) : () -> ()
    } else {
    }
    %barrier3A_44 = arith.constant 0 : index
    tpu.barrier barrier_id(%barrier3A_44)
    %mul3A_45 = arith.constant 2 : i32
    %mul3A_46 = arith.muli %mul3A_45, %arg0 : i32
    %add3A_47 = arith.constant 1 : i32
    %add3A_48 = arith.addi %mul3A_46, %add3A_47 : i32
    %mul3A_49 = arith.constant 2 : i32
    %mul3A_50 = arith.muli %mul3A_49, %add3A_48 : i32
    %broadcast_in_dim3A_51 = vector.broadcast %mul3A_50 : i32 to vector<16xi32>
    %broadcast_in_dim3A_52 = vector.shape_cast %broadcast_in_dim3A_51 : vector<16xi32> to vector<16x1xi32>
    %add3A_53 = arith.constant 1 : i32
    %add3A_54 = arith.addi %mul3A_50, %add3A_53 : i32
    %broadcast_in_dim3A_55 = vector.broadcast %add3A_54 : i32 to vector<16xi32>
    %broadcast_in_dim3A_56 = vector.shape_cast %broadcast_in_dim3A_55 : vector<16xi32> to vector<16x1xi32>
    %lt3A_57 = arith.constant 10 : i32
    %lt3A_58 = arith.cmpi slt, %arg1, %lt3A_57 : i32
    %convert_element_type3A_59 = arith.extui %lt3A_58 : i1 to i32
    %cond3A_60 = arith.constant 0 : i32
    %cond3A_61 = arith.cmpi ne, %convert_element_type3A_59, %cond3A_60 : i32
    scf.if %cond3A_61 {
      %mul3A_80 = arith.constant 1000 : i32
      %mul3A_81 = arith.muli %arg1, %mul3A_80 : i32
      "tpu.region"() ({
        %run_scoped3A = tpu.sem_alloc : memref<!tpu.dma_semaphore, #tpu.memory_space<semaphore_mem>>
        %dma_start3A = arith.constant 0 : i32
        %dma_start3A_82 = tpu.memref_slice %arg18[%mul3A_81, %dma_start3A] : memref<10000x128xf32, #tpu.memory_space<vmem_shared>> -> memref<1000x128xf32, #tpu.memory_space<vmem_shared>>
        tpu.enqueue_dma source(%arg7 : memref<1000x128xf32, #tpu.memory_space<hbm>>) target(%dma_start3A_82 : memref<1000x128xf32, #tpu.memory_space<vmem_shared>>) target_semaphore(%run_scoped3A : memref<!tpu.dma_semaphore, #tpu.memory_space<semaphore_mem>>)
        %dma_wait3A = arith.constant 0 : i32
        %dma_wait3A_83 = tpu.memref_slice %arg18[%mul3A_81, %dma_wait3A] : memref<10000x128xf32, #tpu.memory_space<vmem_shared>> -> memref<1000x128xf32, #tpu.memory_space<vmem_shared>>
        tpu.wait_dma2 semaphore(%run_scoped3A : memref<!tpu.dma_semaphore, #tpu.memory_space<semaphore_mem>>) src(%arg7 : memref<1000x128xf32, #tpu.memory_space<hbm>>) dst(%dma_wait3A_83 : memref<1000x128xf32, #tpu.memory_space<vmem_shared>>)
        tpu.yield
      }) : () -> ()
    } else {
    }
    %barrier3A_62 = arith.constant 0 : index
    tpu.barrier barrier_id(%barrier3A_62)
    %while3A_63 = arith.constant 0 : i32
    %while3A_64 = arith.constant 0 : i32
    %while3A_65 = arith.subi %select_n3A, %while3A_64 : i32
    %while3A_66 = arith.addi %while3A_64, %while3A_65 : i32
    %while3A_67 = arith.constant 1 : i32
    %while3A_68 = arith.divsi %while3A_65, %while3A_67 : i32
    %while3A_69 = arith.muli %while3A_68, %while3A_67 : i32
    %while3A_70 = arith.addi %while3A_64, %while3A_69 : i32
    %while3A_71 = arith.constant 1 : i32
    scf.for %while3A_80 = %while3A_64 to %while3A_70 step %while3A_71  : i32 {
      %add3A_81 = arith.addi %add3A, %while3A_80 : i32
      %mul3A_82 = arith.constant 128 : i32
      %mul3A_83 = arith.muli %add3A_81, %mul3A_82 : i32
      "tpu.region"() ({
        %run_scoped3A = tpu.sem_alloc : memref<!tpu.dma_semaphore, #tpu.memory_space<semaphore_mem>>
        %dma_start3A_111 = tpu.memref_slice %arg5[%mul3A_83] : memref<160000xi32, #tpu.memory_space<hbm>> -> memref<128xi32, #tpu.memory_space<hbm>>
        %dma_start3A_112 = tpu.memref_slice %arg5[%mul3A_83] : memref<160000xi32, #tpu.memory_space<hbm>> -> memref<128xi32, #tpu.memory_space<hbm>>
        tpu.enqueue_dma source(%dma_start3A_112 : memref<128xi32, #tpu.memory_space<hbm>>) target(%arg11 : memref<128xi32, #tpu.memory_space<vmem>>) target_semaphore(%run_scoped3A : memref<!tpu.dma_semaphore, #tpu.memory_space<semaphore_mem>>)
        %dma_wait3A_113 = tpu.memref_slice %arg5[%mul3A_83] : memref<160000xi32, #tpu.memory_space<hbm>> -> memref<128xi32, #tpu.memory_space<hbm>>
        %dma_wait3A_114 = tpu.memref_slice %arg5[%mul3A_83] : memref<160000xi32, #tpu.memory_space<hbm>> -> memref<128xi32, #tpu.memory_space<hbm>>
        tpu.wait_dma2 semaphore(%run_scoped3A : memref<!tpu.dma_semaphore, #tpu.memory_space<semaphore_mem>>) src(%dma_wait3A_114 : memref<128xi32, #tpu.memory_space<hbm>>) dst(%arg11 : memref<128xi32, #tpu.memory_space<vmem>>)
        tpu.yield
      }) : () -> ()
      "tpu.region"() ({
        %run_scoped3A = tpu.sem_alloc : memref<!tpu.dma_semaphore, #tpu.memory_space<semaphore_mem>>
        %dma_start3A_111 = tpu.memref_slice %arg6[%mul3A_83] : memref<160000xi32, #tpu.memory_space<hbm>> -> memref<128xi32, #tpu.memory_space<hbm>>
        %dma_start3A_112 = tpu.memref_slice %arg6[%mul3A_83] : memref<160000xi32, #tpu.memory_space<hbm>> -> memref<128xi32, #tpu.memory_space<hbm>>
        tpu.enqueue_dma source(%dma_start3A_112 : memref<128xi32, #tpu.memory_space<hbm>>) target(%arg13 : memref<128xi32, #tpu.memory_space<vmem>>) target_semaphore(%run_scoped3A : memref<!tpu.dma_semaphore, #tpu.memory_space<semaphore_mem>>)
        %dma_wait3A_113 = tpu.memref_slice %arg6[%mul3A_83] : memref<160000xi32, #tpu.memory_space<hbm>> -> memref<128xi32, #tpu.memory_space<hbm>>
        %dma_wait3A_114 = tpu.memref_slice %arg6[%mul3A_83] : memref<160000xi32, #tpu.memory_space<hbm>> -> memref<128xi32, #tpu.memory_space<hbm>>
        tpu.wait_dma2 semaphore(%run_scoped3A : memref<!tpu.dma_semaphore, #tpu.memory_space<semaphore_mem>>) src(%dma_wait3A_114 : memref<128xi32, #tpu.memory_space<hbm>>) dst(%arg13 : memref<128xi32, #tpu.memory_space<vmem>>)
        tpu.yield
      }) : () -> ()
      %dma_start3A = arith.constant 0 : i32
      %dma_start3A_84 = arith.constant 0 : i32
      %dma_start3A_85 = tpu.memref_slice %arg2[%dma_start3A, %dma_start3A_84] : memref<10000x16xf32, #tpu.memory_space<hbm>> -> memref<10000x16xf32, #tpu.memory_space<hbm>>
      tpu.enqueue_indirect_dma source(%dma_start3A_85 : memref<10000x16xf32, #tpu.memory_space<hbm>>) target(%arg14 : memref<128x16xf32, #tpu.memory_space<vmem>>) offsets(%arg11 : memref<128xi32, #tpu.memory_space<vmem>>) semaphore(%arg20 : memref<!tpu.dma_semaphore, #tpu.memory_space<semaphore_mem>>)
      %dma_start3A_86 = arith.constant 0 : i32
      %dma_start3A_87 = arith.constant 0 : i32
      %dma_start3A_88 = tpu.memref_slice %arg3[%dma_start3A_86, %dma_start3A_87] : memref<10000x16xf32, #tpu.memory_space<hbm>> -> memref<10000x16xf32, #tpu.memory_space<hbm>>
      tpu.enqueue_indirect_dma source(%dma_start3A_88 : memref<10000x16xf32, #tpu.memory_space<hbm>>) target(%arg15 : memref<128x16xf32, #tpu.memory_space<vmem>>) offsets(%arg13 : memref<128xi32, #tpu.memory_space<vmem>>) semaphore(%arg21 : memref<!tpu.dma_semaphore, #tpu.memory_space<semaphore_mem>>)
      %scan3A = arith.constant 0 : i32
      %scan3A_89 = arith.constant 0 : i32
      %scan3A_90 = arith.constant 8 : i32
      %scan3A_91 = arith.addi %scan3A_89, %scan3A_90 : i32
      %scan3A_92 = arith.constant 1 : i32
      scf.for %scan3A_111 = %scan3A_89 to %scan3A_91 step %scan3A_92  : i32 {
        %mul3A_112 = arith.constant 16 : i32
        %mul3A_113 = arith.muli %scan3A_111, %mul3A_112 : i32
        %get3A = arith.index_cast %mul3A_113 : i32 to index
        %get3A_114 = tpu.vector_load %arg11[%get3A] {strides = array<i32>} : memref<128xi32, #tpu.memory_space<vmem>>, vector<16xi32>,
        %get3A_115 = vector.shape_cast %get3A_114 : vector<16xi32> to vector<16xi32>
        %mul3A_116 = arith.constant 10000 : i32
        %mul3A_117 = arith.muli %add3A_48, %mul3A_116 : i32
        %add3A_118 = vector.broadcast %mul3A_117 : i32 to vector<16xi32>
        %add3A_119 = arith.addi %get3A_115, %add3A_118 : vector<16xi32>
        %mul3A_120 = arith.constant 16 : i32
        %mul3A_121 = arith.muli %scan3A_111, %mul3A_120 : i32
        %swap3A = arith.index_cast %mul3A_121 : i32 to index
        %swap3A_122 = tpu.vector_load %arg12[%swap3A] {strides = array<i32>} : memref<128xi32, #tpu.memory_space<vmem>>, vector<16xi32>,
        %swap3A_123 = vector.shape_cast %swap3A_122 : vector<16xi32> to vector<16xi32>
        %swap3A_124 = vector.shape_cast %add3A_119 : vector<16xi32> to vector<16xi32>
        tpu.vector_store %arg12[%swap3A], %swap3A_124 {strides = array<i32>} : memref<128xi32, #tpu.memory_space<vmem>>, vector<16xi32>,
      }
      %scan3A_93 = arith.constant 8 : i32
      %dma_start3A_94 = arith.constant 0 : i32
      %dma_start3A_95 = arith.constant 0 : i32
      %dma_start3A_96 = tpu.memref_slice %arg4[%dma_start3A_94, %dma_start3A_95] : memref<40000x128xf32, #tpu.memory_space<hbm>> -> memref<40000x128xf32, #tpu.memory_space<hbm>>
      tpu.enqueue_indirect_dma source(%dma_start3A_96 : memref<40000x128xf32, #tpu.memory_space<hbm>>) target(%arg17 : memref<128x128xf32, #tpu.memory_space<vmem>>) offsets(%arg12 : memref<128xi32, #tpu.memory_space<vmem>>) semaphore(%arg22 : memref<!tpu.dma_semaphore, #tpu.memory_space<semaphore_mem>>)
      %dma_wait3A = arith.constant 0 : i32
      %dma_wait3A_97 = arith.constant 0 : i32
      %dma_wait3A_98 = tpu.memref_slice %arg2[%dma_wait3A, %dma_wait3A_97] : memref<10000x16xf32, #tpu.memory_space<hbm>> -> memref<10000x16xf32, #tpu.memory_space<hbm>>
      tpu.wait_indirect_dma semaphore(%arg20 : memref<!tpu.dma_semaphore, #tpu.memory_space<semaphore_mem>>) src(%dma_wait3A_98 : memref<10000x16xf32, #tpu.memory_space<hbm>>) dst(%arg14 : memref<128x16xf32, #tpu.memory_space<vmem>>)
      %dma_wait3A_99 = arith.constant 0 : i32
      %dma_wait3A_100 = arith.constant 0 : i32
      %dma_wait3A_101 = tpu.memref_slice %arg3[%dma_wait3A_99, %dma_wait3A_100] : memref<10000x16xf32, #tpu.memory_space<hbm>> -> memref<10000x16xf32, #tpu.memory_space<hbm>>
      tpu.wait_indirect_dma semaphore(%arg21 : memref<!tpu.dma_semaphore, #tpu.memory_space<semaphore_mem>>) src(%dma_wait3A_101 : memref<10000x16xf32, #tpu.memory_space<hbm>>) dst(%arg15 : memref<128x16xf32, #tpu.memory_space<vmem>>)
      %dma_wait3A_102 = arith.constant 0 : i32
      %dma_wait3A_103 = arith.constant 0 : i32
      %dma_wait3A_104 = tpu.memref_slice %arg4[%dma_wait3A_102, %dma_wait3A_103] : memref<40000x128xf32, #tpu.memory_space<hbm>> -> memref<40000x128xf32, #tpu.memory_space<hbm>>
      tpu.wait_indirect_dma semaphore(%arg22 : memref<!tpu.dma_semaphore, #tpu.memory_space<semaphore_mem>>) src(%dma_wait3A_104 : memref<40000x128xf32, #tpu.memory_space<hbm>>) dst(%arg17 : memref<128x128xf32, #tpu.memory_space<vmem>>)
      %scan3A_105 = arith.constant 0 : i32
      %scan3A_106 = arith.constant 0 : i32
      %scan3A_107 = arith.constant 128 : i32
      %scan3A_108 = arith.addi %scan3A_106, %scan3A_107 : i32
      %scan3A_109 = arith.constant 1 : i32
      scf.for %scan3A_111 = %scan3A_106 to %scan3A_108 step %scan3A_109  : i32 {
        %get3A = arith.index_cast %scan3A_111 : i32 to index
        %get3A_112 = arith.constant 0 : index
        %get3A_113 = tpu.vector_load %arg14[%get3A, %get3A_112] {strides = array<i32>} : memref<128x16xf32, #tpu.memory_space<vmem>>, vector<1x16xf32>,
        %get3A_114 = vector.shape_cast %get3A_113 : vector<1x16xf32> to vector<16xf32>
        %get3A_115 = arith.index_cast %scan3A_111 : i32 to index
        %get3A_116 = arith.constant 0 : index
        %get3A_117 = tpu.vector_load %arg15[%get3A_115, %get3A_116] {strides = array<i32>} : memref<128x16xf32, #tpu.memory_space<vmem>>, vector<1x16xf32>,
        %get3A_118 = vector.shape_cast %get3A_117 : vector<1x16xf32> to vector<16xf32>
        %add3A_119 = arith.addf %get3A_114, %get3A_118 : vector<16xf32>
        %mul3A_120 = arith.constant 2.000000e-01 : f32
        %mul3A_121 = vector.broadcast %mul3A_120 : f32 to vector<16xf32>
        %mul3A_122 = arith.mulf %mul3A_121, %add3A_119 : vector<16xf32>
        %max3A = arith.maximumf %add3A_119, %mul3A_122 : vector<16xf32>
        %exp3A = math.exp %max3A : vector<16xf32>
        %swap3A = arith.index_cast %scan3A_111 : i32 to index
        %swap3A_123 = arith.constant 0 : index
        %swap3A_124 = tpu.vector_load %arg16[%swap3A, %swap3A_123] {strides = array<i32>} : memref<128x16xf32, #tpu.memory_space<vmem>>, vector<1x16xf32>,
        %swap3A_125 = vector.shape_cast %swap3A_124 : vector<1x16xf32> to vector<16xf32>
        %swap3A_126 = vector.shape_cast %exp3A : vector<16xf32> to vector<1x16xf32>
        tpu.vector_store %arg16[%swap3A, %swap3A_123], %swap3A_126 {strides = array<i32>} : memref<128x16xf32, #tpu.memory_space<vmem>>, vector<1x16xf32>,
        %gather3A = vector.shape_cast %broadcast_in_dim3A_52 : vector<16x1xi32> to vector<16xi32>
        %gather3A_127 = tpu.dynamic_gather %exp3A[%gather3A] in [0] : vector<16xf32>, vector<16xi32> -> vector<16xf32>
        %gather3A_128 = vector.shape_cast %broadcast_in_dim3A_56 : vector<16x1xi32> to vector<16xi32>
        %gather3A_129 = tpu.dynamic_gather %exp3A[%gather3A_128] in [0] : vector<16xf32>, vector<16xi32> -> vector<16xf32>
        %get3A_130 = arith.index_cast %scan3A_111 : i32 to index
        %get3A_131 = arith.constant 0 : index
        %get3A_132 = tpu.vector_load %arg17[%get3A_130, %get3A_131] {strides = array<i32>} : memref<128x128xf32, #tpu.memory_space<vmem>>, vector<1x16xf32>,
        %get3A_133 = vector.shape_cast %get3A_132 : vector<1x16xf32> to vector<16xf32>
        %mul3A_134 = arith.mulf %get3A_133, %gather3A_127 : vector<16xf32>
        %swap3A_135 = arith.index_cast %scan3A_111 : i32 to index
        %swap3A_136 = arith.constant 0 : index
        %swap3A_137 = tpu.vector_load %arg17[%swap3A_135, %swap3A_136] {strides = array<i32>} : memref<128x128xf32, #tpu.memory_space<vmem>>, vector<1x16xf32>,
        %swap3A_138 = vector.shape_cast %swap3A_137 : vector<1x16xf32> to vector<16xf32>
        %swap3A_139 = vector.shape_cast %mul3A_134 : vector<16xf32> to vector<1x16xf32>
        tpu.vector_store %arg17[%swap3A_135, %swap3A_136], %swap3A_139 {strides = array<i32>} : memref<128x128xf32, #tpu.memory_space<vmem>>, vector<1x16xf32>,
        %get3A_140 = arith.index_cast %scan3A_111 : i32 to index
        %get3A_141 = arith.constant 16 : index
        %get3A_142 = tpu.vector_load %arg17[%get3A_140, %get3A_141] {strides = array<i32>} : memref<128x128xf32, #tpu.memory_space<vmem>>, vector<1x16xf32>,
        %get3A_143 = vector.shape_cast %get3A_142 : vector<1x16xf32> to vector<16xf32>
        %mul3A_144 = arith.mulf %get3A_143, %gather3A_127 : vector<16xf32>
        %swap3A_145 = arith.index_cast %scan3A_111 : i32 to index
        %swap3A_146 = arith.constant 16 : index
        %swap3A_147 = tpu.vector_load %arg17[%swap3A_145, %swap3A_146] {strides = array<i32>} : memref<128x128xf32, #tpu.memory_space<vmem>>, vector<1x16xf32>,
        %swap3A_148 = vector.shape_cast %swap3A_147 : vector<1x16xf32> to vector<16xf32>
        %swap3A_149 = vector.shape_cast %mul3A_144 : vector<16xf32> to vector<1x16xf32>
        tpu.vector_store %arg17[%swap3A_145, %swap3A_146], %swap3A_149 {strides = array<i32>} : memref<128x128xf32, #tpu.memory_space<vmem>>, vector<1x16xf32>,
        %get3A_150 = arith.index_cast %scan3A_111 : i32 to index
        %get3A_151 = arith.constant 32 : index
        %get3A_152 = tpu.vector_load %arg17[%get3A_150, %get3A_151] {strides = array<i32>} : memref<128x128xf32, #tpu.memory_space<vmem>>, vector<1x16xf32>,
        %get3A_153 = vector.shape_cast %get3A_152 : vector<1x16xf32> to vector<16xf32>
        %mul3A_154 = arith.mulf %get3A_153, %gather3A_127 : vector<16xf32>
        %swap3A_155 = arith.index_cast %scan3A_111 : i32 to index
        %swap3A_156 = arith.constant 32 : index
        %swap3A_157 = tpu.vector_load %arg17[%swap3A_155, %swap3A_156] {strides = array<i32>} : memref<128x128xf32, #tpu.memory_space<vmem>>, vector<1x16xf32>,
        %swap3A_158 = vector.shape_cast %swap3A_157 : vector<1x16xf32> to vector<16xf32>
        %swap3A_159 = vector.shape_cast %mul3A_154 : vector<16xf32> to vector<1x16xf32>
        tpu.vector_store %arg17[%swap3A_155, %swap3A_156], %swap3A_159 {strides = array<i32>} : memref<128x128xf32, #tpu.memory_space<vmem>>, vector<1x16xf32>,
        %get3A_160 = arith.index_cast %scan3A_111 : i32 to index
        %get3A_161 = arith.constant 48 : index
        %get3A_162 = tpu.vector_load %arg17[%get3A_160, %get3A_161] {strides = array<i32>} : memref<128x128xf32, #tpu.memory_space<vmem>>, vector<1x16xf32>,
        %get3A_163 = vector.shape_cast %get3A_162 : vector<1x16xf32> to vector<16xf32>
        %mul3A_164 = arith.mulf %get3A_163, %gather3A_127 : vector<16xf32>
        %swap3A_165 = arith.index_cast %scan3A_111 : i32 to index
        %swap3A_166 = arith.constant 48 : index
        %swap3A_167 = tpu.vector_load %arg17[%swap3A_165, %swap3A_166] {strides = array<i32>} : memref<128x128xf32, #tpu.memory_space<vmem>>, vector<1x16xf32>,
        %swap3A_168 = vector.shape_cast %swap3A_167 : vector<1x16xf32> to vector<16xf32>
        %swap3A_169 = vector.shape_cast %mul3A_164 : vector<16xf32> to vector<1x16xf32>
        tpu.vector_store %arg17[%swap3A_165, %swap3A_166], %swap3A_169 {strides = array<i32>} : memref<128x128xf32, #tpu.memory_space<vmem>>, vector<1x16xf32>,
        %get3A_170 = arith.index_cast %scan3A_111 : i32 to index
        %get3A_171 = arith.constant 64 : index
        %get3A_172 = tpu.vector_load %arg17[%get3A_170, %get3A_171] {strides = array<i32>} : memref<128x128xf32, #tpu.memory_space<vmem>>, vector<1x16xf32>,
        %get3A_173 = vector.shape_cast %get3A_172 : vector<1x16xf32> to vector<16xf32>
        %mul3A_174 = arith.mulf %get3A_173, %gather3A_129 : vector<16xf32>
        %swap3A_175 = arith.index_cast %scan3A_111 : i32 to index
        %swap3A_176 = arith.constant 64 : index
        %swap3A_177 = tpu.vector_load %arg17[%swap3A_175, %swap3A_176] {strides = array<i32>} : memref<128x128xf32, #tpu.memory_space<vmem>>, vector<1x16xf32>,
        %swap3A_178 = vector.shape_cast %swap3A_177 : vector<1x16xf32> to vector<16xf32>
        %swap3A_179 = vector.shape_cast %mul3A_174 : vector<16xf32> to vector<1x16xf32>
        tpu.vector_store %arg17[%swap3A_175, %swap3A_176], %swap3A_179 {strides = array<i32>} : memref<128x128xf32, #tpu.memory_space<vmem>>, vector<1x16xf32>,
        %get3A_180 = arith.index_cast %scan3A_111 : i32 to index
        %get3A_181 = arith.constant 80 : index
        %get3A_182 = tpu.vector_load %arg17[%get3A_180, %get3A_181] {strides = array<i32>} : memref<128x128xf32, #tpu.memory_space<vmem>>, vector<1x16xf32>,
        %get3A_183 = vector.shape_cast %get3A_182 : vector<1x16xf32> to vector<16xf32>
        %mul3A_184 = arith.mulf %get3A_183, %gather3A_129 : vector<16xf32>
        %swap3A_185 = arith.index_cast %scan3A_111 : i32 to index
        %swap3A_186 = arith.constant 80 : index
        %swap3A_187 = tpu.vector_load %arg17[%swap3A_185, %swap3A_186] {strides = array<i32>} : memref<128x128xf32, #tpu.memory_space<vmem>>, vector<1x16xf32>,
        %swap3A_188 = vector.shape_cast %swap3A_187 : vector<1x16xf32> to vector<16xf32>
        %swap3A_189 = vector.shape_cast %mul3A_184 : vector<16xf32> to vector<1x16xf32>
        tpu.vector_store %arg17[%swap3A_185, %swap3A_186], %swap3A_189 {strides = array<i32>} : memref<128x128xf32, #tpu.memory_space<vmem>>, vector<1x16xf32>,
        %get3A_190 = arith.index_cast %scan3A_111 : i32 to index
        %get3A_191 = arith.constant 96 : index
        %get3A_192 = tpu.vector_load %arg17[%get3A_190, %get3A_191] {strides = array<i32>} : memref<128x128xf32, #tpu.memory_space<vmem>>, vector<1x16xf32>,
        %get3A_193 = vector.shape_cast %get3A_192 : vector<1x16xf32> to vector<16xf32>
        %mul3A_194 = arith.mulf %get3A_193, %gather3A_129 : vector<16xf32>
        %swap3A_195 = arith.index_cast %scan3A_111 : i32 to index
        %swap3A_196 = arith.constant 96 : index
        %swap3A_197 = tpu.vector_load %arg17[%swap3A_195, %swap3A_196] {strides = array<i32>} : memref<128x128xf32, #tpu.memory_space<vmem>>, vector<1x16xf32>,
        %swap3A_198 = vector.shape_cast %swap3A_197 : vector<1x16xf32> to vector<16xf32>
        %swap3A_199 = vector.shape_cast %mul3A_194 : vector<16xf32> to vector<1x16xf32>
        tpu.vector_store %arg17[%swap3A_195, %swap3A_196], %swap3A_199 {strides = array<i32>} : memref<128x128xf32, #tpu.memory_space<vmem>>, vector<1x16xf32>,
        %get3A_200 = arith.index_cast %scan3A_111 : i32 to index
        %get3A_201 = arith.constant 112 : index
        %get3A_202 = tpu.vector_load %arg17[%get3A_200, %get3A_201] {strides = array<i32>} : memref<128x128xf32, #tpu.memory_space<vmem>>, vector<1x16xf32>,
        %get3A_203 = vector.shape_cast %get3A_202 : vector<1x16xf32> to vector<16xf32>
        %mul3A_204 = arith.mulf %get3A_203, %gather3A_129 : vector<16xf32>
        %swap3A_205 = arith.index_cast %scan3A_111 : i32 to index
        %swap3A_206 = arith.constant 112 : index
        %swap3A_207 = tpu.vector_load %arg17[%swap3A_205, %swap3A_206] {strides = array<i32>} : memref<128x128xf32, #tpu.memory_space<vmem>>, vector<1x16xf32>,
        %swap3A_208 = vector.shape_cast %swap3A_207 : vector<1x16xf32> to vector<16xf32>
        %swap3A_209 = vector.shape_cast %mul3A_204 : vector<16xf32> to vector<1x16xf32>
        tpu.vector_store %arg17[%swap3A_205, %swap3A_206], %swap3A_209 {strides = array<i32>} : memref<128x128xf32, #tpu.memory_space<vmem>>, vector<1x16xf32>,
      }
      %scan3A_110 = arith.constant 128 : i32
      "tpu.region"() ({
        %run_scoped3A = tpu.sem_alloc : memref<!tpu.dma_semaphore, #tpu.memory_space<semaphore_mem>>
        %dma_start3A_111 = arith.constant 0 : i32
        %dma_start3A_112 = arith.constant 0 : i32
        %dma_start3A_113 = tpu.memref_slice %arg18[%dma_start3A_111, %dma_start3A_112] : memref<10000x128xf32, #tpu.memory_space<vmem_shared>> -> memref<10000x128xf32, #tpu.memory_space<vmem_shared>>
        tpu.enqueue_indirect_dma source(%arg17 : memref<128x128xf32, #tpu.memory_space<vmem>>) target(%dma_start3A_113 : memref<10000x128xf32, #tpu.memory_space<vmem_shared>>) offsets(%arg13 : memref<128xi32, #tpu.memory_space<vmem>>) semaphore(%run_scoped3A : memref<!tpu.dma_semaphore, #tpu.memory_space<semaphore_mem>>) {add = true}
        %dma_wait3A_114 = arith.constant 0 : i32
        %dma_wait3A_115 = arith.constant 0 : i32
        %dma_wait3A_116 = tpu.memref_slice %arg18[%dma_wait3A_114, %dma_wait3A_115] : memref<10000x128xf32, #tpu.memory_space<vmem_shared>> -> memref<10000x128xf32, #tpu.memory_space<vmem_shared>>
        tpu.wait_indirect_dma semaphore(%run_scoped3A : memref<!tpu.dma_semaphore, #tpu.memory_space<semaphore_mem>>) src(%arg17 : memref<128x128xf32, #tpu.memory_space<vmem>>) dst(%dma_wait3A_116 : memref<10000x128xf32, #tpu.memory_space<vmem_shared>>)
        tpu.yield
      }) : () -> ()
    }
    %while3A_72 = arith.constant 1 : i32
    scf.for %while3A_80 = %while3A_70 to %while3A_66 step %while3A_72  : i32 {
      %add3A_81 = arith.addi %add3A, %while3A_80 : i32
      %mul3A_82 = arith.constant 128 : i32
      %mul3A_83 = arith.muli %add3A_81, %mul3A_82 : i32
      "tpu.region"() ({
        %run_scoped3A = tpu.sem_alloc : memref<!tpu.dma_semaphore, #tpu.memory_space<semaphore_mem>>
        %dma_start3A_111 = tpu.memref_slice %arg5[%mul3A_83] : memref<160000xi32, #tpu.memory_space<hbm>> -> memref<128xi32, #tpu.memory_space<hbm>>
        %dma_start3A_112 = tpu.memref_slice %arg5[%mul3A_83] : memref<160000xi32, #tpu.memory_space<hbm>> -> memref<128xi32, #tpu.memory_space<hbm>>
        tpu.enqueue_dma source(%dma_start3A_112 : memref<128xi32, #tpu.memory_space<hbm>>) target(%arg11 : memref<128xi32, #tpu.memory_space<vmem>>) target_semaphore(%run_scoped3A : memref<!tpu.dma_semaphore, #tpu.memory_space<semaphore_mem>>)
        %dma_wait3A_113 = tpu.memref_slice %arg5[%mul3A_83] : memref<160000xi32, #tpu.memory_space<hbm>> -> memref<128xi32, #tpu.memory_space<hbm>>
        %dma_wait3A_114 = tpu.memref_slice %arg5[%mul3A_83] : memref<160000xi32, #tpu.memory_space<hbm>> -> memref<128xi32, #tpu.memory_space<hbm>>
        tpu.wait_dma2 semaphore(%run_scoped3A : memref<!tpu.dma_semaphore, #tpu.memory_space<semaphore_mem>>) src(%dma_wait3A_114 : memref<128xi32, #tpu.memory_space<hbm>>) dst(%arg11 : memref<128xi32, #tpu.memory_space<vmem>>)
        tpu.yield
      }) : () -> ()
      "tpu.region"() ({
        %run_scoped3A = tpu.sem_alloc : memref<!tpu.dma_semaphore, #tpu.memory_space<semaphore_mem>>
        %dma_start3A_111 = tpu.memref_slice %arg6[%mul3A_83] : memref<160000xi32, #tpu.memory_space<hbm>> -> memref<128xi32, #tpu.memory_space<hbm>>
        %dma_start3A_112 = tpu.memref_slice %arg6[%mul3A_83] : memref<160000xi32, #tpu.memory_space<hbm>> -> memref<128xi32, #tpu.memory_space<hbm>>
        tpu.enqueue_dma source(%dma_start3A_112 : memref<128xi32, #tpu.memory_space<hbm>>) target(%arg13 : memref<128xi32, #tpu.memory_space<vmem>>) target_semaphore(%run_scoped3A : memref<!tpu.dma_semaphore, #tpu.memory_space<semaphore_mem>>)
        %dma_wait3A_113 = tpu.memref_slice %arg6[%mul3A_83] : memref<160000xi32, #tpu.memory_space<hbm>> -> memref<128xi32, #tpu.memory_space<hbm>>
        %dma_wait3A_114 = tpu.memref_slice %arg6[%mul3A_83] : memref<160000xi32, #tpu.memory_space<hbm>> -> memref<128xi32, #tpu.memory_space<hbm>>
        tpu.wait_dma2 semaphore(%run_scoped3A : memref<!tpu.dma_semaphore, #tpu.memory_space<semaphore_mem>>) src(%dma_wait3A_114 : memref<128xi32, #tpu.memory_space<hbm>>) dst(%arg13 : memref<128xi32, #tpu.memory_space<vmem>>)
        tpu.yield
      }) : () -> ()
      %dma_start3A = arith.constant 0 : i32
      %dma_start3A_84 = arith.constant 0 : i32
      %dma_start3A_85 = tpu.memref_slice %arg2[%dma_start3A, %dma_start3A_84] : memref<10000x16xf32, #tpu.memory_space<hbm>> -> memref<10000x16xf32, #tpu.memory_space<hbm>>
      tpu.enqueue_indirect_dma source(%dma_start3A_85 : memref<10000x16xf32, #tpu.memory_space<hbm>>) target(%arg14 : memref<128x16xf32, #tpu.memory_space<vmem>>) offsets(%arg11 : memref<128xi32, #tpu.memory_space<vmem>>) semaphore(%arg20 : memref<!tpu.dma_semaphore, #tpu.memory_space<semaphore_mem>>)
      %dma_start3A_86 = arith.constant 0 : i32
      %dma_start3A_87 = arith.constant 0 : i32
      %dma_start3A_88 = tpu.memref_slice %arg3[%dma_start3A_86, %dma_start3A_87] : memref<10000x16xf32, #tpu.memory_space<hbm>> -> memref<10000x16xf32, #tpu.memory_space<hbm>>
      tpu.enqueue_indirect_dma source(%dma_start3A_88 : memref<10000x16xf32, #tpu.memory_space<hbm>>) target(%arg15 : memref<128x16xf32, #tpu.memory_space<vmem>>) offsets(%arg13 : memref<128xi32, #tpu.memory_space<vmem>>) semaphore(%arg21 : memref<!tpu.dma_semaphore, #tpu.memory_space<semaphore_mem>>)
      %scan3A = arith.constant 0 : i32
      %scan3A_89 = arith.constant 0 : i32
      %scan3A_90 = arith.constant 8 : i32
      %scan3A_91 = arith.addi %scan3A_89, %scan3A_90 : i32
      %scan3A_92 = arith.constant 1 : i32
      scf.for %scan3A_111 = %scan3A_89 to %scan3A_91 step %scan3A_92  : i32 {
        %mul3A_112 = arith.constant 16 : i32
        %mul3A_113 = arith.muli %scan3A_111, %mul3A_112 : i32
        %get3A = arith.index_cast %mul3A_113 : i32 to index
        %get3A_114 = tpu.vector_load %arg11[%get3A] {strides = array<i32>} : memref<128xi32, #tpu.memory_space<vmem>>, vector<16xi32>,
        %get3A_115 = vector.shape_cast %get3A_114 : vector<16xi32> to vector<16xi32>
        %mul3A_116 = arith.constant 10000 : i32
        %mul3A_117 = arith.muli %add3A_48, %mul3A_116 : i32
        %add3A_118 = vector.broadcast %mul3A_117 : i32 to vector<16xi32>
        %add3A_119 = arith.addi %get3A_115, %add3A_118 : vector<16xi32>
        %mul3A_120 = arith.constant 16 : i32
        %mul3A_121 = arith.muli %scan3A_111, %mul3A_120 : i32
        %swap3A = arith.index_cast %mul3A_121 : i32 to index
        %swap3A_122 = tpu.vector_load %arg12[%swap3A] {strides = array<i32>} : memref<128xi32, #tpu.memory_space<vmem>>, vector<16xi32>,
        %swap3A_123 = vector.shape_cast %swap3A_122 : vector<16xi32> to vector<16xi32>
        %swap3A_124 = vector.shape_cast %add3A_119 : vector<16xi32> to vector<16xi32>
        tpu.vector_store %arg12[%swap3A], %swap3A_124 {strides = array<i32>} : memref<128xi32, #tpu.memory_space<vmem>>, vector<16xi32>,
      }
      %scan3A_93 = arith.constant 8 : i32
      %dma_start3A_94 = arith.constant 0 : i32
      %dma_start3A_95 = arith.constant 0 : i32
      %dma_start3A_96 = tpu.memref_slice %arg4[%dma_start3A_94, %dma_start3A_95] : memref<40000x128xf32, #tpu.memory_space<hbm>> -> memref<40000x128xf32, #tpu.memory_space<hbm>>
      tpu.enqueue_indirect_dma source(%dma_start3A_96 : memref<40000x128xf32, #tpu.memory_space<hbm>>) target(%arg17 : memref<128x128xf32, #tpu.memory_space<vmem>>) offsets(%arg12 : memref<128xi32, #tpu.memory_space<vmem>>) semaphore(%arg22 : memref<!tpu.dma_semaphore, #tpu.memory_space<semaphore_mem>>)
      %dma_wait3A = arith.constant 0 : i32
      %dma_wait3A_97 = arith.constant 0 : i32
      %dma_wait3A_98 = tpu.memref_slice %arg2[%dma_wait3A, %dma_wait3A_97] : memref<10000x16xf32, #tpu.memory_space<hbm>> -> memref<10000x16xf32, #tpu.memory_space<hbm>>
      tpu.wait_indirect_dma semaphore(%arg20 : memref<!tpu.dma_semaphore, #tpu.memory_space<semaphore_mem>>) src(%dma_wait3A_98 : memref<10000x16xf32, #tpu.memory_space<hbm>>) dst(%arg14 : memref<128x16xf32, #tpu.memory_space<vmem>>)
      %dma_wait3A_99 = arith.constant 0 : i32
      %dma_wait3A_100 = arith.constant 0 : i32
      %dma_wait3A_101 = tpu.memref_slice %arg3[%dma_wait3A_99, %dma_wait3A_100] : memref<10000x16xf32, #tpu.memory_space<hbm>> -> memref<10000x16xf32, #tpu.memory_space<hbm>>
      tpu.wait_indirect_dma semaphore(%arg21 : memref<!tpu.dma_semaphore, #tpu.memory_space<semaphore_mem>>) src(%dma_wait3A_101 : memref<10000x16xf32, #tpu.memory_space<hbm>>) dst(%arg15 : memref<128x16xf32, #tpu.memory_space<vmem>>)
      %dma_wait3A_102 = arith.constant 0 : i32
      %dma_wait3A_103 = arith.constant 0 : i32
      %dma_wait3A_104 = tpu.memref_slice %arg4[%dma_wait3A_102, %dma_wait3A_103] : memref<40000x128xf32, #tpu.memory_space<hbm>> -> memref<40000x128xf32, #tpu.memory_space<hbm>>
      tpu.wait_indirect_dma semaphore(%arg22 : memref<!tpu.dma_semaphore, #tpu.memory_space<semaphore_mem>>) src(%dma_wait3A_104 : memref<40000x128xf32, #tpu.memory_space<hbm>>) dst(%arg17 : memref<128x128xf32, #tpu.memory_space<vmem>>)
      %scan3A_105 = arith.constant 0 : i32
      %scan3A_106 = arith.constant 0 : i32
      %scan3A_107 = arith.constant 128 : i32
      %scan3A_108 = arith.addi %scan3A_106, %scan3A_107 : i32
      %scan3A_109 = arith.constant 1 : i32
      scf.for %scan3A_111 = %scan3A_106 to %scan3A_108 step %scan3A_109  : i32 {
        %get3A = arith.index_cast %scan3A_111 : i32 to index
        %get3A_112 = arith.constant 0 : index
        %get3A_113 = tpu.vector_load %arg14[%get3A, %get3A_112] {strides = array<i32>} : memref<128x16xf32, #tpu.memory_space<vmem>>, vector<1x16xf32>,
        %get3A_114 = vector.shape_cast %get3A_113 : vector<1x16xf32> to vector<16xf32>
        %get3A_115 = arith.index_cast %scan3A_111 : i32 to index
        %get3A_116 = arith.constant 0 : index
        %get3A_117 = tpu.vector_load %arg15[%get3A_115, %get3A_116] {strides = array<i32>} : memref<128x16xf32, #tpu.memory_space<vmem>>, vector<1x16xf32>,
        %get3A_118 = vector.shape_cast %get3A_117 : vector<1x16xf32> to vector<16xf32>
        %add3A_119 = arith.addf %get3A_114, %get3A_118 : vector<16xf32>
        %mul3A_120 = arith.constant 2.000000e-01 : f32
        %mul3A_121 = vector.broadcast %mul3A_120 : f32 to vector<16xf32>
        %mul3A_122 = arith.mulf %mul3A_121, %add3A_119 : vector<16xf32>
        %max3A = arith.maximumf %add3A_119, %mul3A_122 : vector<16xf32>
        %exp3A = math.exp %max3A : vector<16xf32>
        %swap3A = arith.index_cast %scan3A_111 : i32 to index
        %swap3A_123 = arith.constant 0 : index
        %swap3A_124 = tpu.vector_load %arg16[%swap3A, %swap3A_123] {strides = array<i32>} : memref<128x16xf32, #tpu.memory_space<vmem>>, vector<1x16xf32>,
        %swap3A_125 = vector.shape_cast %swap3A_124 : vector<1x16xf32> to vector<16xf32>
        %swap3A_126 = vector.shape_cast %exp3A : vector<16xf32> to vector<1x16xf32>
        tpu.vector_store %arg16[%swap3A, %swap3A_123], %swap3A_126 {strides = array<i32>} : memref<128x16xf32, #tpu.memory_space<vmem>>, vector<1x16xf32>,
        %gather3A = vector.shape_cast %broadcast_in_dim3A_52 : vector<16x1xi32> to vector<16xi32>
        %gather3A_127 = tpu.dynamic_gather %exp3A[%gather3A] in [0] : vector<16xf32>, vector<16xi32> -> vector<16xf32>
        %gather3A_128 = vector.shape_cast %broadcast_in_dim3A_56 : vector<16x1xi32> to vector<16xi32>
        %gather3A_129 = tpu.dynamic_gather %exp3A[%gather3A_128] in [0] : vector<16xf32>, vector<16xi32> -> vector<16xf32>
        %get3A_130 = arith.index_cast %scan3A_111 : i32 to index
        %get3A_131 = arith.constant 0 : index
        %get3A_132 = tpu.vector_load %arg17[%get3A_130, %get3A_131] {strides = array<i32>} : memref<128x128xf32, #tpu.memory_space<vmem>>, vector<1x16xf32>,
        %get3A_133 = vector.shape_cast %get3A_132 : vector<1x16xf32> to vector<16xf32>
        %mul3A_134 = arith.mulf %get3A_133, %gather3A_127 : vector<16xf32>
        %swap3A_135 = arith.index_cast %scan3A_111 : i32 to index
        %swap3A_136 = arith.constant 0 : index
        %swap3A_137 = tpu.vector_load %arg17[%swap3A_135, %swap3A_136] {strides = array<i32>} : memref<128x128xf32, #tpu.memory_space<vmem>>, vector<1x16xf32>,
        %swap3A_138 = vector.shape_cast %swap3A_137 : vector<1x16xf32> to vector<16xf32>
        %swap3A_139 = vector.shape_cast %mul3A_134 : vector<16xf32> to vector<1x16xf32>
        tpu.vector_store %arg17[%swap3A_135, %swap3A_136], %swap3A_139 {strides = array<i32>} : memref<128x128xf32, #tpu.memory_space<vmem>>, vector<1x16xf32>,
        %get3A_140 = arith.index_cast %scan3A_111 : i32 to index
        %get3A_141 = arith.constant 16 : index
        %get3A_142 = tpu.vector_load %arg17[%get3A_140, %get3A_141] {strides = array<i32>} : memref<128x128xf32, #tpu.memory_space<vmem>>, vector<1x16xf32>,
        %get3A_143 = vector.shape_cast %get3A_142 : vector<1x16xf32> to vector<16xf32>
        %mul3A_144 = arith.mulf %get3A_143, %gather3A_127 : vector<16xf32>
        %swap3A_145 = arith.index_cast %scan3A_111 : i32 to index
        %swap3A_146 = arith.constant 16 : index
        %swap3A_147 = tpu.vector_load %arg17[%swap3A_145, %swap3A_146] {strides = array<i32>} : memref<128x128xf32, #tpu.memory_space<vmem>>, vector<1x16xf32>,
        %swap3A_148 = vector.shape_cast %swap3A_147 : vector<1x16xf32> to vector<16xf32>
        %swap3A_149 = vector.shape_cast %mul3A_144 : vector<16xf32> to vector<1x16xf32>
        tpu.vector_store %arg17[%swap3A_145, %swap3A_146], %swap3A_149 {strides = array<i32>} : memref<128x128xf32, #tpu.memory_space<vmem>>, vector<1x16xf32>,
        %get3A_150 = arith.index_cast %scan3A_111 : i32 to index
        %get3A_151 = arith.constant 32 : index
        %get3A_152 = tpu.vector_load %arg17[%get3A_150, %get3A_151] {strides = array<i32>} : memref<128x128xf32, #tpu.memory_space<vmem>>, vector<1x16xf32>,
        %get3A_153 = vector.shape_cast %get3A_152 : vector<1x16xf32> to vector<16xf32>
        %mul3A_154 = arith.mulf %get3A_153, %gather3A_127 : vector<16xf32>
        %swap3A_155 = arith.index_cast %scan3A_111 : i32 to index
        %swap3A_156 = arith.constant 32 : index
        %swap3A_157 = tpu.vector_load %arg17[%swap3A_155, %swap3A_156] {strides = array<i32>} : memref<128x128xf32, #tpu.memory_space<vmem>>, vector<1x16xf32>,
        %swap3A_158 = vector.shape_cast %swap3A_157 : vector<1x16xf32> to vector<16xf32>
        %swap3A_159 = vector.shape_cast %mul3A_154 : vector<16xf32> to vector<1x16xf32>
        tpu.vector_store %arg17[%swap3A_155, %swap3A_156], %swap3A_159 {strides = array<i32>} : memref<128x128xf32, #tpu.memory_space<vmem>>, vector<1x16xf32>,
        %get3A_160 = arith.index_cast %scan3A_111 : i32 to index
        %get3A_161 = arith.constant 48 : index
        %get3A_162 = tpu.vector_load %arg17[%get3A_160, %get3A_161] {strides = array<i32>} : memref<128x128xf32, #tpu.memory_space<vmem>>, vector<1x16xf32>,
        %get3A_163 = vector.shape_cast %get3A_162 : vector<1x16xf32> to vector<16xf32>
        %mul3A_164 = arith.mulf %get3A_163, %gather3A_127 : vector<16xf32>
        %swap3A_165 = arith.index_cast %scan3A_111 : i32 to index
        %swap3A_166 = arith.constant 48 : index
        %swap3A_167 = tpu.vector_load %arg17[%swap3A_165, %swap3A_166] {strides = array<i32>} : memref<128x128xf32, #tpu.memory_space<vmem>>, vector<1x16xf32>,
        %swap3A_168 = vector.shape_cast %swap3A_167 : vector<1x16xf32> to vector<16xf32>
        %swap3A_169 = vector.shape_cast %mul3A_164 : vector<16xf32> to vector<1x16xf32>
        tpu.vector_store %arg17[%swap3A_165, %swap3A_166], %swap3A_169 {strides = array<i32>} : memref<128x128xf32, #tpu.memory_space<vmem>>, vector<1x16xf32>,
        %get3A_170 = arith.index_cast %scan3A_111 : i32 to index
        %get3A_171 = arith.constant 64 : index
        %get3A_172 = tpu.vector_load %arg17[%get3A_170, %get3A_171] {strides = array<i32>} : memref<128x128xf32, #tpu.memory_space<vmem>>, vector<1x16xf32>,
        %get3A_173 = vector.shape_cast %get3A_172 : vector<1x16xf32> to vector<16xf32>
        %mul3A_174 = arith.mulf %get3A_173, %gather3A_129 : vector<16xf32>
        %swap3A_175 = arith.index_cast %scan3A_111 : i32 to index
        %swap3A_176 = arith.constant 64 : index
        %swap3A_177 = tpu.vector_load %arg17[%swap3A_175, %swap3A_176] {strides = array<i32>} : memref<128x128xf32, #tpu.memory_space<vmem>>, vector<1x16xf32>,
        %swap3A_178 = vector.shape_cast %swap3A_177 : vector<1x16xf32> to vector<16xf32>
        %swap3A_179 = vector.shape_cast %mul3A_174 : vector<16xf32> to vector<1x16xf32>
        tpu.vector_store %arg17[%swap3A_175, %swap3A_176], %swap3A_179 {strides = array<i32>} : memref<128x128xf32, #tpu.memory_space<vmem>>, vector<1x16xf32>,
        %get3A_180 = arith.index_cast %scan3A_111 : i32 to index
        %get3A_181 = arith.constant 80 : index
        %get3A_182 = tpu.vector_load %arg17[%get3A_180, %get3A_181] {strides = array<i32>} : memref<128x128xf32, #tpu.memory_space<vmem>>, vector<1x16xf32>,
        %get3A_183 = vector.shape_cast %get3A_182 : vector<1x16xf32> to vector<16xf32>
        %mul3A_184 = arith.mulf %get3A_183, %gather3A_129 : vector<16xf32>
        %swap3A_185 = arith.index_cast %scan3A_111 : i32 to index
        %swap3A_186 = arith.constant 80 : index
        %swap3A_187 = tpu.vector_load %arg17[%swap3A_185, %swap3A_186] {strides = array<i32>} : memref<128x128xf32, #tpu.memory_space<vmem>>, vector<1x16xf32>,
        %swap3A_188 = vector.shape_cast %swap3A_187 : vector<1x16xf32> to vector<16xf32>
        %swap3A_189 = vector.shape_cast %mul3A_184 : vector<16xf32> to vector<1x16xf32>
        tpu.vector_store %arg17[%swap3A_185, %swap3A_186], %swap3A_189 {strides = array<i32>} : memref<128x128xf32, #tpu.memory_space<vmem>>, vector<1x16xf32>,
        %get3A_190 = arith.index_cast %scan3A_111 : i32 to index
        %get3A_191 = arith.constant 96 : index
        %get3A_192 = tpu.vector_load %arg17[%get3A_190, %get3A_191] {strides = array<i32>} : memref<128x128xf32, #tpu.memory_space<vmem>>, vector<1x16xf32>,
        %get3A_193 = vector.shape_cast %get3A_192 : vector<1x16xf32> to vector<16xf32>
        %mul3A_194 = arith.mulf %get3A_193, %gather3A_129 : vector<16xf32>
        %swap3A_195 = arith.index_cast %scan3A_111 : i32 to index
        %swap3A_196 = arith.constant 96 : index
        %swap3A_197 = tpu.vector_load %arg17[%swap3A_195, %swap3A_196] {strides = array<i32>} : memref<128x128xf32, #tpu.memory_space<vmem>>, vector<1x16xf32>,
        %swap3A_198 = vector.shape_cast %swap3A_197 : vector<1x16xf32> to vector<16xf32>
        %swap3A_199 = vector.shape_cast %mul3A_194 : vector<16xf32> to vector<1x16xf32>
        tpu.vector_store %arg17[%swap3A_195, %swap3A_196], %swap3A_199 {strides = array<i32>} : memref<128x128xf32, #tpu.memory_space<vmem>>, vector<1x16xf32>,
        %get3A_200 = arith.index_cast %scan3A_111 : i32 to index
        %get3A_201 = arith.constant 112 : index
        %get3A_202 = tpu.vector_load %arg17[%get3A_200, %get3A_201] {strides = array<i32>} : memref<128x128xf32, #tpu.memory_space<vmem>>, vector<1x16xf32>,
        %get3A_203 = vector.shape_cast %get3A_202 : vector<1x16xf32> to vector<16xf32>
        %mul3A_204 = arith.mulf %get3A_203, %gather3A_129 : vector<16xf32>
        %swap3A_205 = arith.index_cast %scan3A_111 : i32 to index
        %swap3A_206 = arith.constant 112 : index
        %swap3A_207 = tpu.vector_load %arg17[%swap3A_205, %swap3A_206] {strides = array<i32>} : memref<128x128xf32, #tpu.memory_space<vmem>>, vector<1x16xf32>,
        %swap3A_208 = vector.shape_cast %swap3A_207 : vector<1x16xf32> to vector<16xf32>
        %swap3A_209 = vector.shape_cast %mul3A_204 : vector<16xf32> to vector<1x16xf32>
        tpu.vector_store %arg17[%swap3A_205, %swap3A_206], %swap3A_209 {strides = array<i32>} : memref<128x128xf32, #tpu.memory_space<vmem>>, vector<1x16xf32>,
      }
      %scan3A_110 = arith.constant 128 : i32
      "tpu.region"() ({
        %run_scoped3A = tpu.sem_alloc : memref<!tpu.dma_semaphore, #tpu.memory_space<semaphore_mem>>
        %dma_start3A_111 = arith.constant 0 : i32
        %dma_start3A_112 = arith.constant 0 : i32
        %dma_start3A_113 = tpu.memref_slice %arg18[%dma_start3A_111, %dma_start3A_112] : memref<10000x128xf32, #tpu.memory_space<vmem_shared>> -> memref<10000x128xf32, #tpu.memory_space<vmem_shared>>
        tpu.enqueue_indirect_dma source(%arg17 : memref<128x128xf32, #tpu.memory_space<vmem>>) target(%dma_start3A_113 : memref<10000x128xf32, #tpu.memory_space<vmem_shared>>) offsets(%arg13 : memref<128xi32, #tpu.memory_space<vmem>>) semaphore(%run_scoped3A : memref<!tpu.dma_semaphore, #tpu.memory_space<semaphore_mem>>) {add = true}
        %dma_wait3A_114 = arith.constant 0 : i32
        %dma_wait3A_115 = arith.constant 0 : i32
        %dma_wait3A_116 = tpu.memref_slice %arg18[%dma_wait3A_114, %dma_wait3A_115] : memref<10000x128xf32, #tpu.memory_space<vmem_shared>> -> memref<10000x128xf32, #tpu.memory_space<vmem_shared>>
        tpu.wait_indirect_dma semaphore(%run_scoped3A : memref<!tpu.dma_semaphore, #tpu.memory_space<semaphore_mem>>) src(%arg17 : memref<128x128xf32, #tpu.memory_space<vmem>>) dst(%dma_wait3A_116 : memref<10000x128xf32, #tpu.memory_space<vmem_shared>>)
        tpu.yield
      }) : () -> ()
    }
    %barrier3A_73 = arith.constant 0 : index
    tpu.barrier barrier_id(%barrier3A_73)
    %lt3A_74 = arith.constant 10 : i32
    %lt3A_75 = arith.cmpi slt, %arg1, %lt3A_74 : i32
    %convert_element_type3A_76 = arith.extui %lt3A_75 : i1 to i32
    %cond3A_77 = arith.constant 0 : i32
    %cond3A_78 = arith.cmpi ne, %convert_element_type3A_76, %cond3A_77 : i32
    scf.if %cond3A_78 {
      %mul3A_80 = arith.constant 1000 : i32
      %mul3A_81 = arith.muli %arg1, %mul3A_80 : i32
      %mul3A_82 = arith.constant 10000 : i32
      %mul3A_83 = arith.muli %add3A_48, %mul3A_82 : i32
      %mul3A_84 = arith.constant 1000 : i32
      %mul3A_85 = arith.muli %arg1, %mul3A_84 : i32
      %add3A_86 = arith.addi %mul3A_83, %mul3A_85 : i32
      "tpu.region"() ({
        %run_scoped3A = tpu.sem_alloc : memref<!tpu.dma_semaphore, #tpu.memory_space<semaphore_mem>>
        %dma_start3A = arith.constant 0 : i32
        %dma_start3A_87 = tpu.memref_slice %arg9[%add3A_86, %dma_start3A] : memref<40000x128xf32, #tpu.memory_space<hbm>> -> memref<1000x128xf32, #tpu.memory_space<hbm>>
        %dma_start3A_88 = arith.constant 0 : i32
        %dma_start3A_89 = tpu.memref_slice %arg18[%mul3A_81, %dma_start3A_88] : memref<10000x128xf32, #tpu.memory_space<vmem_shared>> -> memref<1000x128xf32, #tpu.memory_space<vmem_shared>>
        tpu.enqueue_dma source(%dma_start3A_89 : memref<1000x128xf32, #tpu.memory_space<vmem_shared>>) target(%dma_start3A_87 : memref<1000x128xf32, #tpu.memory_space<hbm>>) target_semaphore(%run_scoped3A : memref<!tpu.dma_semaphore, #tpu.memory_space<semaphore_mem>>)
        %dma_wait3A = arith.constant 0 : i32
        %dma_wait3A_90 = tpu.memref_slice %arg9[%add3A_86, %dma_wait3A] : memref<40000x128xf32, #tpu.memory_space<hbm>> -> memref<1000x128xf32, #tpu.memory_space<hbm>>
        %dma_wait3A_91 = arith.constant 0 : i32
        %dma_wait3A_92 = tpu.memref_slice %arg18[%mul3A_81, %dma_wait3A_91] : memref<10000x128xf32, #tpu.memory_space<vmem_shared>> -> memref<1000x128xf32, #tpu.memory_space<vmem_shared>>
        tpu.wait_dma2 semaphore(%run_scoped3A : memref<!tpu.dma_semaphore, #tpu.memory_space<semaphore_mem>>) src(%dma_wait3A_92 : memref<1000x128xf32, #tpu.memory_space<vmem_shared>>) dst(%dma_wait3A_90 : memref<1000x128xf32, #tpu.memory_space<hbm>>)
        tpu.yield
      }) : () -> ()
    } else {
    }
    %barrier3A_79 = arith.constant 0 : index
    tpu.barrier barrier_id(%barrier3A_79)
    return
  }
}

module attributes {stable_mosaic.version = 14 : i64} {
  func.func @_proj_body(%arg0: i32, %arg1: memref<1000x256xf32, #tpu.memory_space<vmem>>, %arg2: memref<256x512xf32, #tpu.memory_space<vmem>>, %arg3: memref<512x8xf32, #tpu.memory_space<vmem>>, %arg4: memref<512x8xf32, #tpu.memory_space<vmem>>, %arg5: memref<256x512xf32, #tpu.memory_space<vmem>>, %arg6: memref<512x8xf32, #tpu.memory_space<vmem>>, %arg7: memref<512x8xf32, #tpu.memory_space<vmem>>, %arg8: memref<1000x512xf32, #tpu.memory_space<vmem>>, %arg9: memref<1000x8xf32, #tpu.memory_space<vmem>>, %arg10: memref<1000x8xf32, #tpu.memory_space<vmem>>, %arg11: memref<1000x512xf32, #tpu.memory_space<vmem>>, %arg12: memref<1000x8xf32, #tpu.memory_space<vmem>>, %arg13: memref<1000x8xf32, #tpu.memory_space<vmem>>) attributes {dimension_semantics = [#tpu.dimension_semantics<arbitrary>], iteration_bounds = array<i64: 10>, scalar_prefetch = 0 : i64, scratch_operands = 0 : i64, tpu.core_type = #tpu.core_type<tc>, window_params = [{transform_indices = @transform_0, window_bounds = array<i64: 1000, 256>}, {pipeline_mode = #tpu.pipeline_mode<synchronous>, transform_indices = @transform_1, window_bounds = array<i64: 256, 512>}, {pipeline_mode = #tpu.pipeline_mode<synchronous>, transform_indices = @transform_2, window_bounds = array<i64: 512, 8>}, {pipeline_mode = #tpu.pipeline_mode<synchronous>, transform_indices = @transform_3, window_bounds = array<i64: 512, 8>}, {pipeline_mode = #tpu.pipeline_mode<synchronous>, transform_indices = @transform_4, window_bounds = array<i64: 256, 512>}, {pipeline_mode = #tpu.pipeline_mode<synchronous>, transform_indices = @transform_5, window_bounds = array<i64: 512, 8>}, {pipeline_mode = #tpu.pipeline_mode<synchronous>, transform_indices = @transform_6, window_bounds = array<i64: 512, 8>}, {transform_indices = @transform_7, window_bounds = array<i64: 1000, 512>}, {transform_indices = @transform_8, window_bounds = array<i64: 1000, 8>}, {transform_indices = @transform_9, window_bounds = array<i64: 1000, 8>}, {transform_indices = @transform_10, window_bounds = array<i64: 1000, 512>}, {transform_indices = @transform_11, window_bounds = array<i64: 1000, 8>}, {transform_indices = @transform_12, window_bounds = array<i64: 1000, 8>}]} {
    %get3A = arith.constant 0 : index
    %get3A_0 = arith.constant 0 : index
    %get3A_1 = vector.load %arg1[%get3A, %get3A_0] : memref<1000x256xf32, #tpu.memory_space<vmem>>, vector<1000x256xf32>
    %get3A_2 = arith.constant 0 : index
    %get3A_3 = arith.constant 0 : index
    %get3A_4 = vector.load %arg2[%get3A_2, %get3A_3] : memref<256x512xf32, #tpu.memory_space<vmem>>, vector<256x512xf32>
    %dot_general3A = arith.constant dense<0.000000e+00> : vector<1000x512xf32>
    %dot_general3A_5 = tpu.matmul %get3A_1, %get3A_4, %dot_general3A {dimension_numbers = #tpu.dot_dimension_numbers<[1], [0], [0], [1], [0, 0, 1, 1], [], []>, transpose_lhs_hint = false} : vector<1000x256xf32>, vector<256x512xf32>, vector<1000x512xf32> -> vector<1000x512xf32>
    %get3A_6 = arith.constant 0 : index
    %get3A_7 = arith.constant 0 : index
    %get3A_8 = vector.load %arg5[%get3A_6, %get3A_7] : memref<256x512xf32, #tpu.memory_space<vmem>>, vector<256x512xf32>
    %dot_general3A_9 = arith.constant dense<0.000000e+00> : vector<1000x512xf32>
    %dot_general3A_10 = tpu.matmul %get3A_1, %get3A_8, %dot_general3A_9 {dimension_numbers = #tpu.dot_dimension_numbers<[1], [0], [0], [1], [0, 0, 1, 1], [], []>, transpose_lhs_hint = false} : vector<1000x256xf32>, vector<256x512xf32>, vector<1000x512xf32> -> vector<1000x512xf32>
    %swap3A = arith.constant 0 : index
    %swap3A_11 = arith.constant 0 : index
    %swap3A_12 = vector.load %arg8[%swap3A, %swap3A_11] : memref<1000x512xf32, #tpu.memory_space<vmem>>, vector<1000x512xf32>
    tpu.vector_store %arg8[%swap3A, %swap3A_11], %dot_general3A_5 {strides = array<i32>} : memref<1000x512xf32, #tpu.memory_space<vmem>>, vector<1000x512xf32>,
    %swap3A_13 = arith.constant 0 : index
    %swap3A_14 = arith.constant 0 : index
    %swap3A_15 = vector.load %arg11[%swap3A_13, %swap3A_14] : memref<1000x512xf32, #tpu.memory_space<vmem>>, vector<1000x512xf32>
    tpu.vector_store %arg11[%swap3A_13, %swap3A_14], %dot_general3A_10 {strides = array<i32>} : memref<1000x512xf32, #tpu.memory_space<vmem>>, vector<1000x512xf32>,
    %get3A_16 = arith.constant 0 : index
    %get3A_17 = arith.constant 0 : index
    %get3A_18 = vector.load %arg3[%get3A_16, %get3A_17] : memref<512x8xf32, #tpu.memory_space<vmem>>, vector<512x8xf32>
    %dot_general3A_19 = arith.constant dense<0.000000e+00> : vector<1000x8xf32>
    %dot_general3A_20 = tpu.matmul %dot_general3A_5, %get3A_18, %dot_general3A_19 {dimension_numbers = #tpu.dot_dimension_numbers<[1], [0], [0], [1], [0, 0, 1, 1], [], []>, transpose_lhs_hint = false} : vector<1000x512xf32>, vector<512x8xf32>, vector<1000x8xf32> -> vector<1000x8xf32>
    %swap3A_21 = arith.constant 0 : index
    %swap3A_22 = arith.constant 0 : index
    %swap3A_23 = vector.load %arg9[%swap3A_21, %swap3A_22] : memref<1000x8xf32, #tpu.memory_space<vmem>>, vector<1000x8xf32>
    tpu.vector_store %arg9[%swap3A_21, %swap3A_22], %dot_general3A_20 {strides = array<i32>} : memref<1000x8xf32, #tpu.memory_space<vmem>>, vector<1000x8xf32>,
    %get3A_24 = arith.constant 0 : index
    %get3A_25 = arith.constant 0 : index
    %get3A_26 = vector.load %arg4[%get3A_24, %get3A_25] : memref<512x8xf32, #tpu.memory_space<vmem>>, vector<512x8xf32>
    %dot_general3A_27 = arith.constant dense<0.000000e+00> : vector<1000x8xf32>
    %dot_general3A_28 = tpu.matmul %dot_general3A_5, %get3A_26, %dot_general3A_27 {dimension_numbers = #tpu.dot_dimension_numbers<[1], [0], [0], [1], [0, 0, 1, 1], [], []>, transpose_lhs_hint = false} : vector<1000x512xf32>, vector<512x8xf32>, vector<1000x8xf32> -> vector<1000x8xf32>
    %swap3A_29 = arith.constant 0 : index
    %swap3A_30 = arith.constant 0 : index
    %swap3A_31 = vector.load %arg10[%swap3A_29, %swap3A_30] : memref<1000x8xf32, #tpu.memory_space<vmem>>, vector<1000x8xf32>
    tpu.vector_store %arg10[%swap3A_29, %swap3A_30], %dot_general3A_28 {strides = array<i32>} : memref<1000x8xf32, #tpu.memory_space<vmem>>, vector<1000x8xf32>,
    %get3A_32 = arith.constant 0 : index
    %get3A_33 = arith.constant 0 : index
    %get3A_34 = vector.load %arg6[%get3A_32, %get3A_33] : memref<512x8xf32, #tpu.memory_space<vmem>>, vector<512x8xf32>
    %dot_general3A_35 = arith.constant dense<0.000000e+00> : vector<1000x8xf32>
    %dot_general3A_36 = tpu.matmul %dot_general3A_10, %get3A_34, %dot_general3A_35 {dimension_numbers = #tpu.dot_dimension_numbers<[1], [0], [0], [1], [0, 0, 1, 1], [], []>, transpose_lhs_hint = false} : vector<1000x512xf32>, vector<512x8xf32>, vector<1000x8xf32> -> vector<1000x8xf32>
    %swap3A_37 = arith.constant 0 : index
    %swap3A_38 = arith.constant 0 : index
    %swap3A_39 = vector.load %arg12[%swap3A_37, %swap3A_38] : memref<1000x8xf32, #tpu.memory_space<vmem>>, vector<1000x8xf32>
    tpu.vector_store %arg12[%swap3A_37, %swap3A_38], %dot_general3A_36 {strides = array<i32>} : memref<1000x8xf32, #tpu.memory_space<vmem>>, vector<1000x8xf32>,
    %get3A_40 = arith.constant 0 : index
    %get3A_41 = arith.constant 0 : index
    %get3A_42 = vector.load %arg7[%get3A_40, %get3A_41] : memref<512x8xf32, #tpu.memory_space<vmem>>, vector<512x8xf32>
    %dot_general3A_43 = arith.constant dense<0.000000e+00> : vector<1000x8xf32>
    %dot_general3A_44 = tpu.matmul %dot_general3A_10, %get3A_42, %dot_general3A_43 {dimension_numbers = #tpu.dot_dimension_numbers<[1], [0], [0], [1], [0, 0, 1, 1], [], []>, transpose_lhs_hint = false} : vector<1000x512xf32>, vector<512x8xf32>, vector<1000x8xf32> -> vector<1000x8xf32>
    %swap3A_45 = arith.constant 0 : index
    %swap3A_46 = arith.constant 0 : index
    %swap3A_47 = vector.load %arg13[%swap3A_45, %swap3A_46] : memref<1000x8xf32, #tpu.memory_space<vmem>>, vector<1000x8xf32>
    tpu.vector_store %arg13[%swap3A_45, %swap3A_46], %dot_general3A_44 {strides = array<i32>} : memref<1000x8xf32, #tpu.memory_space<vmem>>, vector<1000x8xf32>,
    return
  }
  func.func @transform_0(%arg0: i32) -> (i32, i32) {
    %c0_i32 = arith.constant 0 : i32
    %c0_i32_0 = arith.constant 0 : i32
    return %arg0, %c0_i32 : i32, i32
  }
  func.func @transform_1(%arg0: i32) -> (i32, i32) {
    %c0_i32 = arith.constant 0 : i32
    %c0_i32_0 = arith.constant 0 : i32
    %c0_i32_1 = arith.constant 0 : i32
    return %c0_i32, %c0_i32_0 : i32, i32
  }
  func.func @transform_2(%arg0: i32) -> (i32, i32) {
    %c0_i32 = arith.constant 0 : i32
    %c0_i32_0 = arith.constant 0 : i32
    %c0_i32_1 = arith.constant 0 : i32
    return %c0_i32, %c0_i32_0 : i32, i32
  }
  func.func @transform_3(%arg0: i32) -> (i32, i32) {
    %c0_i32 = arith.constant 0 : i32
    %c0_i32_0 = arith.constant 0 : i32
    %c0_i32_1 = arith.constant 0 : i32
    return %c0_i32, %c0_i32_0 : i32, i32
  }
  func.func @transform_4(%arg0: i32) -> (i32, i32) {
    %c0_i32 = arith.constant 0 : i32
    %c0_i32_0 = arith.constant 0 : i32
    %c0_i32_1 = arith.constant 0 : i32
    return %c0_i32, %c0_i32_0 : i32, i32
  }
  func.func @transform_5(%arg0: i32) -> (i32, i32) {
    %c0_i32 = arith.constant 0 : i32
    %c0_i32_0 = arith.constant 0 : i32
    %c0_i32_1 = arith.constant 0 : i32
    return %c0_i32, %c0_i32_0 : i32, i32
  }
  func.func @transform_6(%arg0: i32) -> (i32, i32) {
    %c0_i32 = arith.constant 0 : i32
    %c0_i32_0 = arith.constant 0 : i32
    %c0_i32_1 = arith.constant 0 : i32
    return %c0_i32, %c0_i32_0 : i32, i32
  }
  func.func @transform_7(%arg0: i32) -> (i32, i32) {
    %c0_i32 = arith.constant 0 : i32
    %c0_i32_0 = arith.constant 0 : i32
    return %arg0, %c0_i32 : i32, i32
  }
  func.func @transform_8(%arg0: i32) -> (i32, i32) {
    %c0_i32 = arith.constant 0 : i32
    %c0_i32_0 = arith.constant 0 : i32
    return %arg0, %c0_i32 : i32, i32
  }
  func.func @transform_9(%arg0: i32) -> (i32, i32) {
    %c0_i32 = arith.constant 0 : i32
    %c0_i32_0 = arith.constant 0 : i32
    return %arg0, %c0_i32 : i32, i32
  }
  func.func @transform_10(%arg0: i32) -> (i32, i32) {
    %c0_i32 = arith.constant 0 : i32
    %c0_i32_0 = arith.constant 0 : i32
    return %arg0, %c0_i32 : i32, i32
  }
  func.func @transform_11(%arg0: i32) -> (i32, i32) {
    %c0_i32 = arith.constant 0 : i32
    %c0_i32_0 = arith.constant 0 : i32
    return %arg0, %c0_i32 : i32, i32
  }
  func.func @transform_12(%arg0: i32) -> (i32, i32) {
    %c0_i32 = arith.constant 0 : i32
    %c0_i32_0 = arith.constant 0 : i32
    return %arg0, %c0_i32 : i32, i32
  }
}

</mosaic_0001>

<sc_bundles>
// kernel: kernel.5.cloned.1.call-start
scs
__scs_entry_jumppad:
0x0: {  	(pc) =	sbr.rel $0x88, $3  }
0x1: {  	(tag) =	ssettag $0x0;
	lr =	simm.s32 $0x1  }
0x2: {  	[smem:$0x3F93] =	sst lr;
	_ =	strace $0xD0000000  }
0x3: {  	_ = 	snop  }
0x4: {  	_ = 	snop  }
0x5: {  	_ = 	snop  }
0x6: {  	_ = 	snop  }
0x7: {  	_ = 	snop  }
__scs_overlays_trampoline_lowered:
0x8: {  	[smem:$0x3FA2] =	sst s0  }
0x9: {  	[smem:$0x3FA3] =	sst s1  }
0xa: {  	[smem:$0x3FA4] =	sst s2  }
0xb: {  	[smem:$0x3FA5] =	sst s3  }
0xc: {  	[smem:$0x3FA6] =	sst s4  }
0xd: {  	[smem:$0x3FA7] =	sst s5  }
0xe: {  	[smem:$0x3FA8] =	sst s6  }
0xf: {  	[smem:$0x3FA9] =	sst s7  }
0x10: {  	[smem:$0x3FAA] =	sst s8  }
0x11: {  	[smem:$0x3FAB] =	sst s9;
	s0 =	simm.s32 @!p0 $0x0  }
0x12: {  	s1 =	sld [smem:$0x3F91];
	s0 =	simm.s32 @p0 $0x1  }
0x13: {  	[smem:$0x3FAC] =	sst s0;
	s0 =	simm.s32 @!p1 $0x0  }
0x14: {  	s2 =	sld [smem:$0x3F90];
	s0 =	simm.s32 @p1 $0x1  }
0x15: {  	[smem:$0x3FAD] =	sst s0;
	s0 =	simm.s32 @!p2 $0x0  }
0x16: {  	s3 =	sld [smem:$0x3FDB];
	s0 =	simm.s32 @p2 $0x1  }
0x17: {  	s4 =	simm.s32 $0x1BF5;
	[smem:$0x3FAF] =	sst s0  }
0x18: {  	s0 =	sld [smem:$0x3F92];
	_ =	swait.ge [sflag:s4], $0x0  }
0x19: {  	s7 =	sld [smem:$0x3F93]  }
0x1a: {  	s8 =	sadd.s32 $0xFFFFE003, lr  }
0x1b: {  	s9 =	sadd.s32 $0xFFFFFEF7, lr;
	s5 =	simm.s32 $0xFFFFFFFF;
	p2 =	slt.u32 s8, $0xFFFFF086  }
0x1c: {  	p1 =	slt.u32 s9, $0xF7A;
	s5 =	simm.s32 @!p2 $0x0  }
0x1d: {  	s5 =	simm.s32 @p1 $0x1;
	p0 =	seq.s32 s7, s2  }
0x1e: {  	s7 =	smul.u32 @!p0 $0xF7A, s2;
	p2 =	seq.s32 @!p0 s5, $0x0  }
0x1f: {  	s9 =	smul.u32 $0xF7A, s1;
	s8 =	simm.s32 @!p0 $0x1BF5;
	p2 =	por !p2, p0  }
0x20: {  	[sflag:s8] =	ssyncset.s32 @!p0 $0xFFFFF086;
	s6 =	sadd.s32 @!p0 s3, s7;
	s7 =	simm.s32 @!p0 $0x108  }
0x21: {  	s3 =	sadd.s32 s3, s9;
	s6 =	sadd.s32 @!p0 $0x88, s6;
	s7 =	simm.s32 @p2 $0x1082  }
0x22: {  	[simem:s7], [sflag:s8] =	dma.local @!p0 [hbm:s6], $0xF7A  }
0x23: {  	s9 =	sor.u32 $0xD0000000, s2;
	s6 =	simm.s32 $0x108;
	_ =	swait.ge @!p0 [sflag:s8], $0x0  }
0x24: {  	s3 =	sadd.s32 $0x88, s3;
	s6 =	simm.s32 @!p1 $0x1082;
	[sflag:s4] =	ssyncset.s32 $0xFFFFF086  }
0x25: {  	[simem:s6], [sflag:s4] =	dma.local [hbm:s3], $0xF7A  }
0x26: {  	[smem:$0x3F93] =	sst s1;
	(tag) =	ssettag s2;
	_ =	strace s9  }
0x27: {  	s1 =	sld [smem:$0x3FA3]  }
0x28: {  	s2 =	sld [smem:$0x3FA4]  }
0x29: {  	s4 =	sld [smem:$0x3FA6]  }
0x2a: {  	p0 =	seq.s32 s5, $0x0;
	s5 =	sld [smem:$0x3FA7]  }
0x2b: {  	s6 =	sld [smem:$0x3FA8]  }
0x2c: {  	s7 =	sld [smem:$0x3FA9]  }
0x2d: {  	s3 =	simm.s32 $0x108;
	s8 =	sld [smem:$0x3FAA]  }
0x2e: {  	s3 =	simm.s32 @!p0 $0x1082;
	s9 =	sld [smem:$0x3FAB]  }
0x2f: {  	lr =	sadd.s32 s0, s3;
	s0 =	sld [smem:$0x3FA2]  }
0x30: {  	s3 =	sld [smem:$0x3FA5]  }
0x31: {  	[smem:$0x3FAE] =	sst s10  }
0x32: {  	s10 =	sld [smem:$0x3FAC];
	_ =	sdelay $0x3  }
0x33: {  	p0 =	seq.s32 s10, $0x1;
	s10 =	sld [smem:$0x3FAE];
	_ =	sdelay $0x3  }
0x34: {  	[smem:$0x3FAE] =	sst s10  }
0x35: {  	s10 =	sld [smem:$0x3FAD];
	_ =	sdelay $0x3  }
0x36: {  	p1 =	seq.s32 s10, $0x1;
	s10 =	sld [smem:$0x3FAE];
	_ =	sdelay $0x3  }
0x37: {  	[smem:$0x3FAE] =	sst s10  }
0x38: {  	s10 =	sld [smem:$0x3FAF]  }
0x39: {  	_ = 	snop;
	(pc) =	sbr.ind lr, $3  }
0x3a: {  	_ = 	snop  }
0x3b: {  	_ = 	snop  }
0x3c: {  	p2 =	seq.s32 s10, $0x1;
	s10 =	sld [smem:$0x3FAE]  }
0x3d: {  	_ =	shalt  }
0x3e: {  	_ =	shalt  }
0x3f: {  	_ =	shalt  }
0x40: {  	_ =	shalt  }
0x41: {  	_ =	shalt  }
0x42: {  	_ =	shalt  }
0x43: {  	_ =	shalt  }
0x44: {  	_ =	shalt  }
0x45: {  	_ =	shalt  }
0x46: {  	_ =	shalt  }
0x47: {  	_ =	shalt  }
0x48: {  	_ =	shalt  }
0x49: {  	_ =	shalt  }
0x4a: {  	_ =	shalt  }
0x4b: {  	_ =	shalt  }
0x4c: {  	_ =	shalt  }
0x4d: {  	_ =	shalt  }
0x4e: {  	_ =	shalt  }
0x4f: {  	_ =	shalt  }
0x50: {  	_ =	shalt  }
0x51: {  	_ =	shalt  }
0x52: {  	_ =	shalt  }
0x53: {  	_ =	shalt  }
0x54: {  	_ =	shalt  }
0x55: {  	_ =	shalt  }
0x56: {  	_ =	shalt  }
0x57: {  	_ =	shalt  }
0x58: {  	_ =	shalt  }
0x59: {  	_ =	shalt  }
0x5a: {  	_ =	shalt  }
0x5b: {  	_ =	shalt  }
0x5c: {  	_ =	shalt  }
0x5d: {  	_ =	shalt  }
0x5e: {  	_ =	shalt  }
0x5f: {  	_ =	shalt  }
0x60: {  	_ =	shalt  }
0x61: {  	_ =	shalt  }
0x62: {  	_ =	shalt  }
0x63: {  	_ =	shalt  }
0x64: {  	_ =	shalt  }
0x65: {  	_ =	shalt  }
0x66: {  	_ =	shalt  }
0x67: {  	_ =	shalt  }
0x68: {  	_ =	shalt  }
0x69: {  	_ =	shalt  }
0x6a: {  	_ =	shalt  }
0x6b: {  	_ =	shalt  }
0x6c: {  	_ =	shalt  }
0x6d: {  	_ =	shalt  }
0x6e: {  	_ =	shalt  }
0x6f: {  	_ =	shalt  }
0x70: {  	_ =	shalt  }
0x71: {  	_ =	shalt  }
0x72: {  	_ =	shalt  }
0x73: {  	_ =	shalt  }
0x74: {  	_ =	shalt  }
0x75: {  	_ =	shalt  }
0x76: {  	_ =	shalt  }
0x77: {  	_ =	shalt  }
0x78: {  	_ =	shalt  }
0x79: {  	_ =	shalt  }
0x7a: {  	_ =	shalt  }
0x7b: {  	_ =	shalt  }
0x7c: {  	_ =	shalt  }
0x7d: {  	_ =	shalt  }
0x7e: {  	_ =	shalt  }
0x7f: {  	_ =	shalt  }
0x80: {  	_ =	shalt  }
0x81: {  	_ =	shalt  }
0x82: {  	_ =	shalt  }
0x83: {  	_ =	shalt  }
0x84: {  	_ =	shalt  }
0x85: {  	_ =	shalt  }
0x86: {  	_ =	shalt  }
0x87: {  	_ =	shalt  }
.Lfunc_end0:
.L_simem_size_0:
called_computation_lowered:
.L_overlay_start_0:
0x88: {  	s2 =	sld [smem:$0x3FD9]  }
0x89: {  	s3 =	sld [smem:$0x3FFE];
	_ =	sdelay $0x1  }
0x8a: {  	s1 =	srdreg.scid  }
0x8b: {  	s0 =	sand.u32 $0x1, s1  }
0x8c: {  	s15 =	sshll.u32 s0, $0xA;
	s2 =	sadd.s32 s3, s2  }
0x8d: {  	s2 =	sadd.s32 s2, s15  }
0x8e: {  	[smem:$0x3FBA] =	sst s2  }
0x8f: {  	_ = 	snop  }
0x90: {  	s2 =	sld [smem:$0x3FD0];
	_ =	sdelay $0x2  }
0x91: {  	s16 =	simm.s32 $0xB;
	s4 =	simm.s32 $0x10  }
0x92: {  	[smem:s4], [sflag:s16] =	dma.local [hbm:s2], $0x1  }
0x93: {  	_ =	swait.eq [sflag:s16], $0x1  }
0x94: {  	[sflag:s16] =	ssyncset.done $0x0  }
0x95: {  	[sflag:s16] =	ssyncadd.s32 $0xFFFFFFFF  }
0x96: {  	s17 =	sld [smem:$0x12];
	(tm) =	ssettm $0x1  }
0x97: {  	s18 =	sld [smem:$0x3FFB];
	_ =	sdelay $0x3  }
0x98: {  	_ =	strace s18  }
0x99: {  	s2 =	sld [smem:$0x3FFC];
	_ =	sdelay $0x3  }
0x9a: {  	_ =	strace s2  }
0x9b: {  	s2 =	sld [smem:$0x3FFD];
	_ =	sdelay $0x3  }
0x9c: {  	_ =	strace s2  }
0x9d: {  	_ =	strace $0x8FFFFFFF  }
0x9e: {  	s19 =	sld [smem:$0x3FDB];
	_ =	sdelay $0x1  }
0x9f: {  	s20 =	simm.s32 $_scs_section_size  }
0xa0: {  	s5 =	simm.s32 $_size__tile_overlayer_lowered;
	s6 =	simm.s32 $_tile_overlayer_lowered  }
0xa1: {  	s7 =	simm.s32 $0x1BFF;
	s21 =	sshll.u32 s6, $0x1;
	s4 =	sadd.s32 s20, s19  }
0xa2: {  	s22 =	simm.s32 $0x0;
	s5 =	sshll.u32 s5, $0x1;
	s6 =	sadd.s32 s21, s4  }
0xa3: {  	[timem:s22], [sflag:s7] =	dma.local [hbm:s6], s5  }
0xa4: {  	_ =	swait.ge [sflag:s7], s5  }
0xa5: {  	s5 =	ssub.s32 $0x0, s5;
	[sflag:s7] =	ssyncset.done $0x0  }
0xa6: {  	[sflag:s7] =	ssyncadd.s32 s5;
	_ =	sdelay $0x1  }
0xa7: {  	s23 =	simm.s32 $0x1B8B  }
0xa8: {  	_ =	swait.ge [sflag:s23], $0x1  }
0xa9: {  	[sflag:s23] =	ssyncset.done $0x0  }
0xaa: {  	[sflag:s23] =	ssyncadd.s32 $0xFFFFFFFF  }
0xab: {  	s5 =	sld [smem:$0x0]  }
0xac: {  	s6 =	sand.u32 $0xFFFFFFFE, s1  }
0xad: {  	p0 =	sne.s32 s1, s6  }
0xae: {  	s6 =	sshll.u32 @p0 s6, $0xE  }
0xaf: {  	s6 =	sadd.s32 @p0 $0x11B8D, s6;
	s7 =	sshll.u32 @p0 s5, $0x11  }
0xb0: {  	s6 =	sor.u32 @p0 s7, s6  }
0xb1: {  	[sflag:s6] =	ssyncadd.remote.s32 @p0 $0x1;
	_ =	sdelay $0x1  }
0xb2: {  	s6 =	simm.s32 @p0 $0x1B8D  }
0xb3: {  	_ =	swait.eq @p0 [sflag:s6], $0x1  }
0xb4: {  	[sflag:s6] =	ssyncadd.s32 @p0 $0xFFFFFFFF  }
0xb5: {  	s7 =	sshll.u32 @!p0 s1, $0xE  }
0xb6: {  	s7 =	sor.u32 @!p0 $0x4000, s7;
	s6 =	simm.s32 @!p0 $0x1B8D  }
0xb7: {  	s5 =	sshll.u32 @!p0 s5, $0x11;
	s7 =	sadd.s32 @!p0 $0x11B8D, s7;
	_ =	swait.eq @!p0 [sflag:s6], $0x1  }
0xb8: {  	s5 =	sor.u32 @!p0 s5, s7;
	[sflag:s6] =	ssyncadd.s32 @!p0 $0xFFFFFFFF  }
0xb9: {  	s25 =	simm.s32 $0x1B8E;
	s24 =	sld [smem:$0x3FFE];
	[sflag:s5] =	ssyncadd.remote.s32 @!p0 $0x1  }
0xba: {  	s26 =	simm.s32 $execute0_lowered;
	[smem:$0x3FD2] =	sst s25  }
0xbb: {  	s6 =	sshll.u32 s26, $0x1;
	_ =	strace $0x80000049;
	[dreg:$0x1] =	wrdreg $0xFFFFFFFF  }
0xbc: {  	s28 =	simm.s32 $_size_execute0_lowered;
	s4 =	sadd.s32 s4, s6;
	[dreg:$0x0] =	wrdreg $0x0  }
0xbd: {  	s6 =	sshll.u32 s28, $0x1;
	[dreg:$0x2] =	wrdreg s4  }
0xbe: {  	[dreg:$0x3] =	wrdreg s6  }
0xbf: {  	[dreg:$0x4] =	wrdreg $0xC0  }
0xc0: {  	_ =	task [dreg:s22], $0x5FFFF  }
0xc1: {  	[dreg:$0x1] =	wrdreg $0xFFFFFFFF  }
0xc2: {  	[dreg:$0x0] =	wrdreg $0x60  }
0xc3: {  	[dreg:$0x2] =	wrdreg s24  }
0xc4: {  	[dreg:$0x3] =	wrdreg s17  }
0xc5: {  	[dreg:$0x4] =	wrdreg $0x59800  }
0xc6: {  	[dreg:$0x5] =	wrdreg $0x192000  }
0xc7: {  	[dreg:$0x6] =	wrdreg $0x9  }
0xc8: {  	_ =	task.clear_ibuf [dreg:s22], $0x7FFFF;
	_ =	strace $0x90000049  }
0xc9: {  	s29 =	simm.s32 $0x9;
	_ =	strace $0x8000004B  }
0xca: {  	_ =	swait.ge [sflag:s29], $0x1  }
0xcb: {  	[sflag:s29] =	ssyncadd.s32 $0xFFFFFFFF  }
0xcc: {  	_ =	strace $0x9000004B  }
0xcd: {  	_ =	sfence  }
0xce: {  	s30 =	sld [smem:$0x0];
	_ =	sdelay $0x2  }
0xcf: {  	s31 =	sshll.u32 s1, $0xD;
	s1 =	sshrl.u32 s1, $0x2  }
0xd0: {  	s4 =	sand.u32 $0x4000, s31;
	s1 =	sadd.s32 s1, s30  }
0xd1: {  	s0 =	sor.u32 s4, s0;
	s1 =	sshll.u32 s1, $0x11  }
0xd2: {  	s0 =	sor.u32 s1, s0  }
0xd3: {  	s0 =	sadd.s32 $0x8F2B, s0  }
0xd4: {  	[sflag:s0] =	ssyncadd.remote.s32 $0x1  }
0xd5: {  	_ =	sfence.sel $0xFFFF  }
0xd6: {  	[dreg:$0x0] =	wrdreg $0xFFFFFFFF;
	(pc) =	sbr.abs _section_cstart, $3  }
0xd7: {  	[dreg:$0x1] =	wrdreg $0xFFFFFFFF  }
0xd8: {  	_ =	task.clear_ibuf [dreg:s22], $0x2FFFF;
	_ =	strace $0x9FFFFFFF  }
0xd9: {  	(tm) =	ssettm $0x7FFFFFFF  }
tec
execute0_lowered:
.L_overlay_start_1:
0x0: {  	(tag) =	ssettag $0x1  }
0x1: {  	s0 =	rddreg [dreg:$0x0]  }
0x2: {  	s1 =	rddreg [dreg:$0x1]  }
0x3: {  	s2 =	rddreg [dreg:$0x2]  }
0x4: {  	s3 =	rddreg [dreg:$0x3];
	s4 =	simm.s32 $0x0;
	s24 =	stileid.u32  }
0x5: {  	s5 =	srdreg.scid;
	s28 =	simm.s32 $0x1980;
	s29 =	simm.s32 $0x1  }
0x6: {  	s31 =	simm.s32 $0x3;
	[smem:$0x7FF] =	sst s4;
	s6 =	sadd.s32 $0x25200, s0  }
0x7: {  	s7 =	sadd.s32 $0x20200, s0;
	s8 =	sadd.s32 $0x2F200, s0;
	s11 =	smul.u32 $0x3E80, s24  }
0x8: {  	s9 =	sadd.s32 $0x2A200, s0;
	s10 =	sadd.s32 $0x17200, s0;
	s16 =	smul.u32 $0x4E, s24  }
0x9: {  	s5 =	sand.u32 $0x1, s5;
	s12 =	sadd.s32 $0x16A00, s0;
	s17 =	smul.u32 $0x7D000, s24  }
0xa: {  	s14 =	sadd.s32 $0x34200, s0;
	p0 =	slt.u32 s24, $0x2;
	s18 =	smul.u32 $0xFA00, s24  }
0xb: {  	s22 =	smin.u32 s24, $0x2;
	s23 =	smul.u32 $0x3E8, s24;
	_ =	strace $0x8000004A  }
0xc: {  	[dreg:$0x5] =	wrdreg s12;
	s21 =	ssub.s32 $0x2, s5;
	s19 =	sshllo.u32 s5, $0x1  }
0xd: {  	s12 =	simm.s32 $0x4F;
	s20 =	smul.u32 $0x4E200, s5;
	s13 =	sshrl.u32 s11, $0x3  }
0xe: {  	s15 =	sshrl.u32 s21, $0x1;
	s30 =	smul.u32 $0x2710, s19;
	s12 =	simm.s32 @!p0 $0x4E  }
0xf: {  	s17 =	sshrl.u32 s17, $0x2;
	s25 =	sshrl.u32 s18, $0x2;
	p0 =	sgt.u32 s24, $0x9  }
0x10: {  	s0 =	sadd.s32 s13, s0;
	s15 =	ssub.s32 s21, s15;
	s13 =	sadd.s32 s22, s16  }
0x11: {  	s21 =	sshll.u32 s5, $0x2;
	s22 =	sadd.s32 s17, s2;
	s26 =	sadd.s32 s11, s20  }
0x12: {  	p1 =	sne.s32 @!p0 s5, $0x0;
	s16 =	sadd.s32 s23, s30;
	s23 =	sadd.s32 s25, s3  }
0x13: {  	s17 =	sadd.s32 s14, s26;
	s0 =	sadd.s32 $0xD0600, s0;
	s25 =	sshllo.u32 s19, $0x1  }
0x14: {  	s15 =	smax.u32 s15, $0x1;
	s26 =	sor.u32 $0x1, s21;
	p1 =	por p1, p0  }
0x15: {  	v1 =	vmov s21;
	s21 =	simm.s32 $0x4;
	s16 =	sshll.u32 s16, $0x4;
	[dreg:$0x6] =	wrdreg s17  }
0x16: {  	[dreg:$0x8] =	wrdreg s0;
	s0 =	sadd.s32 s11, s3;
	s17 =	sshll.u32 s19, $0x1  }
0x17: {  	s11 =	sshll.u32 @!p0 s24, $0x6;
	[dreg:$0x9] =	wrdreg s15;
	s19 =	sshrl.u32 @!p0 s22, $0x3  }
0x18: {  	s20 =	sshrl.u32 @!p0 s23, $0x3;
	v2 =	vmov s26;
	s22 =	simm.s32 $0x100;
	s23 =	simm.s32 $0x80  }
0x19: {  	v3 =	vmov s25;
	s25 =	simm.s32 $0x180;
	v1 =	vbroadcast v1, $0x0;
	s14 =	sadd.s32 s14, s16;
	s16 =	smul.u32 $0x4E20, s5;
	v4 =	vmov s17  }
0x1a: {  	s26 =	simm.s32 $0x980;
	s18 =	sor.u32 @!p0 $0x1C04, s11;
	s24 =	sshrl.u32 @!p1 s0, $0x3;
	v2 =	vbroadcast v2, $0x0;
	v5 =	vand.u32 $0xF, v3;
	v3 =	vmov s30  }
0x1b: {  	s30 =	simm.s32 $0x2;
	s0 =	simm.s32 $0x1180;
	[dreg:$0x7] =	wrdreg s14;
	v4 =	vbroadcast v4, $0x0;
	v5 =	vbroadcast v5, $0x0;
	v0 =	vmov s16  }
.LBB2_1:
0x1c: {  	[spmem:s19], [sflag:s18] =	dma.local @!p0 [hbm:s10], $0x3E80  }
0x1d: {  	s5 =	simm.s32 @!p0 $0x4  }
0x1e: {  	_ =	swait.ge @!p0 [sflag:s5], $0x3E80  }
0x1f: {  	[sflag:s5] =	ssyncset.done @!p0 $0x0  }
0x20: {  	s11 =	rddreg [dreg:$0x5];
	[sflag:s5] =	ssyncadd.s32 @!p0 $0xFFFFC180  }
0x21: {  	[spmem:s20], [sflag:s18] =	dma.local @!p0 [hbm:s11], $0x7D0  }
0x22: {  	_ =	swait.ge @!p0 [sflag:s5], $0x7D0  }
0x23: {  	[sflag:s5] =	ssyncset.done @!p0 $0x0  }
0x24: {  	[sflag:s5] =	ssyncadd.s32 @!p0 $0xFFFFF830  }
0x25: {  	s5 =	simm.s32 $0x0;
	[bflag:$0x0] =	sbarrier.arrive $0xFFFF  }
.LBB2_2:
0x26: {  	s11 =	sadd.s32 s13, s5  }
0x27: {  	s11 =	sshll.u32 s11, $0x4  }
0x28: {  	s15 =	simm.s32 $0x0;
	s14 =	sadd.s32 s8, s11  }
0x29: {  	[tilespmem:s15], [sflag:$0x4] =	stream.linear.gather [hbm4b:s14+s15], $0x80, $0x38;
	[tilespmem:$0x1B910] =	vst v63  }
0x2a: {  	_ =	swait.ge [sflag:s21], $0x80  }
0x2b: {  	[sflag:s21] =	ssyncset.done $0x0  }
0x2c: {  	s11 =	sadd.s32 s9, s11;
	[sflag:s21] =	ssyncadd.s32 $0xFFFFFF80  }
0x2d: {  	[tilespmem:s22], [sflag:$0x4] =	stream.linear.gather [hbm4b:s11+s15], $0x80, $0x38;
	[tilespmem:$0x1B910] =	vst v63  }
0x2e: {  	_ =	swait.ge [sflag:s21], $0x80  }
0x2f: {  	[sflag:s21] =	ssyncset.done $0x0  }
0x30: {  	[sflag:s21] =	ssyncadd.s32 $0xFFFFFF80  }
0x31: {  	[tilespmem:s25], [sflag:$0x1] =	stream.indirect.gather [hbm4b:s6+s23], $0x10, s15, s23, $0xb8;
	[tilespmem:$0x1B910] =	vst v63  }
0x32: {  	_ = 	snop  }
0x33: {  	[tilespmem:s26], [sflag:$0x2] =	stream.indirect.gather [hbm4b:s7+s23], $0x10, s22, s23, $0xb8;
	[tilespmem:$0x1B910] =	vst v63  }
0x34: {  	v6 =	vld [tilespmem:$0x0]  }
0x35: {  	v7 =	vld [tilespmem:$0x10]  }
0x36: {  	v8 =	vld [tilespmem:$0x20]  }
0x37: {  	v9 =	vld [tilespmem:$0x30]  }
0x38: {  	v10 =	vld [tilespmem:$0x40]  }
0x39: {  	v11 =	vld [tilespmem:$0x50];
	v6 =	vadd.s32 v0, v6  }
0x3a: {  	[tilespmem:$0x80] =	vst v6;
	v6 =	vadd.s32 v0, v7;
	v7 =	vld [tilespmem:$0x60]  }
0x3b: {  	[tilespmem:$0x90] =	vst v6;
	v6 =	vadd.s32 v0, v8;
	v8 =	vld [tilespmem:$0x70]  }
0x3c: {  	[tilespmem:$0xA0] =	vst v6;
	v6 =	vadd.s32 v0, v9  }
0x3d: {  	[tilespmem:$0xB0] =	vst v6;
	v6 =	vadd.s32 v0, v10  }
0x3e: {  	[tilespmem:$0xC0] =	vst v6;
	v6 =	vadd.s32 v0, v11  }
0x3f: {  	[tilespmem:$0xD0] =	vst v6;
	v6 =	vadd.s32 v0, v7  }
0x40: {  	[tilespmem:$0xE0] =	vst v6;
	v6 =	vadd.s32 v0, v8  }
0x41: {  	[tilespmem:$0xF0] =	vst v6  }
0x42: {  	[tilespmem:s28], [sflag:$0x3] =	stream.indirect.gather [hbm4b:s1+s23], $0x80, s23, s23, $0xb8;
	[tilespmem:$0x1B910] =	vst v63  }
0x43: {  	_ =	swait.ge [sflag:s29], $0x800  }
0x44: {  	[sflag:s29] =	ssyncset.done $0x0  }
0x45: {  	[sflag:s29] =	ssyncadd.s32 $0xFFFFF800  }
0x46: {  	_ =	swait.ge [sflag:s30], $0x800  }
0x47: {  	[sflag:s30] =	ssyncset.done $0x0  }
0x48: {  	[sflag:s30] =	ssyncadd.s32 $0xFFFFF800  }
0x49: {  	_ =	swait.ge [sflag:s31], $0x4000  }
0x4a: {  	[sflag:s31] =	ssyncset.done $0x0  }
0x4b: {  	s17 =	simm.s32 $0x0;
	[sflag:s31] =	ssyncadd.s32 $0xFFFFC000  }
0x4c: {  	v6 =	vld [tilespmem:s17+$0x180]  }
0x4d: {  	v7 =	vld [tilespmem:s17+$0x980];
	_ =	sdelay $0x4  }
0x4e: {  	v6 =	vadd.f32 v7, v6;
	_ =	sdelay $0x1  }
0x4f: {  	v7 =	vmul.f32 $2.000000030e-01, v6;
	_ =	sdelay $0x1  }
0x50: {  	v6 =	vmax.f32 v6, v7  }
0x51: {  	v6 =	vmul.f32 $1.442695020e+00, v6;
	_ =	sdelay $0x1  }
0x52: {  	(erf) = vpow2.f32 v6;
	_ =	sdelay $0x8  }
0x53: {  	v7 =	vpop (erf)  }
0x54: {  	s11 =	simm.s32 $0x19C0;
	[tilespmem:s17+$0x1180] =	vst v7  }
0x55: {  	v11 =	vld [tilespmem:s11+$0xFFFFFFC0]  }
0x56: {  	v10 =	vld [tilespmem:s11+$0xFFFFFFD0]  }
0x57: {  	v9 =	vld [tilespmem:s11+$0xFFFFFFE0]  }
0x58: {  	s14 =	simm.s32 $0x40;
	s15 =	simm.s32 $0x19C0;
	v6 =	vperm.xlane v7, v1;
	v8 =	vld [tilespmem:s11+$0xFFFFFFF0]  }
.LBB2_3:
0x59: {  	p2 =	sne.s32 s14, $0x1FC0  }
0x5a: {  	v12 =	vld [tilespmem:s11+$0x0];
	s15 =	sadd.s32 $0x80, s15;
	s16 =	smov.u32 s14;
	s14 =	sadd.s32 $0x40, s14  }
0x5b: {  	v11 =	vmul.f32 v11, v6;
	v13 =	vld [tilespmem:s11+$0x10]  }
0x5c: {  	v10 =	vmul.f32 v10, v6;
	v14 =	vld [tilespmem:s11+$0x20]  }
0x5d: {  	v7 =	vperm.xlane v7, v2;
	[tilespmem:s11+$0xFFFFFFC0] =	vst v11;
	v9 =	vmul.f32 v9, v6;
	v11 =	vld [tilespmem:s11+$0x30]  }
0x5e: {  	[tilespmem:s11+$0xFFFFFFD0] =	vst v10;
	v6 =	vmul.f32 v8, v6  }
0x5f: {  	[tilespmem:s11+$0xFFFFFFE0] =	vst v9;
	v8 =	vmul.f32 v12, v7  }
0x60: {  	[tilespmem:s11+$0xFFFFFFF0] =	vst v6;
	v6 =	vmul.f32 v13, v7  }
0x61: {  	[tilespmem:s11+$0x0] =	vst v8;
	v8 =	vmul.f32 v14, v7  }
0x62: {  	s16 =	sshra.s32 s16, $0x2;
	[tilespmem:s11+$0x10] =	vst v6;
	v6 =	vmul.f32 v11, v7  }
0x63: {  	[tilespmem:s11+$0x20] =	vst v8  }
0x64: {  	[tilespmem:s11+$0x30] =	vst v6;
	s11 =	smov.u32 s15  }
0x65: {  	v6 =	vld [tilespmem:s16+$0x180]  }
0x66: {  	v7 =	vld [tilespmem:s16+$0x980];
	_ =	sdelay $0x4  }
0x67: {  	v6 =	vadd.f32 v7, v6;
	_ =	sdelay $0x1  }
0x68: {  	v7 =	vmul.f32 $2.000000030e-01, v6;
	_ =	sdelay $0x1  }
0x69: {  	v6 =	vmax.f32 v6, v7  }
0x6a: {  	v6 =	vmul.f32 $1.442695020e+00, v6;
	_ =	sdelay $0x1  }
0x6b: {  	(erf) = vpow2.f32 v6;
	_ =	sdelay $0x8  }
0x6c: {  	v7 =	vpop (erf)  }
.Ltmp0:
0x6d: {  	[tilespmem:s16+$0x1180] =	vst v7;
	v6 =	vperm.xlane v7, v1;
	(pc) =	sbr.rel @p2 .LBB2_3-.Ltmp0, $4  }
0x6e: {  	v11 =	vld [tilespmem:s15+$0xFFFFFFC0]  }
0x6f: {  	v10 =	vld [tilespmem:s15+$0xFFFFFFD0]  }
0x70: {  	v9 =	vld [tilespmem:s15+$0xFFFFFFE0]  }
0x71: {  	v8 =	vld [tilespmem:s15+$0xFFFFFFF0]  }
0x72: {  	v12 =	vld [tilespmem:s11+$0x0]  }
0x73: {  	v13 =	vld [tilespmem:s11+$0x10];
	v11 =	vmul.f32 v11, v6  }
0x74: {  	v14 =	vld [tilespmem:s11+$0x20];
	v10 =	vmul.f32 v10, v6  }
0x75: {  	v7 =	vperm.xlane v7, v2;
	v61 =	vld [tilespmem:s11+$0x30];
	[tilespmem:s11+$0xFFFFFFC0] =	vst v11;
	v9 =	vmul.f32 v9, v6  }
0x76: {  	[tilespmem:s11+$0xFFFFFFD0] =	vst v10;
	v6 =	vmul.f32 v8, v6  }
0x77: {  	[tilespmem:s11+$0xFFFFFFE0] =	vst v9;
	v62 =	vmul.f32 v12, v7  }
0x78: {  	[tilespmem:s11+$0xFFFFFFF0] =	vst v6;
	v6 =	vmul.f32 v13, v7  }
0x79: {  	v63 =	vmul.f32 v14, v7;
	[tilespmem:s11+$0x0] =	vst v62  }
0x7a: {  	[tilespmem:s11+$0x10] =	vst v6;
	v6 =	vmul.f32 v61, v7  }
0x7b: {  	[tilespmem:s11+$0x20] =	vst v63  }
0x7c: {  	[tilespmem:s11+$0x30] =	vst v6  }
0x7d: {  	[spmem:s3] =	stream.indirect.scatter.add.f32 [tilespmem:s0], [sflag:$0x4], $0x10, s22, s23, $0xb8;
	[tilespmem:$0x1B910] =	vst v63  }
0x7e: {  	s5 =	sadd.s32 $0x1, s5;
	_ =	swait.ge [sflag:s21], $0x800  }
0x7f: {  	p2 =	sne.s32 s5, s12;
	[sflag:s21] =	ssyncset.done $0x0  }
.Ltmp1:
0x80: {  	[sflag:s21] =	ssyncadd.s32 $0xFFFFF800;
	(pc) =	sbr.rel @p2 .LBB2_2-.Ltmp1, $4  }
0x81: {  	[spmem:s2] =	stream.indirect.scatter.add.f32 [tilespmem:s28], [sflag:$0x4], $0x80, s22, s23, $0xb8;
	[tilespmem:$0x1B910] =	vst v63  }
0x82: {  	_ =	swait.ge [sflag:s21], $0x4000  }
0x83: {  	[sflag:s21] =	ssyncset.done $0x0  }
0x84: {  	[sflag:s21] =	ssyncadd.s32 $0xFFFFC000  }
0x85: {  	[bflag:$0x0] =	sbarrier.arrive $0xFFFF  }
0x86: {  	[bflag:$0x0] =	sbarrier.arrive @p0 $0xFFFF  }
0x87: {  	s5 =	rddreg [dreg:$0x6]  }
0x88: {  	[hbm:s5], [sflag:s18] =	dma.local @!p0 [spmem:s19], $0x3E80  }
0x89: {  	s5 =	simm.s32 @!p0 $0x4  }
0x8a: {  	_ =	swait.ge @!p0 [sflag:s5], $0x3E80  }
0x8b: {  	[sflag:s5] =	ssyncset.done @!p0 $0x0  }
0x8c: {  	s11 =	rddreg [dreg:$0x8];
	[sflag:s5] =	ssyncadd.s32 @!p0 $0xFFFFC180  }
0x8d: {  	[hbm:s11], [sflag:s18] =	dma.local @!p1 [spmem:s24], $0x7D0  }
0x8e: {  	s11 =	simm.s32 @!p1 $0x4  }
0x8f: {  	_ =	swait.ge @!p1 [sflag:s11], $0x7D0  }
0x90: {  	[sflag:s11] =	ssyncset.done @!p1 $0x0  }
0x91: {  	[sflag:s11] =	ssyncadd.s32 @!p1 $0xFFFFF830  }
0x92: {  	[bflag:$0x0] =	sbarrier.arrive @!p0 $0xFFFF  }
0x93: {  	[spmem:s19], [sflag:s18] =	dma.local @!p0 [hbm:s10], $0x3E80  }
0x94: {  	_ =	swait.ge @!p0 [sflag:s5], $0x3E80  }
0x95: {  	[sflag:s5] =	ssyncset.done @!p0 $0x0  }
0x96: {  	[sflag:s5] =	ssyncadd.s32 @!p0 $0xFFFFC180  }
0x97: {  	s11 =	simm.s32 $0x0;
	s5 =	simm.s32 $0x0;
	[bflag:$0x0] =	sbarrier.arrive $0xFFFF  }
.LBB2_6:
0x98: {  	s14 =	sadd.s32 s13, s11  }
0x99: {  	s14 =	sshll.u32 s14, $0x4  }
0x9a: {  	s15 =	sadd.s32 s8, s14  }
0x9b: {  	[tilespmem:s5], [sflag:$0x4] =	stream.linear.gather [hbm4b:s15+s5], $0x80, $0x38;
	[tilespmem:$0x1B910] =	vst v63  }
0x9c: {  	_ =	swait.ge [sflag:s21], $0x80  }
0x9d: {  	[sflag:s21] =	ssyncset.done $0x0  }
0x9e: {  	s14 =	sadd.s32 s9, s14;
	[sflag:s21] =	ssyncadd.s32 $0xFFFFFF80  }
0x9f: {  	[tilespmem:s22], [sflag:$0x4] =	stream.linear.gather [hbm4b:s14+s5], $0x80, $0x38;
	[tilespmem:$0x1B910] =	vst v63  }
0xa0: {  	_ =	swait.ge [sflag:s21], $0x80  }
0xa1: {  	[sflag:s21] =	ssyncset.done $0x0  }
0xa2: {  	[sflag:s21] =	ssyncadd.s32 $0xFFFFFF80  }
0xa3: {  	[tilespmem:s25], [sflag:$0x1] =	stream.indirect.gather [hbm4b:s6+s23], $0x10, s5, s23, $0xb8;
	[tilespmem:$0x1B910] =	vst v63  }
0xa4: {  	_ = 	snop  }
0xa5: {  	[tilespmem:s26], [sflag:$0x2] =	stream.indirect.gather [hbm4b:s7+s23], $0x10, s22, s23, $0xb8;
	[tilespmem:$0x1B910] =	vst v63  }
0xa6: {  	v6 =	vld [tilespmem:$0x0]  }
0xa7: {  	v7 =	vld [tilespmem:$0x10]  }
0xa8: {  	v8 =	vld [tilespmem:$0x20]  }
0xa9: {  	v9 =	vld [tilespmem:$0x30]  }
0xaa: {  	v10 =	vld [tilespmem:$0x40]  }
0xab: {  	v11 =	vld [tilespmem:$0x50];
	v6 =	vadd.s32 v3, v6  }
0xac: {  	[tilespmem:$0x80] =	vst v6;
	v6 =	vadd.s32 v3, v7;
	v7 =	vld [tilespmem:$0x60]  }
0xad: {  	[tilespmem:$0x90] =	vst v6;
	v6 =	vadd.s32 v3, v8;
	v8 =	vld [tilespmem:$0x70]  }
0xae: {  	[tilespmem:$0xA0] =	vst v6;
	v6 =	vadd.s32 v3, v9  }
0xaf: {  	[tilespmem:$0xB0] =	vst v6;
	v6 =	vadd.s32 v3, v10  }
0xb0: {  	[tilespmem:$0xC0] =	vst v6;
	v6 =	vadd.s32 v3, v11  }
0xb1: {  	[tilespmem:$0xD0] =	vst v6;
	v6 =	vadd.s32 v3, v7  }
0xb2: {  	[tilespmem:$0xE0] =	vst v6;
	v6 =	vadd.s32 v3, v8  }
0xb3: {  	[tilespmem:$0xF0] =	vst v6  }
0xb4: {  	[tilespmem:s28], [sflag:$0x3] =	stream.indirect.gather [hbm4b:s1+s23], $0x80, s23, s23, $0xb8;
	[tilespmem:$0x1B910] =	vst v63  }
0xb5: {  	_ =	swait.ge [sflag:s29], $0x800  }
0xb6: {  	[sflag:s29] =	ssyncset.done $0x0  }
0xb7: {  	[sflag:s29] =	ssyncadd.s32 $0xFFFFF800  }
0xb8: {  	_ =	swait.ge [sflag:s30], $0x800  }
0xb9: {  	[sflag:s30] =	ssyncset.done $0x0  }
0xba: {  	[sflag:s30] =	ssyncadd.s32 $0xFFFFF800  }
0xbb: {  	_ =	swait.ge [sflag:s31], $0x4000  }
0xbc: {  	[sflag:s31] =	ssyncset.done $0x0  }
0xbd: {  	s17 =	simm.s32 $0x0;
	[sflag:s31] =	ssyncadd.s32 $0xFFFFC000  }
0xbe: {  	v6 =	vld [tilespmem:s17+$0x180]  }
0xbf: {  	v7 =	vld [tilespmem:s17+$0x980];
	_ =	sdelay $0x4  }
0xc0: {  	v6 =	vadd.f32 v7, v6;
	_ =	sdelay $0x1  }
0xc1: {  	v7 =	vmul.f32 $2.000000030e-01, v6;
	_ =	sdelay $0x1  }
0xc2: {  	v6 =	vmax.f32 v6, v7  }
0xc3: {  	v6 =	vmul.f32 $1.442695020e+00, v6;
	_ =	sdelay $0x1  }
0xc4: {  	(erf) = vpow2.f32 v6;
	_ =	sdelay $0x8  }
0xc5: {  	v7 =	vpop (erf)  }
0xc6: {  	s14 =	simm.s32 $0x19C0;
	[tilespmem:s17+$0x1180] =	vst v7  }
0xc7: {  	v11 =	vld [tilespmem:s14+$0xFFFFFFC0]  }
0xc8: {  	v10 =	vld [tilespmem:s14+$0xFFFFFFD0]  }
0xc9: {  	v9 =	vld [tilespmem:s14+$0xFFFFFFE0]  }
0xca: {  	s16 =	simm.s32 $0x19C0;
	s15 =	simm.s32 $0x40;
	v6 =	vperm.xlane v7, v4;
	v8 =	vld [tilespmem:s14+$0xFFFFFFF0]  }
.LBB2_7:
0xcb: {  	p2 =	sne.s32 s15, $0x1FC0  }
0xcc: {  	v12 =	vld [tilespmem:s14+$0x0];
	s16 =	sadd.s32 $0x80, s16;
	s17 =	smov.u32 s15;
	s15 =	sadd.s32 $0x40, s15  }
0xcd: {  	v11 =	vmul.f32 v11, v6;
	v13 =	vld [tilespmem:s14+$0x10]  }
0xce: {  	v10 =	vmul.f32 v10, v6;
	v14 =	vld [tilespmem:s14+$0x20]  }
0xcf: {  	v7 =	vperm.xlane v7, v5;
	[tilespmem:s14+$0xFFFFFFC0] =	vst v11;
	v9 =	vmul.f32 v9, v6;
	v11 =	vld [tilespmem:s14+$0x30]  }
0xd0: {  	[tilespmem:s14+$0xFFFFFFD0] =	vst v10;
	v6 =	vmul.f32 v8, v6  }
0xd1: {  	[tilespmem:s14+$0xFFFFFFE0] =	vst v9;
	v8 =	vmul.f32 v12, v7  }
0xd2: {  	[tilespmem:s14+$0xFFFFFFF0] =	vst v6;
	v6 =	vmul.f32 v13, v7  }
0xd3: {  	[tilespmem:s14+$0x0] =	vst v8;
	v8 =	vmul.f32 v14, v7  }
0xd4: {  	s17 =	sshra.s32 s17, $0x2;
	[tilespmem:s14+$0x10] =	vst v6;
	v6 =	vmul.f32 v11, v7  }
0xd5: {  	[tilespmem:s14+$0x20] =	vst v8  }
0xd6: {  	[tilespmem:s14+$0x30] =	vst v6;
	s14 =	smov.u32 s16  }
0xd7: {  	v6 =	vld [tilespmem:s17+$0x180]  }
0xd8: {  	v7 =	vld [tilespmem:s17+$0x980];
	_ =	sdelay $0x4  }
0xd9: {  	v6 =	vadd.f32 v7, v6;
	_ =	sdelay $0x1  }
0xda: {  	v7 =	vmul.f32 $2.000000030e-01, v6;
	_ =	sdelay $0x1  }
0xdb: {  	v6 =	vmax.f32 v6, v7  }
0xdc: {  	v6 =	vmul.f32 $1.442695020e+00, v6;
	_ =	sdelay $0x1  }
0xdd: {  	(erf) = vpow2.f32 v6;
	_ =	sdelay $0x8  }
0xde: {  	v7 =	vpop (erf)  }
.Ltmp2:
0xdf: {  	[tilespmem:s17+$0x1180] =	vst v7;
	v6 =	vperm.xlane v7, v4;
	(pc) =	sbr.rel @p2 .LBB2_7-.Ltmp2, $4  }
0xe0: {  	v11 =	vld [tilespmem:s16+$0xFFFFFFC0]  }
0xe1: {  	v10 =	vld [tilespmem:s16+$0xFFFFFFD0]  }
0xe2: {  	v9 =	vld [tilespmem:s16+$0xFFFFFFE0]  }
0xe3: {  	v8 =	vld [tilespmem:s16+$0xFFFFFFF0]  }
0xe4: {  	v12 =	vld [tilespmem:s14+$0x0]  }
0xe5: {  	v13 =	vld [tilespmem:s14+$0x10];
	v11 =	vmul.f32 v11, v6  }
0xe6: {  	v14 =	vld [tilespmem:s14+$0x20];
	v10 =	vmul.f32 v10, v6  }
0xe7: {  	v7 =	vperm.xlane v7, v5;
	v61 =	vld [tilespmem:s14+$0x30];
	[tilespmem:s14+$0xFFFFFFC0] =	vst v11;
	v9 =	vmul.f32 v9, v6  }
0xe8: {  	[tilespmem:s14+$0xFFFFFFD0] =	vst v10;
	v6 =	vmul.f32 v8, v6  }
0xe9: {  	[tilespmem:s14+$0xFFFFFFE0] =	vst v9;
	v62 =	vmul.f32 v12, v7  }
0xea: {  	[tilespmem:s14+$0xFFFFFFF0] =	vst v6;
	v6 =	vmul.f32 v13, v7  }
0xeb: {  	v63 =	vmul.f32 v14, v7;
	[tilespmem:s14+$0x0] =	vst v62  }
0xec: {  	s11 =	sadd.s32 $0x1, s11;
	[tilespmem:s14+$0x10] =	vst v6;
	v6 =	vmul.f32 v61, v7  }
0xed: {  	p2 =	sne.s32 s11, s12;
	[tilespmem:s14+$0x20] =	vst v63  }
.Ltmp3:
0xee: {  	[tilespmem:s14+$0x30] =	vst v6;
	(pc) =	sbr.rel @p2 .LBB2_6-.Ltmp3, $4  }
0xef: {  	[spmem:s2] =	stream.indirect.scatter.add.f32 [tilespmem:s28], [sflag:$0x4], $0x80, s22, s23, $0xb8;
	[tilespmem:$0x1B910] =	vst v63  }
0xf0: {  	_ =	swait.ge [sflag:s21], $0x4000  }
0xf1: {  	[sflag:s21] =	ssyncset.done $0x0  }
0xf2: {  	[sflag:s21] =	ssyncadd.s32 $0xFFFFC000  }
0xf3: {  	[bflag:$0x0] =	sbarrier.arrive $0xFFFF  }
0xf4: {  	s5 =	rddreg [dreg:$0x7]  }
0xf5: {  	[hbm:s5], [sflag:s18] =	dma.local @!p0 [spmem:s19], $0x3E80  }
0xf6: {  	s5 =	simm.s32 @!p0 $0x4  }
0xf7: {  	_ =	swait.ge @!p0 [sflag:s5], $0x3E80  }
0xf8: {  	s4 =	sadd.s32 $0x1, s4;
	s17 =	rddreg [dreg:$0x9]  }
0xf9: {  	p2 =	sne.s32 s4, s17  }
.Ltmp4:
0xfa: {  	_ = 	snop;
	(pc) =	sbr.rel @p2 .LBB2_1-.Ltmp4, $3  }
0xfb: {  	[sflag:s5] =	ssyncset.done @!p0 $0x0  }
0xfc: {  	[sflag:s5] =	ssyncadd.s32 @!p0 $0xFFFFC180  }
0xfd: {  	[bflag:$0x0] =	sbarrier.arrive $0xFFFF;
	_ =	sdelay $0x1  }
0xfe: {  	_ =	sfence.sel $0x180000  }
0xff: {  	[bflag:$0x0] =	sbarrier.arrive $0xFFFF  }
0x100: {  	_ =	strace $0x9000004A  }
0x101: {  	s0 =	stileid.u32;
	[bflag:$0x2] =	sbarrier.arrive $0xFFFF  }
0x102: {  	p0 =	sne.s32 s0, $0x0;
	s0 =	rddreg [dreg:$0x4]  }
0x103: {  	s0 =	sadd.s32 @!p0 $0x100000, s0  }
0x104: {  	[sflag:s0] =	ssyncadd.tile.s32 @!p0 $0x1;
	_ =	shalt  }
.Lfunc_end2:
_tile_overlayer_lowered:
.L_overlay_start_2:
0x105: {  	(tag) =	ssettag $0x2  }
0x106: {  	s0 =	rddreg [dreg:$0x0];
	s2 =	stileid.u32  }
0x107: {  	s1 =	rddreg [dreg:$0x1];
	p0 =	sne.s32 s2, $0x0  }
0x108: {  	s3 =	rddreg [dreg:$0x2];
	[bflag:$0x3] =	sbarrier.arrive $0xFFFF;
	s2 =	simm.s32 @!p0 $0x1C04  }
0x109: {  	[timem:s3], [sflag:s2] =	dma.local @!p0 [hbm:s0], s1  }
0x10a: {  	s0 =	simm.s32 @!p0 $0x4  }
0x10b: {  	_ =	swait.ge @!p0 [sflag:s0], s1  }
0x10c: {  	s1 =	ssub.s32 @!p0 $0x0, s1;
	[sflag:s0] =	ssyncset.done @!p0 $0x0  }
0x10d: {  	[sflag:s0] =	ssyncadd.s32 @!p0 s1  }
0x10e: {  	[bflag:$0x3] =	sbarrier.arrive $0xFFFF  }
0x10f: {  	_ =	shalt  }

// kernel: kernel.8.cloned.1.call-start
scs
__scs_entry_jumppad:
0x0: {  	(pc) =	sbr.rel $0x88, $3  }
0x1: {  	(tag) =	ssettag $0x0;
	lr =	simm.s32 $0x1  }
0x2: {  	[smem:$0x3F93] =	sst lr;
	_ =	strace $0xD0000000  }
0x3: {  	_ = 	snop  }
0x4: {  	_ = 	snop  }
0x5: {  	_ = 	snop  }
0x6: {  	_ = 	snop  }
0x7: {  	_ = 	snop  }
__scs_overlays_trampoline_lowered:
0x8: {  	[smem:$0x3FA2] =	sst s0  }
0x9: {  	[smem:$0x3FA3] =	sst s1  }
0xa: {  	[smem:$0x3FA4] =	sst s2  }
0xb: {  	[smem:$0x3FA5] =	sst s3  }
0xc: {  	[smem:$0x3FA6] =	sst s4  }
0xd: {  	[smem:$0x3FA7] =	sst s5  }
0xe: {  	[smem:$0x3FA8] =	sst s6  }
0xf: {  	[smem:$0x3FA9] =	sst s7  }
0x10: {  	[smem:$0x3FAA] =	sst s8  }
0x11: {  	[smem:$0x3FAB] =	sst s9;
	s0 =	simm.s32 @!p0 $0x0  }
0x12: {  	s1 =	sld [smem:$0x3F91];
	s0 =	simm.s32 @p0 $0x1  }
0x13: {  	[smem:$0x3FAC] =	sst s0;
	s0 =	simm.s32 @!p1 $0x0  }
0x14: {  	s2 =	sld [smem:$0x3F90];
	s0 =	simm.s32 @p1 $0x1  }
0x15: {  	[smem:$0x3FAD] =	sst s0;
	s0 =	simm.s32 @!p2 $0x0  }
0x16: {  	s3 =	sld [smem:$0x3FDB];
	s0 =	simm.s32 @p2 $0x1  }
0x17: {  	s4 =	simm.s32 $0x1BF5;
	[smem:$0x3FAF] =	sst s0  }
0x18: {  	s0 =	sld [smem:$0x3F92];
	_ =	swait.ge [sflag:s4], $0x0  }
0x19: {  	s7 =	sld [smem:$0x3F93]  }
0x1a: {  	s8 =	sadd.s32 $0xFFFFE003, lr  }
0x1b: {  	s9 =	sadd.s32 $0xFFFFFEF7, lr;
	s5 =	simm.s32 $0xFFFFFFFF;
	p2 =	slt.u32 s8, $0xFFFFF086  }
0x1c: {  	p1 =	slt.u32 s9, $0xF7A;
	s5 =	simm.s32 @!p2 $0x0  }
0x1d: {  	s5 =	simm.s32 @p1 $0x1;
	p0 =	seq.s32 s7, s2  }
0x1e: {  	s7 =	smul.u32 @!p0 $0xF7A, s2;
	p2 =	seq.s32 @!p0 s5, $0x0  }
0x1f: {  	s9 =	smul.u32 $0xF7A, s1;
	s8 =	simm.s32 @!p0 $0x1BF5;
	p2 =	por !p2, p0  }
0x20: {  	[sflag:s8] =	ssyncset.s32 @!p0 $0xFFFFF086;
	s6 =	sadd.s32 @!p0 s3, s7;
	s7 =	simm.s32 @!p0 $0x108  }
0x21: {  	s3 =	sadd.s32 s3, s9;
	s6 =	sadd.s32 @!p0 $0x88, s6;
	s7 =	simm.s32 @p2 $0x1082  }
0x22: {  	[simem:s7], [sflag:s8] =	dma.local @!p0 [hbm:s6], $0xF7A  }
0x23: {  	s9 =	sor.u32 $0xD0000000, s2;
	s6 =	simm.s32 $0x108;
	_ =	swait.ge @!p0 [sflag:s8], $0x0  }
0x24: {  	s3 =	sadd.s32 $0x88, s3;
	s6 =	simm.s32 @!p1 $0x1082;
	[sflag:s4] =	ssyncset.s32 $0xFFFFF086  }
0x25: {  	[simem:s6], [sflag:s4] =	dma.local [hbm:s3], $0xF7A  }
0x26: {  	[smem:$0x3F93] =	sst s1;
	(tag) =	ssettag s2;
	_ =	strace s9  }
0x27: {  	s1 =	sld [smem:$0x3FA3]  }
0x28: {  	s2 =	sld [smem:$0x3FA4]  }
0x29: {  	s4 =	sld [smem:$0x3FA6]  }
0x2a: {  	p0 =	seq.s32 s5, $0x0;
	s5 =	sld [smem:$0x3FA7]  }
0x2b: {  	s6 =	sld [smem:$0x3FA8]  }
0x2c: {  	s7 =	sld [smem:$0x3FA9]  }
0x2d: {  	s3 =	simm.s32 $0x108;
	s8 =	sld [smem:$0x3FAA]  }
0x2e: {  	s3 =	simm.s32 @!p0 $0x1082;
	s9 =	sld [smem:$0x3FAB]  }
0x2f: {  	lr =	sadd.s32 s0, s3;
	s0 =	sld [smem:$0x3FA2]  }
0x30: {  	s3 =	sld [smem:$0x3FA5]  }
0x31: {  	[smem:$0x3FAE] =	sst s10  }
0x32: {  	s10 =	sld [smem:$0x3FAC];
	_ =	sdelay $0x3  }
0x33: {  	p0 =	seq.s32 s10, $0x1;
	s10 =	sld [smem:$0x3FAE];
	_ =	sdelay $0x3  }
0x34: {  	[smem:$0x3FAE] =	sst s10  }
0x35: {  	s10 =	sld [smem:$0x3FAD];
	_ =	sdelay $0x3  }
0x36: {  	p1 =	seq.s32 s10, $0x1;
	s10 =	sld [smem:$0x3FAE];
	_ =	sdelay $0x3  }
0x37: {  	[smem:$0x3FAE] =	sst s10  }
0x38: {  	s10 =	sld [smem:$0x3FAF]  }
0x39: {  	_ = 	snop;
	(pc) =	sbr.ind lr, $3  }
0x3a: {  	_ = 	snop  }
0x3b: {  	_ = 	snop  }
0x3c: {  	p2 =	seq.s32 s10, $0x1;
	s10 =	sld [smem:$0x3FAE]  }
0x3d: {  	_ =	shalt  }
0x3e: {  	_ =	shalt  }
0x3f: {  	_ =	shalt  }
0x40: {  	_ =	shalt  }
0x41: {  	_ =	shalt  }
0x42: {  	_ =	shalt  }
0x43: {  	_ =	shalt  }
0x44: {  	_ =	shalt  }
0x45: {  	_ =	shalt  }
0x46: {  	_ =	shalt  }
0x47: {  	_ =	shalt  }
0x48: {  	_ =	shalt  }
0x49: {  	_ =	shalt  }
0x4a: {  	_ =	shalt  }
0x4b: {  	_ =	shalt  }
0x4c: {  	_ =	shalt  }
0x4d: {  	_ =	shalt  }
0x4e: {  	_ =	shalt  }
0x4f: {  	_ =	shalt  }
0x50: {  	_ =	shalt  }
0x51: {  	_ =	shalt  }
0x52: {  	_ =	shalt  }
0x53: {  	_ =	shalt  }
0x54: {  	_ =	shalt  }
0x55: {  	_ =	shalt  }
0x56: {  	_ =	shalt  }
0x57: {  	_ =	shalt  }
0x58: {  	_ =	shalt  }
0x59: {  	_ =	shalt  }
0x5a: {  	_ =	shalt  }
0x5b: {  	_ =	shalt  }
0x5c: {  	_ =	shalt  }
0x5d: {  	_ =	shalt  }
0x5e: {  	_ =	shalt  }
0x5f: {  	_ =	shalt  }
0x60: {  	_ =	shalt  }
0x61: {  	_ =	shalt  }
0x62: {  	_ =	shalt  }
0x63: {  	_ =	shalt  }
0x64: {  	_ =	shalt  }
0x65: {  	_ =	shalt  }
0x66: {  	_ =	shalt  }
0x67: {  	_ =	shalt  }
0x68: {  	_ =	shalt  }
0x69: {  	_ =	shalt  }
0x6a: {  	_ =	shalt  }
0x6b: {  	_ =	shalt  }
0x6c: {  	_ =	shalt  }
0x6d: {  	_ =	shalt  }
0x6e: {  	_ =	shalt  }
0x6f: {  	_ =	shalt  }
0x70: {  	_ =	shalt  }
0x71: {  	_ =	shalt  }
0x72: {  	_ =	shalt  }
0x73: {  	_ =	shalt  }
0x74: {  	_ =	shalt  }
0x75: {  	_ =	shalt  }
0x76: {  	_ =	shalt  }
0x77: {  	_ =	shalt  }
0x78: {  	_ =	shalt  }
0x79: {  	_ =	shalt  }
0x7a: {  	_ =	shalt  }
0x7b: {  	_ =	shalt  }
0x7c: {  	_ =	shalt  }
0x7d: {  	_ =	shalt  }
0x7e: {  	_ =	shalt  }
0x7f: {  	_ =	shalt  }
0x80: {  	_ =	shalt  }
0x81: {  	_ =	shalt  }
0x82: {  	_ =	shalt  }
0x83: {  	_ =	shalt  }
0x84: {  	_ =	shalt  }
0x85: {  	_ =	shalt  }
0x86: {  	_ =	shalt  }
0x87: {  	_ =	shalt  }
.Lfunc_end0:
.L_simem_size_0:
called_computation.1_lowered:
.L_overlay_start_0:
0x88: {  	s2 =	sld [smem:$0x3FD9]  }
0x89: {  	s3 =	sld [smem:$0x3FFE];
	_ =	sdelay $0x1  }
0x8a: {  	s1 =	srdreg.scid  }
0x8b: {  	s0 =	sand.u32 $0x1, s1  }
0x8c: {  	s14 =	sshll.u32 s0, $0xA;
	s2 =	sadd.s32 s3, s2  }
0x8d: {  	s2 =	sadd.s32 s2, s14  }
0x8e: {  	[smem:$0x3FBA] =	sst s2  }
0x8f: {  	_ = 	snop  }
0x90: {  	s2 =	sld [smem:$0x3FD0];
	_ =	sdelay $0x2  }
0x91: {  	s15 =	simm.s32 $0xB;
	s4 =	simm.s32 $0x10  }
0x92: {  	[smem:s4], [sflag:s15] =	dma.local [hbm:s2], $0x1  }
0x93: {  	_ =	swait.eq [sflag:s15], $0x1  }
0x94: {  	[sflag:s15] =	ssyncset.done $0x0  }
0x95: {  	s16 =	sld [smem:$0x10];
	[sflag:s15] =	ssyncadd.s32 $0xFFFFFFFF  }
0x96: {  	s17 =	sld [smem:$0x11];
	(tm) =	ssettm $0x1  }
0x97: {  	s18 =	sld [smem:$0x3FFB];
	_ =	sdelay $0x3  }
0x98: {  	_ =	strace s18  }
0x99: {  	s4 =	sld [smem:$0x3FFC];
	_ =	sdelay $0x3  }
0x9a: {  	_ =	strace s4  }
0x9b: {  	s4 =	sld [smem:$0x3FFD];
	_ =	sdelay $0x3  }
0x9c: {  	_ =	strace s4  }
0x9d: {  	_ =	strace $0x8FFFFFFF  }
0x9e: {  	s19 =	sld [smem:$0x3FDB];
	_ =	sdelay $0x1  }
0x9f: {  	s5 =	simm.s32 $_scs_section_size  }
0xa0: {  	s6 =	simm.s32 $_size__tile_overlayer_lowered;
	s7 =	simm.s32 $_tile_overlayer_lowered  }
0xa1: {  	s22 =	simm.s32 $0x1BFF;
	s21 =	sshll.u32 s7, $0x1;
	s4 =	sadd.s32 s5, s19  }
0xa2: {  	s8 =	simm.s32 $0x0;
	s20 =	sshll.u32 s6, $0x1;
	s6 =	sadd.s32 s21, s4  }
0xa3: {  	[timem:s8], [sflag:s22] =	dma.local [hbm:s6], s20  }
0xa4: {  	_ =	swait.ge [sflag:s22], s20  }
0xa5: {  	s5 =	ssub.s32 $0x0, s20;
	[sflag:s22] =	ssyncset.done $0x0  }
0xa6: {  	[sflag:s22] =	ssyncadd.s32 s5;
	_ =	sdelay $0x1  }
0xa7: {  	s23 =	simm.s32 $0x1B8B  }
0xa8: {  	_ =	swait.ge [sflag:s23], $0x1  }
0xa9: {  	[sflag:s23] =	ssyncset.done $0x0  }
0xaa: {  	s25 =	simm.s32 $0x1B8E;
	s24 =	sld [smem:$0x3FFE];
	[sflag:s23] =	ssyncadd.s32 $0xFFFFFFFF  }
0xab: {  	s26 =	simm.s32 $execute0_lowered;
	[smem:$0x3FD2] =	sst s25  }
0xac: {  	s6 =	sshll.u32 s26, $0x1;
	_ =	strace $0x80000046;
	[dreg:$0x1] =	wrdreg $0xFFFFFFFF  }
0xad: {  	s28 =	simm.s32 $_size_execute0_lowered;
	s4 =	sadd.s32 s4, s6;
	[dreg:$0x0] =	wrdreg $0x0  }
0xae: {  	s6 =	sshll.u32 s28, $0x1;
	[dreg:$0x2] =	wrdreg s4  }
0xaf: {  	[dreg:$0x3] =	wrdreg s6  }
0xb0: {  	[dreg:$0x4] =	wrdreg $0xC0  }
0xb1: {  	_ =	task [dreg:s8], $0x5FFFF  }
0xb2: {  	[dreg:$0x1] =	wrdreg $0xFFFFFFFF  }
0xb3: {  	[dreg:$0x0] =	wrdreg $0x60  }
0xb4: {  	[dreg:$0x2] =	wrdreg s24  }
0xb5: {  	[dreg:$0x3] =	wrdreg s17  }
0xb6: {  	[dreg:$0x4] =	wrdreg s16  }
0xb7: {  	[dreg:$0x5] =	wrdreg $0x59800  }
0xb8: {  	[dreg:$0x6] =	wrdreg $0x192000  }
0xb9: {  	[dreg:$0x7] =	wrdreg $0xA  }
0xba: {  	_ =	task.clear_ibuf [dreg:s8], $0x8FFFF;
	_ =	strace $0x90000046  }
0xbb: {  	s29 =	simm.s32 $0xA;
	_ =	strace $0x80000048  }
0xbc: {  	_ =	swait.ge [sflag:s29], $0x1  }
0xbd: {  	[sflag:s29] =	ssyncadd.s32 $0xFFFFFFFF  }
0xbe: {  	_ =	strace $0x90000048  }
0xbf: {  	_ =	sfence  }
0xc0: {  	s30 =	sld [smem:$0x0];
	_ =	sdelay $0x2  }
0xc1: {  	s31 =	sshll.u32 s1, $0xD;
	s1 =	sshrl.u32 s1, $0x2  }
0xc2: {  	s3 =	sand.u32 $0x4000, s31;
	s1 =	sadd.s32 s1, s30  }
0xc3: {  	s0 =	sor.u32 s3, s0;
	s1 =	sshll.u32 s1, $0x11  }
0xc4: {  	s0 =	sor.u32 s1, s0  }
0xc5: {  	s0 =	sadd.s32 $0x8F2B, s0  }
0xc6: {  	[sflag:s0] =	ssyncadd.remote.s32 $0x1  }
0xc7: {  	_ =	sfence.sel $0xFFFF  }
0xc8: {  	[dreg:$0x0] =	wrdreg $0xFFFFFFFF;
	(pc) =	sbr.abs _section_cstart, $3  }
0xc9: {  	[dreg:$0x1] =	wrdreg $0xFFFFFFFF  }
0xca: {  	_ =	task.clear_ibuf [dreg:s8], $0x2FFFF;
	_ =	strace $0x9FFFFFFF  }
0xcb: {  	(tm) =	ssettm $0x7FFFFFFF  }
tec
execute0_lowered:
.L_overlay_start_1:
0x0: {  	(tag) =	ssettag $0x1  }
0x1: {  	s0 =	rddreg [dreg:$0x0]  }
0x2: {  	s1 =	rddreg [dreg:$0x1]  }
0x3: {  	s5 =	rddreg [dreg:$0x2]  }
0x4: {  	s2 =	rddreg [dreg:$0x3]  }
0x5: {  	s3 =	rddreg [dreg:$0x4];
	s4 =	simm.s32 $0x0  }
0x6: {  	s24 =	stileid.u32;
	s10 =	srdreg.scid;
	s28 =	simm.s32 $0x1980  }
0x7: {  	s29 =	simm.s32 $0x1;
	s31 =	simm.s32 $0x3;
	[smem:$0x7FF] =	sst s4  }
0x8: {  	s6 =	sadd.s32 $0x11A00, s0;
	s7 =	sadd.s32 $0xCA00, s0;
	s11 =	smul.u32 $0x3E80, s24  }
0x9: {  	s8 =	sadd.s32 $0x7A00, s0;
	s9 =	sadd.s32 $0x2A00, s0;
	s16 =	smul.u32 $0x4E, s24  }
0xa: {  	s14 =	sand.u32 $0x1, s10;
	s10 =	sadd.s32 $0x17200, s0;
	s17 =	smul.u32 $0x7D000, s24  }
0xb: {  	s12 =	sadd.s32 $0x16A00, s0;
	p0 =	slt.u32 s24, $0x2;
	s18 =	smul.u32 $0xFA00, s24  }
0xc: {  	s22 =	smin.u32 s24, $0x2;
	s23 =	smul.u32 $0x3E8, s24;
	_ =	strace $0x80000047  }
0xd: {  	[dreg:$0x6] =	wrdreg s12;
	s21 =	ssub.s32 $0x2, s14;
	s19 =	sshllo.u32 s14, $0x1  }
0xe: {  	s12 =	simm.s32 $0x4F;
	s20 =	smul.u32 $0x4E200, s14;
	s13 =	sshrl.u32 s11, $0x3  }
0xf: {  	s15 =	sshrl.u32 s21, $0x1;
	s30 =	smul.u32 $0x2710, s19;
	s12 =	simm.s32 @!p0 $0x4E  }
0x10: {  	s17 =	sshrl.u32 s17, $0x2;
	s25 =	sshrl.u32 s18, $0x2;
	p0 =	sgt.u32 s24, $0x9  }
0x11: {  	s0 =	sadd.s32 s13, s0;
	s15 =	ssub.s32 s21, s15;
	s13 =	sadd.s32 s22, s16  }
0x12: {  	s21 =	sshll.u32 s14, $0x2;
	s22 =	sadd.s32 s17, s2;
	s26 =	sadd.s32 s11, s20  }
0x13: {  	p1 =	sne.s32 @!p0 s14, $0x0;
	s16 =	sadd.s32 s23, s30;
	s23 =	sadd.s32 s25, s3  }
0x14: {  	s17 =	sadd.s32 s5, s26;
	s0 =	sadd.s32 $0x1B200, s0;
	s25 =	sshllo.u32 s19, $0x1  }
0x15: {  	s15 =	smax.u32 s15, $0x1;
	s26 =	sor.u32 $0x1, s21;
	p1 =	por p1, p0  }
0x16: {  	v1 =	vmov s21;
	s21 =	simm.s32 $0x4;
	s16 =	sshll.u32 s16, $0x4;
	[dreg:$0x7] =	wrdreg s17  }
0x17: {  	[dreg:$0x9] =	wrdreg s0;
	s0 =	sadd.s32 s11, s3;
	s17 =	sshll.u32 s19, $0x1  }
0x18: {  	[dreg:$0xa] =	wrdreg s15;
	s19 =	sshrl.u32 @!p0 s22, $0x3;
	s20 =	sshrl.u32 @!p0 s23, $0x3  }
0x19: {  	s22 =	simm.s32 $0x100;
	v3 =	vmov s25;
	s23 =	simm.s32 $0x80;
	s25 =	simm.s32 $0x180  }
0x1a: {  	v2 =	vmov s26;
	v1 =	vbroadcast v1, $0x0;
	s26 =	simm.s32 $0x980;
	s5 =	sadd.s32 s5, s16;
	s16 =	smul.u32 $0x4E20, s14;
	v4 =	vmov s17  }
0x1b: {  	s14 =	sshll.u32 @!p0 s24, $0x6;
	s24 =	sshrl.u32 @!p1 s0, $0x3;
	v2 =	vbroadcast v2, $0x0;
	v5 =	vand.u32 $0xF, v3;
	v3 =	vmov s30;
	s30 =	simm.s32 $0x2  }
0x1c: {  	s0 =	simm.s32 $0x1180;
	[dreg:$0x8] =	wrdreg s5;
	s18 =	sor.u32 @!p0 $0x1C04, s14;
	v4 =	vbroadcast v4, $0x0;
	v5 =	vbroadcast v5, $0x0;
	v0 =	vmov s16  }
.LBB2_1:
0x1d: {  	[spmem:s19], [sflag:s18] =	dma.local @!p0 [hbm:s10], $0x3E80  }
0x1e: {  	s5 =	simm.s32 @!p0 $0x4  }
0x1f: {  	_ =	swait.ge @!p0 [sflag:s5], $0x3E80  }
0x20: {  	[sflag:s5] =	ssyncset.done @!p0 $0x0  }
0x21: {  	s11 =	rddreg [dreg:$0x6];
	[sflag:s5] =	ssyncadd.s32 @!p0 $0xFFFFC180  }
0x22: {  	[spmem:s20], [sflag:s18] =	dma.local @!p0 [hbm:s11], $0x7D0  }
0x23: {  	_ =	swait.ge @!p0 [sflag:s5], $0x7D0  }
0x24: {  	[sflag:s5] =	ssyncset.done @!p0 $0x0  }
0x25: {  	[sflag:s5] =	ssyncadd.s32 @!p0 $0xFFFFF830  }
0x26: {  	s5 =	simm.s32 $0x0;
	[bflag:$0x0] =	sbarrier.arrive $0xFFFF  }
.LBB2_2:
0x27: {  	s11 =	sadd.s32 s13, s5  }
0x28: {  	s11 =	sshll.u32 s11, $0x4  }
0x29: {  	s15 =	simm.s32 $0x0;
	s14 =	sadd.s32 s8, s11  }
0x2a: {  	[tilespmem:s15], [sflag:$0x4] =	stream.linear.gather [hbm4b:s14+s15], $0x80, $0x38;
	[tilespmem:$0x1B910] =	vst v63  }
0x2b: {  	_ =	swait.ge [sflag:s21], $0x80  }
0x2c: {  	[sflag:s21] =	ssyncset.done $0x0  }
0x2d: {  	s11 =	sadd.s32 s9, s11;
	[sflag:s21] =	ssyncadd.s32 $0xFFFFFF80  }
0x2e: {  	[tilespmem:s22], [sflag:$0x4] =	stream.linear.gather [hbm4b:s11+s15], $0x80, $0x38;
	[tilespmem:$0x1B910] =	vst v63  }
0x2f: {  	_ =	swait.ge [sflag:s21], $0x80  }
0x30: {  	[sflag:s21] =	ssyncset.done $0x0  }
0x31: {  	[sflag:s21] =	ssyncadd.s32 $0xFFFFFF80  }
0x32: {  	[tilespmem:s25], [sflag:$0x1] =	stream.indirect.gather [hbm4b:s6+s23], $0x10, s15, s23, $0xb8;
	[tilespmem:$0x1B910] =	vst v63  }
0x33: {  	_ = 	snop  }
0x34: {  	[tilespmem:s26], [sflag:$0x2] =	stream.indirect.gather [hbm4b:s7+s23], $0x10, s22, s23, $0xb8;
	[tilespmem:$0x1B910] =	vst v63  }
0x35: {  	v6 =	vld [tilespmem:$0x0]  }
0x36: {  	v7 =	vld [tilespmem:$0x10]  }
0x37: {  	v8 =	vld [tilespmem:$0x20]  }
0x38: {  	v9 =	vld [tilespmem:$0x30]  }
0x39: {  	v10 =	vld [tilespmem:$0x40]  }
0x3a: {  	v11 =	vld [tilespmem:$0x50];
	v6 =	vadd.s32 v0, v6  }
0x3b: {  	[tilespmem:$0x80] =	vst v6;
	v6 =	vadd.s32 v0, v7;
	v7 =	vld [tilespmem:$0x60]  }
0x3c: {  	[tilespmem:$0x90] =	vst v6;
	v6 =	vadd.s32 v0, v8;
	v8 =	vld [tilespmem:$0x70]  }
0x3d: {  	[tilespmem:$0xA0] =	vst v6;
	v6 =	vadd.s32 v0, v9  }
0x3e: {  	[tilespmem:$0xB0] =	vst v6;
	v6 =	vadd.s32 v0, v10  }
0x3f: {  	[tilespmem:$0xC0] =	vst v6;
	v6 =	vadd.s32 v0, v11  }
0x40: {  	[tilespmem:$0xD0] =	vst v6;
	v6 =	vadd.s32 v0, v7  }
0x41: {  	[tilespmem:$0xE0] =	vst v6;
	v6 =	vadd.s32 v0, v8  }
0x42: {  	[tilespmem:$0xF0] =	vst v6  }
0x43: {  	[tilespmem:s28], [sflag:$0x3] =	stream.indirect.gather [hbm4b:s1+s23], $0x80, s23, s23, $0xb8;
	[tilespmem:$0x1B910] =	vst v63  }
0x44: {  	_ =	swait.ge [sflag:s29], $0x800  }
0x45: {  	[sflag:s29] =	ssyncset.done $0x0  }
0x46: {  	[sflag:s29] =	ssyncadd.s32 $0xFFFFF800  }
0x47: {  	_ =	swait.ge [sflag:s30], $0x800  }
0x48: {  	[sflag:s30] =	ssyncset.done $0x0  }
0x49: {  	[sflag:s30] =	ssyncadd.s32 $0xFFFFF800  }
0x4a: {  	_ =	swait.ge [sflag:s31], $0x4000  }
0x4b: {  	[sflag:s31] =	ssyncset.done $0x0  }
0x4c: {  	s17 =	simm.s32 $0x0;
	[sflag:s31] =	ssyncadd.s32 $0xFFFFC000  }
0x4d: {  	v6 =	vld [tilespmem:s17+$0x180]  }
0x4e: {  	v7 =	vld [tilespmem:s17+$0x980];
	_ =	sdelay $0x4  }
0x4f: {  	v6 =	vadd.f32 v7, v6;
	_ =	sdelay $0x1  }
0x50: {  	v7 =	vmul.f32 $2.000000030e-01, v6;
	_ =	sdelay $0x1  }
0x51: {  	v6 =	vmax.f32 v6, v7  }
0x52: {  	v6 =	vmul.f32 $1.442695020e+00, v6;
	_ =	sdelay $0x1  }
0x53: {  	(erf) = vpow2.f32 v6;
	_ =	sdelay $0x8  }
0x54: {  	v7 =	vpop (erf)  }
0x55: {  	s11 =	simm.s32 $0x19C0;
	[tilespmem:s17+$0x1180] =	vst v7  }
0x56: {  	v11 =	vld [tilespmem:s11+$0xFFFFFFC0]  }
0x57: {  	v10 =	vld [tilespmem:s11+$0xFFFFFFD0]  }
0x58: {  	v9 =	vld [tilespmem:s11+$0xFFFFFFE0]  }
0x59: {  	s14 =	simm.s32 $0x40;
	s15 =	simm.s32 $0x19C0;
	v6 =	vperm.xlane v7, v1;
	v8 =	vld [tilespmem:s11+$0xFFFFFFF0]  }
.LBB2_3:
0x5a: {  	p2 =	sne.s32 s14, $0x1FC0  }
0x5b: {  	v12 =	vld [tilespmem:s11+$0x0];
	s15 =	sadd.s32 $0x80, s15;
	s16 =	smov.u32 s14;
	s14 =	sadd.s32 $0x40, s14  }
0x5c: {  	v11 =	vmul.f32 v11, v6;
	v13 =	vld [tilespmem:s11+$0x10]  }
0x5d: {  	v10 =	vmul.f32 v10, v6;
	v14 =	vld [tilespmem:s11+$0x20]  }
0x5e: {  	v7 =	vperm.xlane v7, v2;
	[tilespmem:s11+$0xFFFFFFC0] =	vst v11;
	v9 =	vmul.f32 v9, v6;
	v11 =	vld [tilespmem:s11+$0x30]  }
0x5f: {  	[tilespmem:s11+$0xFFFFFFD0] =	vst v10;
	v6 =	vmul.f32 v8, v6  }
0x60: {  	[tilespmem:s11+$0xFFFFFFE0] =	vst v9;
	v8 =	vmul.f32 v12, v7  }
0x61: {  	[tilespmem:s11+$0xFFFFFFF0] =	vst v6;
	v6 =	vmul.f32 v13, v7  }
0x62: {  	[tilespmem:s11+$0x0] =	vst v8;
	v8 =	vmul.f32 v14, v7  }
0x63: {  	s16 =	sshra.s32 s16, $0x2;
	[tilespmem:s11+$0x10] =	vst v6;
	v6 =	vmul.f32 v11, v7  }
0x64: {  	[tilespmem:s11+$0x20] =	vst v8  }
0x65: {  	[tilespmem:s11+$0x30] =	vst v6;
	s11 =	smov.u32 s15  }
0x66: {  	v6 =	vld [tilespmem:s16+$0x180]  }
0x67: {  	v7 =	vld [tilespmem:s16+$0x980];
	_ =	sdelay $0x4  }
0x68: {  	v6 =	vadd.f32 v7, v6;
	_ =	sdelay $0x1  }
0x69: {  	v7 =	vmul.f32 $2.000000030e-01, v6;
	_ =	sdelay $0x1  }
0x6a: {  	v6 =	vmax.f32 v6, v7  }
0x6b: {  	v6 =	vmul.f32 $1.442695020e+00, v6;
	_ =	sdelay $0x1  }
0x6c: {  	(erf) = vpow2.f32 v6;
	_ =	sdelay $0x8  }
0x6d: {  	v7 =	vpop (erf)  }
.Ltmp0:
0x6e: {  	[tilespmem:s16+$0x1180] =	vst v7;
	v6 =	vperm.xlane v7, v1;
	(pc) =	sbr.rel @p2 .LBB2_3-.Ltmp0, $4  }
0x6f: {  	v11 =	vld [tilespmem:s15+$0xFFFFFFC0]  }
0x70: {  	v10 =	vld [tilespmem:s15+$0xFFFFFFD0]  }
0x71: {  	v9 =	vld [tilespmem:s15+$0xFFFFFFE0]  }
0x72: {  	v8 =	vld [tilespmem:s15+$0xFFFFFFF0]  }
0x73: {  	v12 =	vld [tilespmem:s11+$0x0]  }
0x74: {  	v13 =	vld [tilespmem:s11+$0x10];
	v11 =	vmul.f32 v11, v6  }
0x75: {  	v14 =	vld [tilespmem:s11+$0x20];
	v10 =	vmul.f32 v10, v6  }
0x76: {  	v7 =	vperm.xlane v7, v2;
	v61 =	vld [tilespmem:s11+$0x30];
	[tilespmem:s11+$0xFFFFFFC0] =	vst v11;
	v9 =	vmul.f32 v9, v6  }
0x77: {  	[tilespmem:s11+$0xFFFFFFD0] =	vst v10;
	v6 =	vmul.f32 v8, v6  }
0x78: {  	[tilespmem:s11+$0xFFFFFFE0] =	vst v9;
	v62 =	vmul.f32 v12, v7  }
0x79: {  	[tilespmem:s11+$0xFFFFFFF0] =	vst v6;
	v6 =	vmul.f32 v13, v7  }
0x7a: {  	v63 =	vmul.f32 v14, v7;
	[tilespmem:s11+$0x0] =	vst v62  }
0x7b: {  	[tilespmem:s11+$0x10] =	vst v6;
	v6 =	vmul.f32 v61, v7  }
0x7c: {  	[tilespmem:s11+$0x20] =	vst v63  }
0x7d: {  	[tilespmem:s11+$0x30] =	vst v6  }
0x7e: {  	[spmem:s3] =	stream.indirect.scatter.add.f32 [tilespmem:s0], [sflag:$0x4], $0x10, s22, s23, $0xb8;
	[tilespmem:$0x1B910] =	vst v63  }
0x7f: {  	s5 =	sadd.s32 $0x1, s5;
	_ =	swait.ge [sflag:s21], $0x800  }
0x80: {  	p2 =	sne.s32 s5, s12;
	[sflag:s21] =	ssyncset.done $0x0  }
.Ltmp1:
0x81: {  	[sflag:s21] =	ssyncadd.s32 $0xFFFFF800;
	(pc) =	sbr.rel @p2 .LBB2_2-.Ltmp1, $4  }
0x82: {  	[spmem:s2] =	stream.indirect.scatter.add.f32 [tilespmem:s28], [sflag:$0x4], $0x80, s22, s23, $0xb8;
	[tilespmem:$0x1B910] =	vst v63  }
0x83: {  	_ =	swait.ge [sflag:s21], $0x4000  }
0x84: {  	[sflag:s21] =	ssyncset.done $0x0  }
0x85: {  	[sflag:s21] =	ssyncadd.s32 $0xFFFFC000  }
0x86: {  	[bflag:$0x0] =	sbarrier.arrive $0xFFFF  }
0x87: {  	[bflag:$0x0] =	sbarrier.arrive @p0 $0xFFFF  }
0x88: {  	s5 =	rddreg [dreg:$0x7]  }
0x89: {  	[hbm:s5], [sflag:s18] =	dma.local @!p0 [spmem:s19], $0x3E80  }
0x8a: {  	s5 =	simm.s32 @!p0 $0x4  }
0x8b: {  	_ =	swait.ge @!p0 [sflag:s5], $0x3E80  }
0x8c: {  	[sflag:s5] =	ssyncset.done @!p0 $0x0  }
0x8d: {  	s11 =	rddreg [dreg:$0x9];
	[sflag:s5] =	ssyncadd.s32 @!p0 $0xFFFFC180  }
0x8e: {  	[hbm:s11], [sflag:s18] =	dma.local @!p1 [spmem:s24], $0x7D0  }
0x8f: {  	s11 =	simm.s32 @!p1 $0x4  }
0x90: {  	_ =	swait.ge @!p1 [sflag:s11], $0x7D0  }
0x91: {  	[sflag:s11] =	ssyncset.done @!p1 $0x0  }
0x92: {  	[sflag:s11] =	ssyncadd.s32 @!p1 $0xFFFFF830  }
0x93: {  	[bflag:$0x0] =	sbarrier.arrive @!p0 $0xFFFF  }
0x94: {  	[spmem:s19], [sflag:s18] =	dma.local @!p0 [hbm:s10], $0x3E80  }
0x95: {  	_ =	swait.ge @!p0 [sflag:s5], $0x3E80  }
0x96: {  	[sflag:s5] =	ssyncset.done @!p0 $0x0  }
0x97: {  	[sflag:s5] =	ssyncadd.s32 @!p0 $0xFFFFC180  }
0x98: {  	s11 =	simm.s32 $0x0;
	s5 =	simm.s32 $0x0;
	[bflag:$0x0] =	sbarrier.arrive $0xFFFF  }
.LBB2_6:
0x99: {  	s14 =	sadd.s32 s13, s11  }
0x9a: {  	s14 =	sshll.u32 s14, $0x4  }
0x9b: {  	s15 =	sadd.s32 s8, s14  }
0x9c: {  	[tilespmem:s5], [sflag:$0x4] =	stream.linear.gather [hbm4b:s15+s5], $0x80, $0x38;
	[tilespmem:$0x1B910] =	vst v63  }
0x9d: {  	_ =	swait.ge [sflag:s21], $0x80  }
0x9e: {  	[sflag:s21] =	ssyncset.done $0x0  }
0x9f: {  	s14 =	sadd.s32 s9, s14;
	[sflag:s21] =	ssyncadd.s32 $0xFFFFFF80  }
0xa0: {  	[tilespmem:s22], [sflag:$0x4] =	stream.linear.gather [hbm4b:s14+s5], $0x80, $0x38;
	[tilespmem:$0x1B910] =	vst v63  }
0xa1: {  	_ =	swait.ge [sflag:s21], $0x80  }
0xa2: {  	[sflag:s21] =	ssyncset.done $0x0  }
0xa3: {  	[sflag:s21] =	ssyncadd.s32 $0xFFFFFF80  }
0xa4: {  	[tilespmem:s25], [sflag:$0x1] =	stream.indirect.gather [hbm4b:s6+s23], $0x10, s5, s23, $0xb8;
	[tilespmem:$0x1B910] =	vst v63  }
0xa5: {  	_ = 	snop  }
0xa6: {  	[tilespmem:s26], [sflag:$0x2] =	stream.indirect.gather [hbm4b:s7+s23], $0x10, s22, s23, $0xb8;
	[tilespmem:$0x1B910] =	vst v63  }
0xa7: {  	v6 =	vld [tilespmem:$0x0]  }
0xa8: {  	v7 =	vld [tilespmem:$0x10]  }
0xa9: {  	v8 =	vld [tilespmem:$0x20]  }
0xaa: {  	v9 =	vld [tilespmem:$0x30]  }
0xab: {  	v10 =	vld [tilespmem:$0x40]  }
0xac: {  	v11 =	vld [tilespmem:$0x50];
	v6 =	vadd.s32 v3, v6  }
0xad: {  	[tilespmem:$0x80] =	vst v6;
	v6 =	vadd.s32 v3, v7;
	v7 =	vld [tilespmem:$0x60]  }
0xae: {  	[tilespmem:$0x90] =	vst v6;
	v6 =	vadd.s32 v3, v8;
	v8 =	vld [tilespmem:$0x70]  }
0xaf: {  	[tilespmem:$0xA0] =	vst v6;
	v6 =	vadd.s32 v3, v9  }
0xb0: {  	[tilespmem:$0xB0] =	vst v6;
	v6 =	vadd.s32 v3, v10  }
0xb1: {  	[tilespmem:$0xC0] =	vst v6;
	v6 =	vadd.s32 v3, v11  }
0xb2: {  	[tilespmem:$0xD0] =	vst v6;
	v6 =	vadd.s32 v3, v7  }
0xb3: {  	[tilespmem:$0xE0] =	vst v6;
	v6 =	vadd.s32 v3, v8  }
0xb4: {  	[tilespmem:$0xF0] =	vst v6  }
0xb5: {  	[tilespmem:s28], [sflag:$0x3] =	stream.indirect.gather [hbm4b:s1+s23], $0x80, s23, s23, $0xb8;
	[tilespmem:$0x1B910] =	vst v63  }
0xb6: {  	_ =	swait.ge [sflag:s29], $0x800  }
0xb7: {  	[sflag:s29] =	ssyncset.done $0x0  }
0xb8: {  	[sflag:s29] =	ssyncadd.s32 $0xFFFFF800  }
0xb9: {  	_ =	swait.ge [sflag:s30], $0x800  }
0xba: {  	[sflag:s30] =	ssyncset.done $0x0  }
0xbb: {  	[sflag:s30] =	ssyncadd.s32 $0xFFFFF800  }
0xbc: {  	_ =	swait.ge [sflag:s31], $0x4000  }
0xbd: {  	[sflag:s31] =	ssyncset.done $0x0  }
0xbe: {  	s17 =	simm.s32 $0x0;
	[sflag:s31] =	ssyncadd.s32 $0xFFFFC000  }
0xbf: {  	v6 =	vld [tilespmem:s17+$0x180]  }
0xc0: {  	v7 =	vld [tilespmem:s17+$0x980];
	_ =	sdelay $0x4  }
0xc1: {  	v6 =	vadd.f32 v7, v6;
	_ =	sdelay $0x1  }
0xc2: {  	v7 =	vmul.f32 $2.000000030e-01, v6;
	_ =	sdelay $0x1  }
0xc3: {  	v6 =	vmax.f32 v6, v7  }
0xc4: {  	v6 =	vmul.f32 $1.442695020e+00, v6;
	_ =	sdelay $0x1  }
0xc5: {  	(erf) = vpow2.f32 v6;
	_ =	sdelay $0x8  }
0xc6: {  	v7 =	vpop (erf)  }
0xc7: {  	s14 =	simm.s32 $0x19C0;
	[tilespmem:s17+$0x1180] =	vst v7  }
0xc8: {  	v11 =	vld [tilespmem:s14+$0xFFFFFFC0]  }
0xc9: {  	v10 =	vld [tilespmem:s14+$0xFFFFFFD0]  }
0xca: {  	v9 =	vld [tilespmem:s14+$0xFFFFFFE0]  }
0xcb: {  	s16 =	simm.s32 $0x19C0;
	s15 =	simm.s32 $0x40;
	v6 =	vperm.xlane v7, v4;
	v8 =	vld [tilespmem:s14+$0xFFFFFFF0]  }
.LBB2_7:
0xcc: {  	p2 =	sne.s32 s15, $0x1FC0  }
0xcd: {  	v12 =	vld [tilespmem:s14+$0x0];
	s16 =	sadd.s32 $0x80, s16;
	s17 =	smov.u32 s15;
	s15 =	sadd.s32 $0x40, s15  }
0xce: {  	v11 =	vmul.f32 v11, v6;
	v13 =	vld [tilespmem:s14+$0x10]  }
0xcf: {  	v10 =	vmul.f32 v10, v6;
	v14 =	vld [tilespmem:s14+$0x20]  }
0xd0: {  	v7 =	vperm.xlane v7, v5;
	[tilespmem:s14+$0xFFFFFFC0] =	vst v11;
	v9 =	vmul.f32 v9, v6;
	v11 =	vld [tilespmem:s14+$0x30]  }
0xd1: {  	[tilespmem:s14+$0xFFFFFFD0] =	vst v10;
	v6 =	vmul.f32 v8, v6  }
0xd2: {  	[tilespmem:s14+$0xFFFFFFE0] =	vst v9;
	v8 =	vmul.f32 v12, v7  }
0xd3: {  	[tilespmem:s14+$0xFFFFFFF0] =	vst v6;
	v6 =	vmul.f32 v13, v7  }
0xd4: {  	[tilespmem:s14+$0x0] =	vst v8;
	v8 =	vmul.f32 v14, v7  }
0xd5: {  	s17 =	sshra.s32 s17, $0x2;
	[tilespmem:s14+$0x10] =	vst v6;
	v6 =	vmul.f32 v11, v7  }
0xd6: {  	[tilespmem:s14+$0x20] =	vst v8  }
0xd7: {  	[tilespmem:s14+$0x30] =	vst v6;
	s14 =	smov.u32 s16  }
0xd8: {  	v6 =	vld [tilespmem:s17+$0x180]  }
0xd9: {  	v7 =	vld [tilespmem:s17+$0x980];
	_ =	sdelay $0x4  }
0xda: {  	v6 =	vadd.f32 v7, v6;
	_ =	sdelay $0x1  }
0xdb: {  	v7 =	vmul.f32 $2.000000030e-01, v6;
	_ =	sdelay $0x1  }
0xdc: {  	v6 =	vmax.f32 v6, v7  }
0xdd: {  	v6 =	vmul.f32 $1.442695020e+00, v6;
	_ =	sdelay $0x1  }
0xde: {  	(erf) = vpow2.f32 v6;
	_ =	sdelay $0x8  }
0xdf: {  	v7 =	vpop (erf)  }
.Ltmp2:
0xe0: {  	[tilespmem:s17+$0x1180] =	vst v7;
	v6 =	vperm.xlane v7, v4;
	(pc) =	sbr.rel @p2 .LBB2_7-.Ltmp2, $4  }
0xe1: {  	v11 =	vld [tilespmem:s16+$0xFFFFFFC0]  }
0xe2: {  	v10 =	vld [tilespmem:s16+$0xFFFFFFD0]  }
0xe3: {  	v9 =	vld [tilespmem:s16+$0xFFFFFFE0]  }
0xe4: {  	v8 =	vld [tilespmem:s16+$0xFFFFFFF0]  }
0xe5: {  	v12 =	vld [tilespmem:s14+$0x0]  }
0xe6: {  	v13 =	vld [tilespmem:s14+$0x10];
	v11 =	vmul.f32 v11, v6  }
0xe7: {  	v14 =	vld [tilespmem:s14+$0x20];
	v10 =	vmul.f32 v10, v6  }
0xe8: {  	v7 =	vperm.xlane v7, v5;
	v61 =	vld [tilespmem:s14+$0x30];
	[tilespmem:s14+$0xFFFFFFC0] =	vst v11;
	v9 =	vmul.f32 v9, v6  }
0xe9: {  	[tilespmem:s14+$0xFFFFFFD0] =	vst v10;
	v6 =	vmul.f32 v8, v6  }
0xea: {  	[tilespmem:s14+$0xFFFFFFE0] =	vst v9;
	v62 =	vmul.f32 v12, v7  }
0xeb: {  	[tilespmem:s14+$0xFFFFFFF0] =	vst v6;
	v6 =	vmul.f32 v13, v7  }
0xec: {  	v63 =	vmul.f32 v14, v7;
	[tilespmem:s14+$0x0] =	vst v62  }
0xed: {  	s11 =	sadd.s32 $0x1, s11;
	[tilespmem:s14+$0x10] =	vst v6;
	v6 =	vmul.f32 v61, v7  }
0xee: {  	p2 =	sne.s32 s11, s12;
	[tilespmem:s14+$0x20] =	vst v63  }
.Ltmp3:
0xef: {  	[tilespmem:s14+$0x30] =	vst v6;
	(pc) =	sbr.rel @p2 .LBB2_6-.Ltmp3, $4  }
0xf0: {  	[spmem:s2] =	stream.indirect.scatter.add.f32 [tilespmem:s28], [sflag:$0x4], $0x80, s22, s23, $0xb8;
	[tilespmem:$0x1B910] =	vst v63  }
0xf1: {  	_ =	swait.ge [sflag:s21], $0x4000  }
0xf2: {  	[sflag:s21] =	ssyncset.done $0x0  }
0xf3: {  	[sflag:s21] =	ssyncadd.s32 $0xFFFFC000  }
0xf4: {  	[bflag:$0x0] =	sbarrier.arrive $0xFFFF  }
0xf5: {  	s5 =	rddreg [dreg:$0x8]  }
0xf6: {  	[hbm:s5], [sflag:s18] =	dma.local @!p0 [spmem:s19], $0x3E80  }
0xf7: {  	s5 =	simm.s32 @!p0 $0x4  }
0xf8: {  	_ =	swait.ge @!p0 [sflag:s5], $0x3E80  }
0xf9: {  	s4 =	sadd.s32 $0x1, s4;
	s17 =	rddreg [dreg:$0xa]  }
0xfa: {  	p2 =	sne.s32 s4, s17  }
.Ltmp4:
0xfb: {  	_ = 	snop;
	(pc) =	sbr.rel @p2 .LBB2_1-.Ltmp4, $3  }
0xfc: {  	[sflag:s5] =	ssyncset.done @!p0 $0x0  }
0xfd: {  	[sflag:s5] =	ssyncadd.s32 @!p0 $0xFFFFC180  }
0xfe: {  	[bflag:$0x0] =	sbarrier.arrive $0xFFFF;
	_ =	sdelay $0x1  }
0xff: {  	_ =	sfence.sel $0x180000  }
0x100: {  	[bflag:$0x0] =	sbarrier.arrive $0xFFFF  }
0x101: {  	_ =	strace $0x90000047  }
0x102: {  	s0 =	stileid.u32;
	[bflag:$0x2] =	sbarrier.arrive $0xFFFF  }
0x103: {  	p0 =	sne.s32 s0, $0x0;
	s0 =	rddreg [dreg:$0x5]  }
0x104: {  	s0 =	sadd.s32 @!p0 $0x100000, s0  }
0x105: {  	[sflag:s0] =	ssyncadd.tile.s32 @!p0 $0x1;
	_ =	shalt  }
.Lfunc_end2:
_tile_overlayer_lowered:
.L_overlay_start_2:
0x106: {  	(tag) =	ssettag $0x2  }
0x107: {  	s0 =	rddreg [dreg:$0x0];
	s2 =	stileid.u32  }
0x108: {  	s1 =	rddreg [dreg:$0x1];
	p0 =	sne.s32 s2, $0x0  }
0x109: {  	s3 =	rddreg [dreg:$0x2];
	[bflag:$0x3] =	sbarrier.arrive $0xFFFF;
	s2 =	simm.s32 @!p0 $0x1C04  }
0x10a: {  	[timem:s3], [sflag:s2] =	dma.local @!p0 [hbm:s0], s1  }
0x10b: {  	s0 =	simm.s32 @!p0 $0x4  }
0x10c: {  	_ =	swait.ge @!p0 [sflag:s0], s1  }
0x10d: {  	s1 =	ssub.s32 @!p0 $0x0, s1;
	[sflag:s0] =	ssyncset.done @!p0 $0x0  }
0x10e: {  	[sflag:s0] =	ssyncadd.s32 @!p0 s1  }
0x10f: {  	[bflag:$0x3] =	sbarrier.arrive $0xFFFF  }
0x110: {  	_ =	shalt  }

</sc_bundles>
